<compile_context>
chip_gen: v7x
topology: tpu7x:2x2x1
jax: 0.10.2.dev20260603
libtpu: 0.0.44.dev20260713+nightly
codegen_flags: <defaults>
</compile_context>

<pallas_src>
import functools

import jax
import jax.numpy as jnp
from jax import lax
from jax.experimental import pallas as pl
from jax.experimental.pallas import tpu as pltpu
from jax.experimental.pallas import tpu_sc as plsc

B, V, E = 1024, 100000, 16

CHV = 32
V_TC = 95904
NCHT = V // CHV
CH0 = V_TC // CHV
N_SC_CH = NCHT - CH0

VC = 2048
NV_TC = (V_TC + VC - 1) // VC

NC, NS = 2, 16
NT = NC * NS
NCH_LO = N_SC_CH // NT
NCH_REM = N_SC_CH - NCH_LO * NT
G = 2
NGB = (B // 16) // G
ER = E * CHV // 128

_sc_mesh = plsc.VectorSubcoreMesh(core_axis_name="c", subcore_axis_name="s")


def _bcast(vec, ilane):
    return lax.gather(
        vec, ilane[:, None],
        lax.GatherDimensionNumbers(offset_dims=(), collapsed_slice_dims=(0,),
                                   start_index_map=(0,)),
        slice_sizes=(1,),
        mode=lax.GatherScatterMode.PROMISE_IN_BOUNDS)


@functools.partial(
    pl.kernel,
    out_type=jax.ShapeDtypeStruct((NT, E, B), jnp.float32),
    mesh=_sc_mesh,
    scratch_types=[
        pltpu.VMEM((E, B), jnp.float32),
        pltpu.VMEM((2, CHV, B), jnp.float32),
        pltpu.VMEM((2, ER, 128), jnp.float32),
        pltpu.SemaphoreType.DMA,
        pltpu.SemaphoreType.DMA,
        pltpu.SemaphoreType.DMA,
        pltpu.SemaphoreType.DMA,
    ],
)
def _sc_embed(emb_c_hbm, x_t_hbm, out_hbm, acc_ref, x_ref, e_ref,
              xsem0, xsem1, esem0, esem1):
    wid = lax.axis_index("s") * NC + lax.axis_index("c")
    base_ch = CH0 + wid * NCH_LO + jnp.minimum(wid, NCH_REM)
    n_ch = NCH_LO + jnp.where(wid < NCH_REM, 1, 0)

    def _start(c, buf, xsem, esem):
        j = base_ch + c
        pltpu.async_copy(x_t_hbm.at[pl.ds(j * CHV, CHV), :],
                         x_ref.at[buf], xsem)
        pltpu.async_copy(emb_c_hbm.at[j - CH0], e_ref.at[buf], esem)

    def _start_p(c, buf):
        @pl.when(buf == 0)
        def _():
            _start(c, 0, xsem0, esem0)

        @pl.when(buf == 1)
        def _():
            _start(c, 1, xsem1, esem1)

    def _wait_p(buf):
        @pl.when(buf == 0)
        def _():
            pltpu.make_async_copy(x_t_hbm.at[pl.ds(0, CHV), :],
                                  x_ref.at[0], xsem0).wait()
            pltpu.make_async_copy(emb_c_hbm.at[0], e_ref.at[0], esem0).wait()

        @pl.when(buf == 1)
        def _():
            pltpu.make_async_copy(x_t_hbm.at[pl.ds(0, CHV), :],
                                  x_ref.at[1], xsem1).wait()
            pltpu.make_async_copy(emb_c_hbm.at[0], e_ref.at[1], esem1).wait()

    zero = jnp.zeros((16,), jnp.float32)

    def _zero(g, carry):
        for e in range(E):
            acc_ref[e, pl.ds(g * 16, 16)] = zero
        return carry

    _start_p(0, 0)
    lax.fori_loop(0, B // 16, _zero, 0)

    def _chunk(c, carry):
        buf = lax.rem(c, 2)

        @pl.when(c + 1 < n_ch)
        def _():
            _start_p(c + 1, 1 - buf)

        _wait_p(buf)

        def _gblk(gb, carry2):
            b0 = gb * (G * 16)
            accs = tuple(acc_ref[e, pl.ds(b0 + g * 16, 16)]
                         for e in range(E) for g in range(G))

            for vb in range(CHV // 16):

                def _v(v, accs, vb=vb):
                    ilane = jnp.full((16,), v - vb * 16, jnp.int32)
                    xvs = [x_ref[buf, v, pl.ds(b0 + g * 16, 16)]
                           for g in range(G)]
                    new = []
                    i = 0
                    for e in range(E):
                        ev = e_ref[buf, (e * CHV + vb * 16) // 128,
                                   pl.ds((e * CHV + vb * 16) % 128, 16)]
                        s = _bcast(ev, ilane)
                        for g in range(G):
                            new.append(accs[i] + xvs[g] * s)
                            i += 1
                    return tuple(new)

                accs = lax.fori_loop(vb * 16, vb * 16 + 16, _v, accs)

            i = 0
            for e in range(E):
                for g in range(G):
                    acc_ref[e, pl.ds(b0 + g * 16, 16)] = accs[i]
                    i += 1
            return carry2

        lax.fori_loop(0, NGB, _gblk, 0)
        return carry

    lax.fori_loop(0, n_ch, _chunk, 0)

    pltpu.sync_copy(acc_ref, out_hbm.at[wid])


def _tc_body(e_ref, x_ref, o_ref):
    k = pl.program_id(0)

    @pl.when(k == 0)
    def _():
        o_ref[...] = jnp.zeros_like(o_ref)

    col = jax.lax.broadcasted_iota(jnp.int32, (E, VC), 1)
    em = jnp.where(k * VC + col < V_TC, e_ref[...], 0.0)
    o_ref[...] += jnp.dot(em, x_ref[...], preferred_element_type=jnp.float32)


def _tc_matmul(emb_t, x_t):
    return pl.pallas_call(
        _tc_body,
        grid=(NV_TC,),
        in_specs=[
            pl.BlockSpec((E, VC), lambda k: (0, k)),
            pl.BlockSpec((VC, B), lambda k: (k, 0)),
        ],
        out_specs=pl.BlockSpec((E, B), lambda k: (0, 0)),
        out_shape=jax.ShapeDtypeStruct((E, B), jnp.float32),
        compiler_params=pltpu.CompilerParams(
            dimension_semantics=("arbitrary",),
        ),
    )(emb_t, x_t)


@jax.jit
def kernel(x, embedding):
    emb_c = (embedding.T[:, V_TC:].reshape(E, N_SC_CH, CHV).transpose(1, 0, 2)
             .reshape(N_SC_CH, ER, 128))
    out_t = _sc_embed(emb_c, x.T).sum(axis=0)
    if V_TC:
        out_t = out_t + _tc_matmul(embedding.T, x.T)
    return out_t.T

# --- scband reference (transcript-rebuilt; emitter-appended) ---
"""Pipeline reference for scband-embedding-66254165508447 (READ-ONLY COPY).

The authoritative reference and input builder live on the scoring server;
editing this copy changes nothing except your own understanding.
"""

import jax, jax.numpy as jnp
import numpy as np

VOCAB = 100000
EMB = 16
BATCH = 1024


def setup_inputs(seed: int = 0) -> dict:
    key = jax.random.key(seed)
    k1, k2 = jax.random.split(key)
    # forward input: soft distribution over vocab (module uses einsum, not integer gather)
    x = jax.random.normal(k1, (BATCH, VOCAB), dtype=jnp.float32)
    # learned parameter: embedding table, truncated-normal init (stddev=1)
    embedding = jax.random.truncated_normal(k2, -2.0, 2.0, (VOCAB, EMB), dtype=jnp.float32)
    return {"x": x, "embedding": embedding}


def reference(x, embedding):
    # Embedding.encode: jnp.einsum('ve, ...v -> ...e', embedding, x)
    return jnp.einsum('ve,...v->...e', embedding, x)

if __name__ == "__main__":
    import jax
    _d = setup_inputs()
    print(jax.jit(kernel)(*tuple(_d.values())))

</pallas_src>

<mosaic_0001>
#map = affine_map<(d0, d1) -> (0, 0, 0)>
#map1 = affine_map<(d0, d1) -> (0, 0)>
module attributes {stable_mosaic.version = 14 : i64} {
  func.func @_sc_embed(%arg0: i32, %arg1: i32, %arg2: memref<128x4x128xf32, #tpu.memory_space<hbm>>, %arg3: memref<100000x1024xf32, #tpu.memory_space<hbm>>, %arg4: memref<32x16x1024xf32, #tpu.memory_space<hbm>>, %arg5: memref<16x1024xf32, #tpu.memory_space<vmem>>, %arg6: memref<2x32x1024xf32, #tpu.memory_space<vmem>>, %arg7: memref<2x4x128xf32, #tpu.memory_space<vmem>>, %arg8: memref<!tpu.dma_semaphore, #tpu.memory_space<semaphore_mem>>, %arg9: memref<!tpu.dma_semaphore, #tpu.memory_space<semaphore_mem>>, %arg10: memref<!tpu.dma_semaphore, #tpu.memory_space<semaphore_mem>>, %arg11: memref<!tpu.dma_semaphore, #tpu.memory_space<semaphore_mem>>) attributes {dimension_semantics = [#tpu.dimension_semantics<core_parallel>, #tpu.dimension_semantics<subcore_parallel>], iteration_bounds = array<i64: 2, 16>, scalar_prefetch = 0 : i64, scratch_operands = 7 : i64, tpu.core_type = #tpu.core_type<sc_vector_subcore>, window_params = [{transform_indices = #map}, {transform_indices = #map1}, {transform_indices = #map}]} {
    %mul3A = arith.constant 2 : i32
    %mul3A_0 = arith.muli %arg1, %mul3A : i32
    %add3A = arith.addi %mul3A_0, %arg0 : i32
    %mul3A_1 = arith.constant 4 : i32
    %mul3A_2 = arith.muli %add3A, %mul3A_1 : i32
    %add3A_3 = arith.constant 2997 : i32
    %add3A_4 = arith.addi %add3A_3, %mul3A_2 : i32
    %min3A = arith.constant 0 : i32
    %min3A_5 = arith.minsi %add3A, %min3A : i32
    %add3A_6 = arith.addi %add3A_4, %min3A_5 : i32
    %lt3A = arith.constant 0 : i32
    %lt3A_7 = arith.cmpi slt, %add3A, %lt3A : i32
    %jit3A = arith.constant 1 : i32
    %jit3A_8 = arith.constant 0 : i32
    %select_n3A = arith.select %lt3A_7, %jit3A, %jit3A_8 : i32
    %add3A_9 = arith.constant 4 : i32
    %add3A_10 = arith.addi %add3A_9, %select_n3A : i32
    %broadcast_in_dim3A = arith.constant 0.000000e+00 : f32
    %broadcast_in_dim3A_11 = vector.broadcast %broadcast_in_dim3A : f32 to vector<16xf32>
    %add3A_12 = arith.constant 0 : i32
    %add3A_13 = arith.addi %add3A_6, %add3A_12 : i32
    %mul3A_14 = arith.constant 32 : i32
    %mul3A_15 = arith.muli %add3A_13, %mul3A_14 : i32
    %dma_start3A = arith.constant 0 : i32
    %dma_start3A_16 = arith.constant 0 : i32
    %dma_start3A_17 = arith.constant 0 : i32
    %dma_start3A_18 = tpu.memref_slice %arg6[%dma_start3A, %dma_start3A_16, %dma_start3A_17] : memref<2x32x1024xf32, #tpu.memory_space<vmem>> -> memref<1x32x1024xf32, #tpu.memory_space<vmem>>
    %dma_start3A_19 = tpu.memref_squeeze %dma_start3A_18 : memref<1x32x1024xf32, #tpu.memory_space<vmem>> -> memref<32x1024xf32, #tpu.memory_space<vmem>>
    %dma_start3A_20 = arith.constant 0 : i32
    %dma_start3A_21 = tpu.memref_slice %arg3[%mul3A_15, %dma_start3A_20] : memref<100000x1024xf32, #tpu.memory_space<hbm>> -> memref<32x1024xf32, #tpu.memory_space<hbm>>
    %dma_start3A_22 = arith.constant 0 : i32
    %dma_start3A_23 = arith.constant 0 : i32
    %dma_start3A_24 = tpu.memref_slice %arg6[%dma_start3A, %dma_start3A_22, %dma_start3A_23] : memref<2x32x1024xf32, #tpu.memory_space<vmem>> -> memref<1x32x1024xf32, #tpu.memory_space<vmem>>
    %dma_start3A_25 = tpu.memref_squeeze %dma_start3A_24 : memref<1x32x1024xf32, #tpu.memory_space<vmem>> -> memref<32x1024xf32, #tpu.memory_space<vmem>>
    %dma_start3A_26 = arith.constant 0 : i32
    %dma_start3A_27 = tpu.memref_slice %arg3[%mul3A_15, %dma_start3A_26] : memref<100000x1024xf32, #tpu.memory_space<hbm>> -> memref<32x1024xf32, #tpu.memory_space<hbm>>
    tpu.enqueue_dma source(%dma_start3A_27 : memref<32x1024xf32, #tpu.memory_space<hbm>>) target(%dma_start3A_25 : memref<32x1024xf32, #tpu.memory_space<vmem>>) target_semaphore(%arg8 : memref<!tpu.dma_semaphore, #tpu.memory_space<semaphore_mem>>)
    %sub3A = arith.constant 2997 : i32
    %sub3A_28 = arith.subi %add3A_13, %sub3A : i32
    %dma_start3A_29 = arith.constant 0 : i32
    %dma_start3A_30 = arith.constant 0 : i32
    %dma_start3A_31 = arith.constant 0 : i32
    %dma_start3A_32 = tpu.memref_slice %arg7[%dma_start3A_29, %dma_start3A_30, %dma_start3A_31] : memref<2x4x128xf32, #tpu.memory_space<vmem>> -> memref<1x4x128xf32, #tpu.memory_space<vmem>>
    %dma_start3A_33 = tpu.memref_squeeze %dma_start3A_32 : memref<1x4x128xf32, #tpu.memory_space<vmem>> -> memref<4x128xf32, #tpu.memory_space<vmem>>
    %dma_start3A_34 = arith.constant 0 : i32
    %dma_start3A_35 = arith.constant 0 : i32
    %dma_start3A_36 = tpu.memref_slice %arg2[%sub3A_28, %dma_start3A_34, %dma_start3A_35] : memref<128x4x128xf32, #tpu.memory_space<hbm>> -> memref<1x4x128xf32, #tpu.memory_space<hbm>>
    %dma_start3A_37 = tpu.memref_squeeze %dma_start3A_36 : memref<1x4x128xf32, #tpu.memory_space<hbm>> -> memref<4x128xf32, #tpu.memory_space<hbm>>
    %dma_start3A_38 = arith.constant 0 : i32
    %dma_start3A_39 = arith.constant 0 : i32
    %dma_start3A_40 = tpu.memref_slice %arg7[%dma_start3A_29, %dma_start3A_38, %dma_start3A_39] : memref<2x4x128xf32, #tpu.memory_space<vmem>> -> memref<1x4x128xf32, #tpu.memory_space<vmem>>
    %dma_start3A_41 = tpu.memref_squeeze %dma_start3A_40 : memref<1x4x128xf32, #tpu.memory_space<vmem>> -> memref<4x128xf32, #tpu.memory_space<vmem>>
    %dma_start3A_42 = arith.constant 0 : i32
    %dma_start3A_43 = arith.constant 0 : i32
    %dma_start3A_44 = tpu.memref_slice %arg2[%sub3A_28, %dma_start3A_42, %dma_start3A_43] : memref<128x4x128xf32, #tpu.memory_space<hbm>> -> memref<1x4x128xf32, #tpu.memory_space<hbm>>
    %dma_start3A_45 = tpu.memref_squeeze %dma_start3A_44 : memref<1x4x128xf32, #tpu.memory_space<hbm>> -> memref<4x128xf32, #tpu.memory_space<hbm>>
    tpu.enqueue_dma source(%dma_start3A_45 : memref<4x128xf32, #tpu.memory_space<hbm>>) target(%dma_start3A_41 : memref<4x128xf32, #tpu.memory_space<vmem>>) target_semaphore(%arg10 : memref<!tpu.dma_semaphore, #tpu.memory_space<semaphore_mem>>)
    %scan3A = arith.constant 0 : i32
    %scan3A_46 = arith.constant 0 : i32
    %scan3A_47 = arith.constant 64 : i32
    %scan3A_48 = arith.addi %scan3A_46, %scan3A_47 : i32
    %scan3A_49 = arith.constant 1 : i32
    scf.for %scan3A_60 = %scan3A_46 to %scan3A_48 step %scan3A_49  : i32 {
      %mul3A_61 = arith.constant 16 : i32
      %mul3A_62 = arith.muli %scan3A_60, %mul3A_61 : i32
      %swap3A = arith.constant 0 : i32
      %swap3A_63 = arith.index_cast %swap3A : i32 to index
      %swap3A_64 = arith.index_cast %mul3A_62 : i32 to index
      %swap3A_65 = tpu.vector_load %arg5[%swap3A_63, %swap3A_64] {strides = array<i32>} : memref<16x1024xf32, #tpu.memory_space<vmem>>, vector<1x16xf32>,
      %swap3A_66 = vector.shape_cast %swap3A_65 : vector<1x16xf32> to vector<16xf32>
      %swap3A_67 = vector.shape_cast %broadcast_in_dim3A_11 : vector<16xf32> to vector<1x16xf32>
      tpu.vector_store %arg5[%swap3A_63, %swap3A_64], %swap3A_67 {strides = array<i32>} : memref<16x1024xf32, #tpu.memory_space<vmem>>, vector<1x16xf32>,
      %mul3A_68 = arith.constant 16 : i32
      %mul3A_69 = arith.muli %scan3A_60, %mul3A_68 : i32
      %swap3A_70 = arith.constant 1 : i32
      %swap3A_71 = arith.index_cast %swap3A_70 : i32 to index
      %swap3A_72 = arith.index_cast %mul3A_69 : i32 to index
      %swap3A_73 = tpu.vector_load %arg5[%swap3A_71, %swap3A_72] {strides = array<i32>} : memref<16x1024xf32, #tpu.memory_space<vmem>>, vector<1x16xf32>,
      %swap3A_74 = vector.shape_cast %swap3A_73 : vector<1x16xf32> to vector<16xf32>
      %swap3A_75 = vector.shape_cast %broadcast_in_dim3A_11 : vector<16xf32> to vector<1x16xf32>
      tpu.vector_store %arg5[%swap3A_71, %swap3A_72], %swap3A_75 {strides = array<i32>} : memref<16x1024xf32, #tpu.memory_space<vmem>>, vector<1x16xf32>,
      %mul3A_76 = arith.constant 16 : i32
      %mul3A_77 = arith.muli %scan3A_60, %mul3A_76 : i32
      %swap3A_78 = arith.constant 2 : i32
      %swap3A_79 = arith.index_cast %swap3A_78 : i32 to index
      %swap3A_80 = arith.index_cast %mul3A_77 : i32 to index
      %swap3A_81 = tpu.vector_load %arg5[%swap3A_79, %swap3A_80] {strides = array<i32>} : memref<16x1024xf32, #tpu.memory_space<vmem>>, vector<1x16xf32>,
      %swap3A_82 = vector.shape_cast %swap3A_81 : vector<1x16xf32> to vector<16xf32>
      %swap3A_83 = vector.shape_cast %broadcast_in_dim3A_11 : vector<16xf32> to vector<1x16xf32>
      tpu.vector_store %arg5[%swap3A_79, %swap3A_80], %swap3A_83 {strides = array<i32>} : memref<16x1024xf32, #tpu.memory_space<vmem>>, vector<1x16xf32>,
      %mul3A_84 = arith.constant 16 : i32
      %mul3A_85 = arith.muli %scan3A_60, %mul3A_84 : i32
      %swap3A_86 = arith.constant 3 : i32
      %swap3A_87 = arith.index_cast %swap3A_86 : i32 to index
      %swap3A_88 = arith.index_cast %mul3A_85 : i32 to index
      %swap3A_89 = tpu.vector_load %arg5[%swap3A_87, %swap3A_88] {strides = array<i32>} : memref<16x1024xf32, #tpu.memory_space<vmem>>, vector<1x16xf32>,
      %swap3A_90 = vector.shape_cast %swap3A_89 : vector<1x16xf32> to vector<16xf32>
      %swap3A_91 = vector.shape_cast %broadcast_in_dim3A_11 : vector<16xf32> to vector<1x16xf32>
      tpu.vector_store %arg5[%swap3A_87, %swap3A_88], %swap3A_91 {strides = array<i32>} : memref<16x1024xf32, #tpu.memory_space<vmem>>, vector<1x16xf32>,
      %mul3A_92 = arith.constant 16 : i32
      %mul3A_93 = arith.muli %scan3A_60, %mul3A_92 : i32
      %swap3A_94 = arith.constant 4 : i32
      %swap3A_95 = arith.index_cast %swap3A_94 : i32 to index
      %swap3A_96 = arith.index_cast %mul3A_93 : i32 to index
      %swap3A_97 = tpu.vector_load %arg5[%swap3A_95, %swap3A_96] {strides = array<i32>} : memref<16x1024xf32, #tpu.memory_space<vmem>>, vector<1x16xf32>,
      %swap3A_98 = vector.shape_cast %swap3A_97 : vector<1x16xf32> to vector<16xf32>
      %swap3A_99 = vector.shape_cast %broadcast_in_dim3A_11 : vector<16xf32> to vector<1x16xf32>
      tpu.vector_store %arg5[%swap3A_95, %swap3A_96], %swap3A_99 {strides = array<i32>} : memref<16x1024xf32, #tpu.memory_space<vmem>>, vector<1x16xf32>,
      %mul3A_100 = arith.constant 16 : i32
      %mul3A_101 = arith.muli %scan3A_60, %mul3A_100 : i32
      %swap3A_102 = arith.constant 5 : i32
      %swap3A_103 = arith.index_cast %swap3A_102 : i32 to index
      %swap3A_104 = arith.index_cast %mul3A_101 : i32 to index
      %swap3A_105 = tpu.vector_load %arg5[%swap3A_103, %swap3A_104] {strides = array<i32>} : memref<16x1024xf32, #tpu.memory_space<vmem>>, vector<1x16xf32>,
      %swap3A_106 = vector.shape_cast %swap3A_105 : vector<1x16xf32> to vector<16xf32>
      %swap3A_107 = vector.shape_cast %broadcast_in_dim3A_11 : vector<16xf32> to vector<1x16xf32>
      tpu.vector_store %arg5[%swap3A_103, %swap3A_104], %swap3A_107 {strides = array<i32>} : memref<16x1024xf32, #tpu.memory_space<vmem>>, vector<1x16xf32>,
      %mul3A_108 = arith.constant 16 : i32
      %mul3A_109 = arith.muli %scan3A_60, %mul3A_108 : i32
      %swap3A_110 = arith.constant 6 : i32
      %swap3A_111 = arith.index_cast %swap3A_110 : i32 to index
      %swap3A_112 = arith.index_cast %mul3A_109 : i32 to index
      %swap3A_113 = tpu.vector_load %arg5[%swap3A_111, %swap3A_112] {strides = array<i32>} : memref<16x1024xf32, #tpu.memory_space<vmem>>, vector<1x16xf32>,
      %swap3A_114 = vector.shape_cast %swap3A_113 : vector<1x16xf32> to vector<16xf32>
      %swap3A_115 = vector.shape_cast %broadcast_in_dim3A_11 : vector<16xf32> to vector<1x16xf32>
      tpu.vector_store %arg5[%swap3A_111, %swap3A_112], %swap3A_115 {strides = array<i32>} : memref<16x1024xf32, #tpu.memory_space<vmem>>, vector<1x16xf32>,
      %mul3A_116 = arith.constant 16 : i32
      %mul3A_117 = arith.muli %scan3A_60, %mul3A_116 : i32
      %swap3A_118 = arith.constant 7 : i32
      %swap3A_119 = arith.index_cast %swap3A_118 : i32 to index
      %swap3A_120 = arith.index_cast %mul3A_117 : i32 to index
      %swap3A_121 = tpu.vector_load %arg5[%swap3A_119, %swap3A_120] {strides = array<i32>} : memref<16x1024xf32, #tpu.memory_space<vmem>>, vector<1x16xf32>,
      %swap3A_122 = vector.shape_cast %swap3A_121 : vector<1x16xf32> to vector<16xf32>
      %swap3A_123 = vector.shape_cast %broadcast_in_dim3A_11 : vector<16xf32> to vector<1x16xf32>
      tpu.vector_store %arg5[%swap3A_119, %swap3A_120], %swap3A_123 {strides = array<i32>} : memref<16x1024xf32, #tpu.memory_space<vmem>>, vector<1x16xf32>,
      %mul3A_124 = arith.constant 16 : i32
      %mul3A_125 = arith.muli %scan3A_60, %mul3A_124 : i32
      %swap3A_126 = arith.constant 8 : i32
      %swap3A_127 = arith.index_cast %swap3A_126 : i32 to index
      %swap3A_128 = arith.index_cast %mul3A_125 : i32 to index
      %swap3A_129 = tpu.vector_load %arg5[%swap3A_127, %swap3A_128] {strides = array<i32>} : memref<16x1024xf32, #tpu.memory_space<vmem>>, vector<1x16xf32>,
      %swap3A_130 = vector.shape_cast %swap3A_129 : vector<1x16xf32> to vector<16xf32>
      %swap3A_131 = vector.shape_cast %broadcast_in_dim3A_11 : vector<16xf32> to vector<1x16xf32>
      tpu.vector_store %arg5[%swap3A_127, %swap3A_128], %swap3A_131 {strides = array<i32>} : memref<16x1024xf32, #tpu.memory_space<vmem>>, vector<1x16xf32>,
      %mul3A_132 = arith.constant 16 : i32
      %mul3A_133 = arith.muli %scan3A_60, %mul3A_132 : i32
      %swap3A_134 = arith.constant 9 : i32
      %swap3A_135 = arith.index_cast %swap3A_134 : i32 to index
      %swap3A_136 = arith.index_cast %mul3A_133 : i32 to index
      %swap3A_137 = tpu.vector_load %arg5[%swap3A_135, %swap3A_136] {strides = array<i32>} : memref<16x1024xf32, #tpu.memory_space<vmem>>, vector<1x16xf32>,
      %swap3A_138 = vector.shape_cast %swap3A_137 : vector<1x16xf32> to vector<16xf32>
      %swap3A_139 = vector.shape_cast %broadcast_in_dim3A_11 : vector<16xf32> to vector<1x16xf32>
      tpu.vector_store %arg5[%swap3A_135, %swap3A_136], %swap3A_139 {strides = array<i32>} : memref<16x1024xf32, #tpu.memory_space<vmem>>, vector<1x16xf32>,
      %mul3A_140 = arith.constant 16 : i32
      %mul3A_141 = arith.muli %scan3A_60, %mul3A_140 : i32
      %swap3A_142 = arith.constant 10 : i32
      %swap3A_143 = arith.index_cast %swap3A_142 : i32 to index
      %swap3A_144 = arith.index_cast %mul3A_141 : i32 to index
      %swap3A_145 = tpu.vector_load %arg5[%swap3A_143, %swap3A_144] {strides = array<i32>} : memref<16x1024xf32, #tpu.memory_space<vmem>>, vector<1x16xf32>,
      %swap3A_146 = vector.shape_cast %swap3A_145 : vector<1x16xf32> to vector<16xf32>
      %swap3A_147 = vector.shape_cast %broadcast_in_dim3A_11 : vector<16xf32> to vector<1x16xf32>
      tpu.vector_store %arg5[%swap3A_143, %swap3A_144], %swap3A_147 {strides = array<i32>} : memref<16x1024xf32, #tpu.memory_space<vmem>>, vector<1x16xf32>,
      %mul3A_148 = arith.constant 16 : i32
      %mul3A_149 = arith.muli %scan3A_60, %mul3A_148 : i32
      %swap3A_150 = arith.constant 11 : i32
      %swap3A_151 = arith.index_cast %swap3A_150 : i32 to index
      %swap3A_152 = arith.index_cast %mul3A_149 : i32 to index
      %swap3A_153 = tpu.vector_load %arg5[%swap3A_151, %swap3A_152] {strides = array<i32>} : memref<16x1024xf32, #tpu.memory_space<vmem>>, vector<1x16xf32>,
      %swap3A_154 = vector.shape_cast %swap3A_153 : vector<1x16xf32> to vector<16xf32>
      %swap3A_155 = vector.shape_cast %broadcast_in_dim3A_11 : vector<16xf32> to vector<1x16xf32>
      tpu.vector_store %arg5[%swap3A_151, %swap3A_152], %swap3A_155 {strides = array<i32>} : memref<16x1024xf32, #tpu.memory_space<vmem>>, vector<1x16xf32>,
      %mul3A_156 = arith.constant 16 : i32
      %mul3A_157 = arith.muli %scan3A_60, %mul3A_156 : i32
      %swap3A_158 = arith.constant 12 : i32
      %swap3A_159 = arith.index_cast %swap3A_158 : i32 to index
      %swap3A_160 = arith.index_cast %mul3A_157 : i32 to index
      %swap3A_161 = tpu.vector_load %arg5[%swap3A_159, %swap3A_160] {strides = array<i32>} : memref<16x1024xf32, #tpu.memory_space<vmem>>, vector<1x16xf32>,
      %swap3A_162 = vector.shape_cast %swap3A_161 : vector<1x16xf32> to vector<16xf32>
      %swap3A_163 = vector.shape_cast %broadcast_in_dim3A_11 : vector<16xf32> to vector<1x16xf32>
      tpu.vector_store %arg5[%swap3A_159, %swap3A_160], %swap3A_163 {strides = array<i32>} : memref<16x1024xf32, #tpu.memory_space<vmem>>, vector<1x16xf32>,
      %mul3A_164 = arith.constant 16 : i32
      %mul3A_165 = arith.muli %scan3A_60, %mul3A_164 : i32
      %swap3A_166 = arith.constant 13 : i32
      %swap3A_167 = arith.index_cast %swap3A_166 : i32 to index
      %swap3A_168 = arith.index_cast %mul3A_165 : i32 to index
      %swap3A_169 = tpu.vector_load %arg5[%swap3A_167, %swap3A_168] {strides = array<i32>} : memref<16x1024xf32, #tpu.memory_space<vmem>>, vector<1x16xf32>,
      %swap3A_170 = vector.shape_cast %swap3A_169 : vector<1x16xf32> to vector<16xf32>
      %swap3A_171 = vector.shape_cast %broadcast_in_dim3A_11 : vector<16xf32> to vector<1x16xf32>
      tpu.vector_store %arg5[%swap3A_167, %swap3A_168], %swap3A_171 {strides = array<i32>} : memref<16x1024xf32, #tpu.memory_space<vmem>>, vector<1x16xf32>,
      %mul3A_172 = arith.constant 16 : i32
      %mul3A_173 = arith.muli %scan3A_60, %mul3A_172 : i32
      %swap3A_174 = arith.constant 14 : i32
      %swap3A_175 = arith.index_cast %swap3A_174 : i32 to index
      %swap3A_176 = arith.index_cast %mul3A_173 : i32 to index
      %swap3A_177 = tpu.vector_load %arg5[%swap3A_175, %swap3A_176] {strides = array<i32>} : memref<16x1024xf32, #tpu.memory_space<vmem>>, vector<1x16xf32>,
      %swap3A_178 = vector.shape_cast %swap3A_177 : vector<1x16xf32> to vector<16xf32>
      %swap3A_179 = vector.shape_cast %broadcast_in_dim3A_11 : vector<16xf32> to vector<1x16xf32>
      tpu.vector_store %arg5[%swap3A_175, %swap3A_176], %swap3A_179 {strides = array<i32>} : memref<16x1024xf32, #tpu.memory_space<vmem>>, vector<1x16xf32>,
      %mul3A_180 = arith.constant 16 : i32
      %mul3A_181 = arith.muli %scan3A_60, %mul3A_180 : i32
      %swap3A_182 = arith.constant 15 : i32
      %swap3A_183 = arith.index_cast %swap3A_182 : i32 to index
      %swap3A_184 = arith.index_cast %mul3A_181 : i32 to index
      %swap3A_185 = tpu.vector_load %arg5[%swap3A_183, %swap3A_184] {strides = array<i32>} : memref<16x1024xf32, #tpu.memory_space<vmem>>, vector<1x16xf32>,
      %swap3A_186 = vector.shape_cast %swap3A_185 : vector<1x16xf32> to vector<16xf32>
      %swap3A_187 = vector.shape_cast %broadcast_in_dim3A_11 : vector<16xf32> to vector<1x16xf32>
      tpu.vector_store %arg5[%swap3A_183, %swap3A_184], %swap3A_187 {strides = array<i32>} : memref<16x1024xf32, #tpu.memory_space<vmem>>, vector<1x16xf32>,
    }
    %scan3A_50 = arith.constant 64 : i32
    %while3A = arith.constant 0 : i32
    %while3A_51 = arith.constant 0 : i32
    %while3A_52 = arith.subi %add3A_10, %while3A_51 : i32
    %while3A_53 = arith.addi %while3A_51, %while3A_52 : i32
    %while3A_54 = arith.constant 1 : i32
    %while3A_55 = arith.divsi %while3A_52, %while3A_54 : i32
    %while3A_56 = arith.muli %while3A_55, %while3A_54 : i32
    %while3A_57 = arith.addi %while3A_51, %while3A_56 : i32
    %while3A_58 = arith.constant 1 : i32
    scf.for %while3A_60 = %while3A_51 to %while3A_57 step %while3A_58  : i32 {
      %rem3A = arith.constant 2 : i32
      %rem3A_61 = arith.remsi %while3A_60, %rem3A : i32
      %add3A_62 = arith.constant 1 : i32
      %add3A_63 = arith.addi %while3A_60, %add3A_62 : i32
      %lt3A_64 = arith.cmpi slt, %add3A_63, %add3A_10 : i32
      %convert_element_type3A = arith.extui %lt3A_64 : i1 to i32
      %cond3A = arith.constant 0 : i32
      %cond3A_65 = arith.cmpi ne, %convert_element_type3A, %cond3A : i32
      scf.if %cond3A_65 {
        %add3A_81 = arith.constant 1 : i32
        %add3A_82 = arith.addi %while3A_60, %add3A_81 : i32
        %sub3A_83 = arith.constant 1 : i32
        %sub3A_84 = arith.subi %sub3A_83, %rem3A_61 : i32
        %eq3A_85 = arith.constant 0 : i32
        %eq3A_86 = arith.cmpi eq, %sub3A_84, %eq3A_85 : i32
        %convert_element_type3A_87 = arith.extui %eq3A_86 : i1 to i32
        %cond3A_88 = arith.constant 0 : i32
        %cond3A_89 = arith.cmpi ne, %convert_element_type3A_87, %cond3A_88 : i32
        scf.if %cond3A_89 {
          %add3A_95 = arith.addi %add3A_6, %add3A_82 : i32
          %mul3A_96 = arith.constant 32 : i32
          %mul3A_97 = arith.muli %add3A_95, %mul3A_96 : i32
          %dma_start3A_98 = arith.constant 0 : i32
          %dma_start3A_99 = arith.constant 0 : i32
          %dma_start3A_100 = arith.constant 0 : i32
          %dma_start3A_101 = tpu.memref_slice %arg6[%dma_start3A_98, %dma_start3A_99, %dma_start3A_100] : memref<2x32x1024xf32, #tpu.memory_space<vmem>> -> memref<1x32x1024xf32, #tpu.memory_space<vmem>>
          %dma_start3A_102 = tpu.memref_squeeze %dma_start3A_101 : memref<1x32x1024xf32, #tpu.memory_space<vmem>> -> memref<32x1024xf32, #tpu.memory_space<vmem>>
          %dma_start3A_103 = arith.constant 0 : i32
          %dma_start3A_104 = tpu.memref_slice %arg3[%mul3A_97, %dma_start3A_103] : memref<100000x1024xf32, #tpu.memory_space<hbm>> -> memref<32x1024xf32, #tpu.memory_space<hbm>>
          %dma_start3A_105 = arith.constant 0 : i32
          %dma_start3A_106 = arith.constant 0 : i32
          %dma_start3A_107 = tpu.memref_slice %arg6[%dma_start3A_98, %dma_start3A_105, %dma_start3A_106] : memref<2x32x1024xf32, #tpu.memory_space<vmem>> -> memref<1x32x1024xf32, #tpu.memory_space<vmem>>
          %dma_start3A_108 = tpu.memref_squeeze %dma_start3A_107 : memref<1x32x1024xf32, #tpu.memory_space<vmem>> -> memref<32x1024xf32, #tpu.memory_space<vmem>>
          %dma_start3A_109 = arith.constant 0 : i32
          %dma_start3A_110 = tpu.memref_slice %arg3[%mul3A_97, %dma_start3A_109] : memref<100000x1024xf32, #tpu.memory_space<hbm>> -> memref<32x1024xf32, #tpu.memory_space<hbm>>
          tpu.enqueue_dma source(%dma_start3A_110 : memref<32x1024xf32, #tpu.memory_space<hbm>>) target(%dma_start3A_108 : memref<32x1024xf32, #tpu.memory_space<vmem>>) target_semaphore(%arg8 : memref<!tpu.dma_semaphore, #tpu.memory_space<semaphore_mem>>)
          %sub3A_111 = arith.constant 2997 : i32
          %sub3A_112 = arith.subi %add3A_95, %sub3A_111 : i32
          %dma_start3A_113 = arith.constant 0 : i32
          %dma_start3A_114 = arith.constant 0 : i32
          %dma_start3A_115 = arith.constant 0 : i32
          %dma_start3A_116 = tpu.memref_slice %arg7[%dma_start3A_113, %dma_start3A_114, %dma_start3A_115] : memref<2x4x128xf32, #tpu.memory_space<vmem>> -> memref<1x4x128xf32, #tpu.memory_space<vmem>>
          %dma_start3A_117 = tpu.memref_squeeze %dma_start3A_116 : memref<1x4x128xf32, #tpu.memory_space<vmem>> -> memref<4x128xf32, #tpu.memory_space<vmem>>
          %dma_start3A_118 = arith.constant 0 : i32
          %dma_start3A_119 = arith.constant 0 : i32
          %dma_start3A_120 = tpu.memref_slice %arg2[%sub3A_112, %dma_start3A_118, %dma_start3A_119] : memref<128x4x128xf32, #tpu.memory_space<hbm>> -> memref<1x4x128xf32, #tpu.memory_space<hbm>>
          %dma_start3A_121 = tpu.memref_squeeze %dma_start3A_120 : memref<1x4x128xf32, #tpu.memory_space<hbm>> -> memref<4x128xf32, #tpu.memory_space<hbm>>
          %dma_start3A_122 = arith.constant 0 : i32
          %dma_start3A_123 = arith.constant 0 : i32
          %dma_start3A_124 = tpu.memref_slice %arg7[%dma_start3A_113, %dma_start3A_122, %dma_start3A_123] : memref<2x4x128xf32, #tpu.memory_space<vmem>> -> memref<1x4x128xf32, #tpu.memory_space<vmem>>
          %dma_start3A_125 = tpu.memref_squeeze %dma_start3A_124 : memref<1x4x128xf32, #tpu.memory_space<vmem>> -> memref<4x128xf32, #tpu.memory_space<vmem>>
          %dma_start3A_126 = arith.constant 0 : i32
          %dma_start3A_127 = arith.constant 0 : i32
          %dma_start3A_128 = tpu.memref_slice %arg2[%sub3A_112, %dma_start3A_126, %dma_start3A_127] : memref<128x4x128xf32, #tpu.memory_space<hbm>> -> memref<1x4x128xf32, #tpu.memory_space<hbm>>
          %dma_start3A_129 = tpu.memref_squeeze %dma_start3A_128 : memref<1x4x128xf32, #tpu.memory_space<hbm>> -> memref<4x128xf32, #tpu.memory_space<hbm>>
          tpu.enqueue_dma source(%dma_start3A_129 : memref<4x128xf32, #tpu.memory_space<hbm>>) target(%dma_start3A_125 : memref<4x128xf32, #tpu.memory_space<vmem>>) target_semaphore(%arg10 : memref<!tpu.dma_semaphore, #tpu.memory_space<semaphore_mem>>)
        } else {
        }
        %eq3A_90 = arith.constant 1 : i32
        %eq3A_91 = arith.cmpi eq, %sub3A_84, %eq3A_90 : i32
        %convert_element_type3A_92 = arith.extui %eq3A_91 : i1 to i32
        %cond3A_93 = arith.constant 0 : i32
        %cond3A_94 = arith.cmpi ne, %convert_element_type3A_92, %cond3A_93 : i32
        scf.if %cond3A_94 {
          %add3A_95 = arith.addi %add3A_6, %add3A_82 : i32
          %mul3A_96 = arith.constant 32 : i32
          %mul3A_97 = arith.muli %add3A_95, %mul3A_96 : i32
          %dma_start3A_98 = arith.constant 1 : i32
          %dma_start3A_99 = arith.constant 0 : i32
          %dma_start3A_100 = arith.constant 0 : i32
          %dma_start3A_101 = tpu.memref_slice %arg6[%dma_start3A_98, %dma_start3A_99, %dma_start3A_100] : memref<2x32x1024xf32, #tpu.memory_space<vmem>> -> memref<1x32x1024xf32, #tpu.memory_space<vmem>>
          %dma_start3A_102 = tpu.memref_squeeze %dma_start3A_101 : memref<1x32x1024xf32, #tpu.memory_space<vmem>> -> memref<32x1024xf32, #tpu.memory_space<vmem>>
          %dma_start3A_103 = arith.constant 0 : i32
          %dma_start3A_104 = tpu.memref_slice %arg3[%mul3A_97, %dma_start3A_103] : memref<100000x1024xf32, #tpu.memory_space<hbm>> -> memref<32x1024xf32, #tpu.memory_space<hbm>>
          %dma_start3A_105 = arith.constant 0 : i32
          %dma_start3A_106 = arith.constant 0 : i32
          %dma_start3A_107 = tpu.memref_slice %arg6[%dma_start3A_98, %dma_start3A_105, %dma_start3A_106] : memref<2x32x1024xf32, #tpu.memory_space<vmem>> -> memref<1x32x1024xf32, #tpu.memory_space<vmem>>
          %dma_start3A_108 = tpu.memref_squeeze %dma_start3A_107 : memref<1x32x1024xf32, #tpu.memory_space<vmem>> -> memref<32x1024xf32, #tpu.memory_space<vmem>>
          %dma_start3A_109 = arith.constant 0 : i32
          %dma_start3A_110 = tpu.memref_slice %arg3[%mul3A_97, %dma_start3A_109] : memref<100000x1024xf32, #tpu.memory_space<hbm>> -> memref<32x1024xf32, #tpu.memory_space<hbm>>
          tpu.enqueue_dma source(%dma_start3A_110 : memref<32x1024xf32, #tpu.memory_space<hbm>>) target(%dma_start3A_108 : memref<32x1024xf32, #tpu.memory_space<vmem>>) target_semaphore(%arg9 : memref<!tpu.dma_semaphore, #tpu.memory_space<semaphore_mem>>)
          %sub3A_111 = arith.constant 2997 : i32
          %sub3A_112 = arith.subi %add3A_95, %sub3A_111 : i32
          %dma_start3A_113 = arith.constant 1 : i32
          %dma_start3A_114 = arith.constant 0 : i32
          %dma_start3A_115 = arith.constant 0 : i32
          %dma_start3A_116 = tpu.memref_slice %arg7[%dma_start3A_113, %dma_start3A_114, %dma_start3A_115] : memref<2x4x128xf32, #tpu.memory_space<vmem>> -> memref<1x4x128xf32, #tpu.memory_space<vmem>>
          %dma_start3A_117 = tpu.memref_squeeze %dma_start3A_116 : memref<1x4x128xf32, #tpu.memory_space<vmem>> -> memref<4x128xf32, #tpu.memory_space<vmem>>
          %dma_start3A_118 = arith.constant 0 : i32
          %dma_start3A_119 = arith.constant 0 : i32
          %dma_start3A_120 = tpu.memref_slice %arg2[%sub3A_112, %dma_start3A_118, %dma_start3A_119] : memref<128x4x128xf32, #tpu.memory_space<hbm>> -> memref<1x4x128xf32, #tpu.memory_space<hbm>>
          %dma_start3A_121 = tpu.memref_squeeze %dma_start3A_120 : memref<1x4x128xf32, #tpu.memory_space<hbm>> -> memref<4x128xf32, #tpu.memory_space<hbm>>
          %dma_start3A_122 = arith.constant 0 : i32
          %dma_start3A_123 = arith.constant 0 : i32
          %dma_start3A_124 = tpu.memref_slice %arg7[%dma_start3A_113, %dma_start3A_122, %dma_start3A_123] : memref<2x4x128xf32, #tpu.memory_space<vmem>> -> memref<1x4x128xf32, #tpu.memory_space<vmem>>
          %dma_start3A_125 = tpu.memref_squeeze %dma_start3A_124 : memref<1x4x128xf32, #tpu.memory_space<vmem>> -> memref<4x128xf32, #tpu.memory_space<vmem>>
          %dma_start3A_126 = arith.constant 0 : i32
          %dma_start3A_127 = arith.constant 0 : i32
          %dma_start3A_128 = tpu.memref_slice %arg2[%sub3A_112, %dma_start3A_126, %dma_start3A_127] : memref<128x4x128xf32, #tpu.memory_space<hbm>> -> memref<1x4x128xf32, #tpu.memory_space<hbm>>
          %dma_start3A_129 = tpu.memref_squeeze %dma_start3A_128 : memref<1x4x128xf32, #tpu.memory_space<hbm>> -> memref<4x128xf32, #tpu.memory_space<hbm>>
          tpu.enqueue_dma source(%dma_start3A_129 : memref<4x128xf32, #tpu.memory_space<hbm>>) target(%dma_start3A_125 : memref<4x128xf32, #tpu.memory_space<vmem>>) target_semaphore(%arg11 : memref<!tpu.dma_semaphore, #tpu.memory_space<semaphore_mem>>)
        } else {
        }
      } else {
      }
      %eq3A = arith.constant 0 : i32
      %eq3A_66 = arith.cmpi eq, %rem3A_61, %eq3A : i32
      %convert_element_type3A_67 = arith.extui %eq3A_66 : i1 to i32
      %cond3A_68 = arith.constant 0 : i32
      %cond3A_69 = arith.cmpi ne, %convert_element_type3A_67, %cond3A_68 : i32
      scf.if %cond3A_69 {
        %dma_wait3A = arith.constant 0 : i32
        %dma_wait3A_81 = arith.constant 0 : i32
        %dma_wait3A_82 = arith.constant 0 : i32
        %dma_wait3A_83 = tpu.memref_slice %arg6[%dma_wait3A, %dma_wait3A_81, %dma_wait3A_82] : memref<2x32x1024xf32, #tpu.memory_space<vmem>> -> memref<1x32x1024xf32, #tpu.memory_space<vmem>>
        %dma_wait3A_84 = tpu.memref_squeeze %dma_wait3A_83 : memref<1x32x1024xf32, #tpu.memory_space<vmem>> -> memref<32x1024xf32, #tpu.memory_space<vmem>>
        %dma_wait3A_85 = arith.constant 0 : i32
        %dma_wait3A_86 = arith.constant 0 : i32
        %dma_wait3A_87 = tpu.memref_slice %arg3[%dma_wait3A_85, %dma_wait3A_86] : memref<100000x1024xf32, #tpu.memory_space<hbm>> -> memref<32x1024xf32, #tpu.memory_space<hbm>>
        %dma_wait3A_88 = arith.constant 0 : i32
        %dma_wait3A_89 = arith.constant 0 : i32
        %dma_wait3A_90 = tpu.memref_slice %arg6[%dma_wait3A, %dma_wait3A_88, %dma_wait3A_89] : memref<2x32x1024xf32, #tpu.memory_space<vmem>> -> memref<1x32x1024xf32, #tpu.memory_space<vmem>>
        %dma_wait3A_91 = tpu.memref_squeeze %dma_wait3A_90 : memref<1x32x1024xf32, #tpu.memory_space<vmem>> -> memref<32x1024xf32, #tpu.memory_space<vmem>>
        %dma_wait3A_92 = arith.constant 0 : i32
        %dma_wait3A_93 = arith.constant 0 : i32
        %dma_wait3A_94 = tpu.memref_slice %arg3[%dma_wait3A_92, %dma_wait3A_93] : memref<100000x1024xf32, #tpu.memory_space<hbm>> -> memref<32x1024xf32, #tpu.memory_space<hbm>>
        tpu.wait_dma2 semaphore(%arg8 : memref<!tpu.dma_semaphore, #tpu.memory_space<semaphore_mem>>) src(%dma_wait3A_94 : memref<32x1024xf32, #tpu.memory_space<hbm>>) dst(%dma_wait3A_91 : memref<32x1024xf32, #tpu.memory_space<vmem>>)
        %dma_wait3A_95 = arith.constant 0 : i32
        %dma_wait3A_96 = arith.constant 0 : i32
        %dma_wait3A_97 = arith.constant 0 : i32
        %dma_wait3A_98 = arith.constant 0 : i32
        %dma_wait3A_99 = tpu.memref_slice %arg7[%dma_wait3A_96, %dma_wait3A_97, %dma_wait3A_98] : memref<2x4x128xf32, #tpu.memory_space<vmem>> -> memref<1x4x128xf32, #tpu.memory_space<vmem>>
        %dma_wait3A_100 = tpu.memref_squeeze %dma_wait3A_99 : memref<1x4x128xf32, #tpu.memory_space<vmem>> -> memref<4x128xf32, #tpu.memory_space<vmem>>
        %dma_wait3A_101 = arith.constant 0 : i32
        %dma_wait3A_102 = arith.constant 0 : i32
        %dma_wait3A_103 = tpu.memref_slice %arg2[%dma_wait3A_95, %dma_wait3A_101, %dma_wait3A_102] : memref<128x4x128xf32, #tpu.memory_space<hbm>> -> memref<1x4x128xf32, #tpu.memory_space<hbm>>
        %dma_wait3A_104 = tpu.memref_squeeze %dma_wait3A_103 : memref<1x4x128xf32, #tpu.memory_space<hbm>> -> memref<4x128xf32, #tpu.memory_space<hbm>>
        %dma_wait3A_105 = arith.constant 0 : i32
        %dma_wait3A_106 = arith.constant 0 : i32
        %dma_wait3A_107 = tpu.memref_slice %arg7[%dma_wait3A_96, %dma_wait3A_105, %dma_wait3A_106] : memref<2x4x128xf32, #tpu.memory_space<vmem>> -> memref<1x4x128xf32, #tpu.memory_space<vmem>>
        %dma_wait3A_108 = tpu.memref_squeeze %dma_wait3A_107 : memref<1x4x128xf32, #tpu.memory_space<vmem>> -> memref<4x128xf32, #tpu.memory_space<vmem>>
        %dma_wait3A_109 = arith.constant 0 : i32
        %dma_wait3A_110 = arith.constant 0 : i32
        %dma_wait3A_111 = tpu.memref_slice %arg2[%dma_wait3A_95, %dma_wait3A_109, %dma_wait3A_110] : memref<128x4x128xf32, #tpu.memory_space<hbm>> -> memref<1x4x128xf32, #tpu.memory_space<hbm>>
        %dma_wait3A_112 = tpu.memref_squeeze %dma_wait3A_111 : memref<1x4x128xf32, #tpu.memory_space<hbm>> -> memref<4x128xf32, #tpu.memory_space<hbm>>
        tpu.wait_dma2 semaphore(%arg10 : memref<!tpu.dma_semaphore, #tpu.memory_space<semaphore_mem>>) src(%dma_wait3A_112 : memref<4x128xf32, #tpu.memory_space<hbm>>) dst(%dma_wait3A_108 : memref<4x128xf32, #tpu.memory_space<vmem>>)
      } else {
      }
      %eq3A_70 = arith.constant 1 : i32
      %eq3A_71 = arith.cmpi eq, %rem3A_61, %eq3A_70 : i32
      %convert_element_type3A_72 = arith.extui %eq3A_71 : i1 to i32
      %cond3A_73 = arith.constant 0 : i32
      %cond3A_74 = arith.cmpi ne, %convert_element_type3A_72, %cond3A_73 : i32
      scf.if %cond3A_74 {
        %dma_wait3A = arith.constant 1 : i32
        %dma_wait3A_81 = arith.constant 0 : i32
        %dma_wait3A_82 = arith.constant 0 : i32
        %dma_wait3A_83 = tpu.memref_slice %arg6[%dma_wait3A, %dma_wait3A_81, %dma_wait3A_82] : memref<2x32x1024xf32, #tpu.memory_space<vmem>> -> memref<1x32x1024xf32, #tpu.memory_space<vmem>>
        %dma_wait3A_84 = tpu.memref_squeeze %dma_wait3A_83 : memref<1x32x1024xf32, #tpu.memory_space<vmem>> -> memref<32x1024xf32, #tpu.memory_space<vmem>>
        %dma_wait3A_85 = arith.constant 0 : i32
        %dma_wait3A_86 = arith.constant 0 : i32
        %dma_wait3A_87 = tpu.memref_slice %arg3[%dma_wait3A_85, %dma_wait3A_86] : memref<100000x1024xf32, #tpu.memory_space<hbm>> -> memref<32x1024xf32, #tpu.memory_space<hbm>>
        %dma_wait3A_88 = arith.constant 0 : i32
        %dma_wait3A_89 = arith.constant 0 : i32
        %dma_wait3A_90 = tpu.memref_slice %arg6[%dma_wait3A, %dma_wait3A_88, %dma_wait3A_89] : memref<2x32x1024xf32, #tpu.memory_space<vmem>> -> memref<1x32x1024xf32, #tpu.memory_space<vmem>>
        %dma_wait3A_91 = tpu.memref_squeeze %dma_wait3A_90 : memref<1x32x1024xf32, #tpu.memory_space<vmem>> -> memref<32x1024xf32, #tpu.memory_space<vmem>>
        %dma_wait3A_92 = arith.constant 0 : i32
        %dma_wait3A_93 = arith.constant 0 : i32
        %dma_wait3A_94 = tpu.memref_slice %arg3[%dma_wait3A_92, %dma_wait3A_93] : memref<100000x1024xf32, #tpu.memory_space<hbm>> -> memref<32x1024xf32, #tpu.memory_space<hbm>>
        tpu.wait_dma2 semaphore(%arg9 : memref<!tpu.dma_semaphore, #tpu.memory_space<semaphore_mem>>) src(%dma_wait3A_94 : memref<32x1024xf32, #tpu.memory_space<hbm>>) dst(%dma_wait3A_91 : memref<32x1024xf32, #tpu.memory_space<vmem>>)
        %dma_wait3A_95 = arith.constant 0 : i32
        %dma_wait3A_96 = arith.constant 1 : i32
        %dma_wait3A_97 = arith.constant 0 : i32
        %dma_wait3A_98 = arith.constant 0 : i32
        %dma_wait3A_99 = tpu.memref_slice %arg7[%dma_wait3A_96, %dma_wait3A_97, %dma_wait3A_98] : memref<2x4x128xf32, #tpu.memory_space<vmem>> -> memref<1x4x128xf32, #tpu.memory_space<vmem>>
        %dma_wait3A_100 = tpu.memref_squeeze %dma_wait3A_99 : memref<1x4x128xf32, #tpu.memory_space<vmem>> -> memref<4x128xf32, #tpu.memory_space<vmem>>
        %dma_wait3A_101 = arith.constant 0 : i32
        %dma_wait3A_102 = arith.constant 0 : i32
        %dma_wait3A_103 = tpu.memref_slice %arg2[%dma_wait3A_95, %dma_wait3A_101, %dma_wait3A_102] : memref<128x4x128xf32, #tpu.memory_space<hbm>> -> memref<1x4x128xf32, #tpu.memory_space<hbm>>
        %dma_wait3A_104 = tpu.memref_squeeze %dma_wait3A_103 : memref<1x4x128xf32, #tpu.memory_space<hbm>> -> memref<4x128xf32, #tpu.memory_space<hbm>>
        %dma_wait3A_105 = arith.constant 0 : i32
        %dma_wait3A_106 = arith.constant 0 : i32
        %dma_wait3A_107 = tpu.memref_slice %arg7[%dma_wait3A_96, %dma_wait3A_105, %dma_wait3A_106] : memref<2x4x128xf32, #tpu.memory_space<vmem>> -> memref<1x4x128xf32, #tpu.memory_space<vmem>>
        %dma_wait3A_108 = tpu.memref_squeeze %dma_wait3A_107 : memref<1x4x128xf32, #tpu.memory_space<vmem>> -> memref<4x128xf32, #tpu.memory_space<vmem>>
        %dma_wait3A_109 = arith.constant 0 : i32
        %dma_wait3A_110 = arith.constant 0 : i32
        %dma_wait3A_111 = tpu.memref_slice %arg2[%dma_wait3A_95, %dma_wait3A_109, %dma_wait3A_110] : memref<128x4x128xf32, #tpu.memory_space<hbm>> -> memref<1x4x128xf32, #tpu.memory_space<hbm>>
        %dma_wait3A_112 = tpu.memref_squeeze %dma_wait3A_111 : memref<1x4x128xf32, #tpu.memory_space<hbm>> -> memref<4x128xf32, #tpu.memory_space<hbm>>
        tpu.wait_dma2 semaphore(%arg11 : memref<!tpu.dma_semaphore, #tpu.memory_space<semaphore_mem>>) src(%dma_wait3A_112 : memref<4x128xf32, #tpu.memory_space<hbm>>) dst(%dma_wait3A_108 : memref<4x128xf32, #tpu.memory_space<vmem>>)
      } else {
      }
      %scan3A_75 = arith.constant 0 : i32
      %scan3A_76 = arith.constant 0 : i32
      %scan3A_77 = arith.constant 32 : i32
      %scan3A_78 = arith.addi %scan3A_76, %scan3A_77 : i32
      %scan3A_79 = arith.constant 1 : i32
      scf.for %scan3A_81 = %scan3A_76 to %scan3A_78 step %scan3A_79  : i32 {
        %mul3A_82 = arith.constant 32 : i32
        %mul3A_83 = arith.muli %scan3A_81, %mul3A_82 : i32
        %add3A_84 = arith.constant 0 : i32
        %add3A_85 = arith.addi %mul3A_83, %add3A_84 : i32
        %get3A = arith.constant 0 : i32
        %get3A_86 = arith.index_cast %get3A : i32 to index
        %get3A_87 = arith.index_cast %add3A_85 : i32 to index
        %get3A_88 = tpu.vector_load %arg5[%get3A_86, %get3A_87] {strides = array<i32>} : memref<16x1024xf32, #tpu.memory_space<vmem>>, vector<1x16xf32>,
        %get3A_89 = vector.shape_cast %get3A_88 : vector<1x16xf32> to vector<16xf32>
        %add3A_90 = arith.constant 16 : i32
        %add3A_91 = arith.addi %mul3A_83, %add3A_90 : i32
        %get3A_92 = arith.constant 0 : i32
        %get3A_93 = arith.index_cast %get3A_92 : i32 to index
        %get3A_94 = arith.index_cast %add3A_91 : i32 to index
        %get3A_95 = tpu.vector_load %arg5[%get3A_93, %get3A_94] {strides = array<i32>} : memref<16x1024xf32, #tpu.memory_space<vmem>>, vector<1x16xf32>,
        %get3A_96 = vector.shape_cast %get3A_95 : vector<1x16xf32> to vector<16xf32>
        %add3A_97 = arith.constant 0 : i32
        %add3A_98 = arith.addi %mul3A_83, %add3A_97 : i32
        %get3A_99 = arith.constant 1 : i32
        %get3A_100 = arith.index_cast %get3A_99 : i32 to index
        %get3A_101 = arith.index_cast %add3A_98 : i32 to index
        %get3A_102 = tpu.vector_load %arg5[%get3A_100, %get3A_101] {strides = array<i32>} : memref<16x1024xf32, #tpu.memory_space<vmem>>, vector<1x16xf32>,
        %get3A_103 = vector.shape_cast %get3A_102 : vector<1x16xf32> to vector<16xf32>
        %add3A_104 = arith.constant 16 : i32
        %add3A_105 = arith.addi %mul3A_83, %add3A_104 : i32
        %get3A_106 = arith.constant 1 : i32
        %get3A_107 = arith.index_cast %get3A_106 : i32 to index
        %get3A_108 = arith.index_cast %add3A_105 : i32 to index
        %get3A_109 = tpu.vector_load %arg5[%get3A_107, %get3A_108] {strides = array<i32>} : memref<16x1024xf32, #tpu.memory_space<vmem>>, vector<1x16xf32>,
        %get3A_110 = vector.shape_cast %get3A_109 : vector<1x16xf32> to vector<16xf32>
        %add3A_111 = arith.constant 0 : i32
        %add3A_112 = arith.addi %mul3A_83, %add3A_111 : i32
        %get3A_113 = arith.constant 2 : i32
        %get3A_114 = arith.index_cast %get3A_113 : i32 to index
        %get3A_115 = arith.index_cast %add3A_112 : i32 to index
        %get3A_116 = tpu.vector_load %arg5[%get3A_114, %get3A_115] {strides = array<i32>} : memref<16x1024xf32, #tpu.memory_space<vmem>>, vector<1x16xf32>,
        %get3A_117 = vector.shape_cast %get3A_116 : vector<1x16xf32> to vector<16xf32>
        %add3A_118 = arith.constant 16 : i32
        %add3A_119 = arith.addi %mul3A_83, %add3A_118 : i32
        %get3A_120 = arith.constant 2 : i32
        %get3A_121 = arith.index_cast %get3A_120 : i32 to index
        %get3A_122 = arith.index_cast %add3A_119 : i32 to index
        %get3A_123 = tpu.vector_load %arg5[%get3A_121, %get3A_122] {strides = array<i32>} : memref<16x1024xf32, #tpu.memory_space<vmem>>, vector<1x16xf32>,
        %get3A_124 = vector.shape_cast %get3A_123 : vector<1x16xf32> to vector<16xf32>
        %add3A_125 = arith.constant 0 : i32
        %add3A_126 = arith.addi %mul3A_83, %add3A_125 : i32
        %get3A_127 = arith.constant 3 : i32
        %get3A_128 = arith.index_cast %get3A_127 : i32 to index
        %get3A_129 = arith.index_cast %add3A_126 : i32 to index
        %get3A_130 = tpu.vector_load %arg5[%get3A_128, %get3A_129] {strides = array<i32>} : memref<16x1024xf32, #tpu.memory_space<vmem>>, vector<1x16xf32>,
        %get3A_131 = vector.shape_cast %get3A_130 : vector<1x16xf32> to vector<16xf32>
        %add3A_132 = arith.constant 16 : i32
        %add3A_133 = arith.addi %mul3A_83, %add3A_132 : i32
        %get3A_134 = arith.constant 3 : i32
        %get3A_135 = arith.index_cast %get3A_134 : i32 to index
        %get3A_136 = arith.index_cast %add3A_133 : i32 to index
        %get3A_137 = tpu.vector_load %arg5[%get3A_135, %get3A_136] {strides = array<i32>} : memref<16x1024xf32, #tpu.memory_space<vmem>>, vector<1x16xf32>,
        %get3A_138 = vector.shape_cast %get3A_137 : vector<1x16xf32> to vector<16xf32>
        %add3A_139 = arith.constant 0 : i32
        %add3A_140 = arith.addi %mul3A_83, %add3A_139 : i32
        %get3A_141 = arith.constant 4 : i32
        %get3A_142 = arith.index_cast %get3A_141 : i32 to index
        %get3A_143 = arith.index_cast %add3A_140 : i32 to index
        %get3A_144 = tpu.vector_load %arg5[%get3A_142, %get3A_143] {strides = array<i32>} : memref<16x1024xf32, #tpu.memory_space<vmem>>, vector<1x16xf32>,
        %get3A_145 = vector.shape_cast %get3A_144 : vector<1x16xf32> to vector<16xf32>
        %add3A_146 = arith.constant 16 : i32
        %add3A_147 = arith.addi %mul3A_83, %add3A_146 : i32
        %get3A_148 = arith.constant 4 : i32
        %get3A_149 = arith.index_cast %get3A_148 : i32 to index
        %get3A_150 = arith.index_cast %add3A_147 : i32 to index
        %get3A_151 = tpu.vector_load %arg5[%get3A_149, %get3A_150] {strides = array<i32>} : memref<16x1024xf32, #tpu.memory_space<vmem>>, vector<1x16xf32>,
        %get3A_152 = vector.shape_cast %get3A_151 : vector<1x16xf32> to vector<16xf32>
        %add3A_153 = arith.constant 0 : i32
        %add3A_154 = arith.addi %mul3A_83, %add3A_153 : i32
        %get3A_155 = arith.constant 5 : i32
        %get3A_156 = arith.index_cast %get3A_155 : i32 to index
        %get3A_157 = arith.index_cast %add3A_154 : i32 to index
        %get3A_158 = tpu.vector_load %arg5[%get3A_156, %get3A_157] {strides = array<i32>} : memref<16x1024xf32, #tpu.memory_space<vmem>>, vector<1x16xf32>,
        %get3A_159 = vector.shape_cast %get3A_158 : vector<1x16xf32> to vector<16xf32>
        %add3A_160 = arith.constant 16 : i32
        %add3A_161 = arith.addi %mul3A_83, %add3A_160 : i32
        %get3A_162 = arith.constant 5 : i32
        %get3A_163 = arith.index_cast %get3A_162 : i32 to index
        %get3A_164 = arith.index_cast %add3A_161 : i32 to index
        %get3A_165 = tpu.vector_load %arg5[%get3A_163, %get3A_164] {strides = array<i32>} : memref<16x1024xf32, #tpu.memory_space<vmem>>, vector<1x16xf32>,
        %get3A_166 = vector.shape_cast %get3A_165 : vector<1x16xf32> to vector<16xf32>
        %add3A_167 = arith.constant 0 : i32
        %add3A_168 = arith.addi %mul3A_83, %add3A_167 : i32
        %get3A_169 = arith.constant 6 : i32
        %get3A_170 = arith.index_cast %get3A_169 : i32 to index
        %get3A_171 = arith.index_cast %add3A_168 : i32 to index
        %get3A_172 = tpu.vector_load %arg5[%get3A_170, %get3A_171] {strides = array<i32>} : memref<16x1024xf32, #tpu.memory_space<vmem>>, vector<1x16xf32>,
        %get3A_173 = vector.shape_cast %get3A_172 : vector<1x16xf32> to vector<16xf32>
        %add3A_174 = arith.constant 16 : i32
        %add3A_175 = arith.addi %mul3A_83, %add3A_174 : i32
        %get3A_176 = arith.constant 6 : i32
        %get3A_177 = arith.index_cast %get3A_176 : i32 to index
        %get3A_178 = arith.index_cast %add3A_175 : i32 to index
        %get3A_179 = tpu.vector_load %arg5[%get3A_177, %get3A_178] {strides = array<i32>} : memref<16x1024xf32, #tpu.memory_space<vmem>>, vector<1x16xf32>,
        %get3A_180 = vector.shape_cast %get3A_179 : vector<1x16xf32> to vector<16xf32>
        %add3A_181 = arith.constant 0 : i32
        %add3A_182 = arith.addi %mul3A_83, %add3A_181 : i32
        %get3A_183 = arith.constant 7 : i32
        %get3A_184 = arith.index_cast %get3A_183 : i32 to index
        %get3A_185 = arith.index_cast %add3A_182 : i32 to index
        %get3A_186 = tpu.vector_load %arg5[%get3A_184, %get3A_185] {strides = array<i32>} : memref<16x1024xf32, #tpu.memory_space<vmem>>, vector<1x16xf32>,
        %get3A_187 = vector.shape_cast %get3A_186 : vector<1x16xf32> to vector<16xf32>
        %add3A_188 = arith.constant 16 : i32
        %add3A_189 = arith.addi %mul3A_83, %add3A_188 : i32
        %get3A_190 = arith.constant 7 : i32
        %get3A_191 = arith.index_cast %get3A_190 : i32 to index
        %get3A_192 = arith.index_cast %add3A_189 : i32 to index
        %get3A_193 = tpu.vector_load %arg5[%get3A_191, %get3A_192] {strides = array<i32>} : memref<16x1024xf32, #tpu.memory_space<vmem>>, vector<1x16xf32>,
        %get3A_194 = vector.shape_cast %get3A_193 : vector<1x16xf32> to vector<16xf32>
        %add3A_195 = arith.constant 0 : i32
        %add3A_196 = arith.addi %mul3A_83, %add3A_195 : i32
        %get3A_197 = arith.constant 8 : i32
        %get3A_198 = arith.index_cast %get3A_197 : i32 to index
        %get3A_199 = arith.index_cast %add3A_196 : i32 to index
        %get3A_200 = tpu.vector_load %arg5[%get3A_198, %get3A_199] {strides = array<i32>} : memref<16x1024xf32, #tpu.memory_space<vmem>>, vector<1x16xf32>,
        %get3A_201 = vector.shape_cast %get3A_200 : vector<1x16xf32> to vector<16xf32>
        %add3A_202 = arith.constant 16 : i32
        %add3A_203 = arith.addi %mul3A_83, %add3A_202 : i32
        %get3A_204 = arith.constant 8 : i32
        %get3A_205 = arith.index_cast %get3A_204 : i32 to index
        %get3A_206 = arith.index_cast %add3A_203 : i32 to index
        %get3A_207 = tpu.vector_load %arg5[%get3A_205, %get3A_206] {strides = array<i32>} : memref<16x1024xf32, #tpu.memory_space<vmem>>, vector<1x16xf32>,
        %get3A_208 = vector.shape_cast %get3A_207 : vector<1x16xf32> to vector<16xf32>
        %add3A_209 = arith.constant 0 : i32
        %add3A_210 = arith.addi %mul3A_83, %add3A_209 : i32
        %get3A_211 = arith.constant 9 : i32
        %get3A_212 = arith.index_cast %get3A_211 : i32 to index
        %get3A_213 = arith.index_cast %add3A_210 : i32 to index
        %get3A_214 = tpu.vector_load %arg5[%get3A_212, %get3A_213] {strides = array<i32>} : memref<16x1024xf32, #tpu.memory_space<vmem>>, vector<1x16xf32>,
        %get3A_215 = vector.shape_cast %get3A_214 : vector<1x16xf32> to vector<16xf32>
        %add3A_216 = arith.constant 16 : i32
        %add3A_217 = arith.addi %mul3A_83, %add3A_216 : i32
        %get3A_218 = arith.constant 9 : i32
        %get3A_219 = arith.index_cast %get3A_218 : i32 to index
        %get3A_220 = arith.index_cast %add3A_217 : i32 to index
        %get3A_221 = tpu.vector_load %arg5[%get3A_219, %get3A_220] {strides = array<i32>} : memref<16x1024xf32, #tpu.memory_space<vmem>>, vector<1x16xf32>,
        %get3A_222 = vector.shape_cast %get3A_221 : vector<1x16xf32> to vector<16xf32>
        %add3A_223 = arith.constant 0 : i32
        %add3A_224 = arith.addi %mul3A_83, %add3A_223 : i32
        %get3A_225 = arith.constant 10 : i32
        %get3A_226 = arith.index_cast %get3A_225 : i32 to index
        %get3A_227 = arith.index_cast %add3A_224 : i32 to index
        %get3A_228 = tpu.vector_load %arg5[%get3A_226, %get3A_227] {strides = array<i32>} : memref<16x1024xf32, #tpu.memory_space<vmem>>, vector<1x16xf32>,
        %get3A_229 = vector.shape_cast %get3A_228 : vector<1x16xf32> to vector<16xf32>
        %add3A_230 = arith.constant 16 : i32
        %add3A_231 = arith.addi %mul3A_83, %add3A_230 : i32
        %get3A_232 = arith.constant 10 : i32
        %get3A_233 = arith.index_cast %get3A_232 : i32 to index
        %get3A_234 = arith.index_cast %add3A_231 : i32 to index
        %get3A_235 = tpu.vector_load %arg5[%get3A_233, %get3A_234] {strides = array<i32>} : memref<16x1024xf32, #tpu.memory_space<vmem>>, vector<1x16xf32>,
        %get3A_236 = vector.shape_cast %get3A_235 : vector<1x16xf32> to vector<16xf32>
        %add3A_237 = arith.constant 0 : i32
        %add3A_238 = arith.addi %mul3A_83, %add3A_237 : i32
        %get3A_239 = arith.constant 11 : i32
        %get3A_240 = arith.index_cast %get3A_239 : i32 to index
        %get3A_241 = arith.index_cast %add3A_238 : i32 to index
        %get3A_242 = tpu.vector_load %arg5[%get3A_240, %get3A_241] {strides = array<i32>} : memref<16x1024xf32, #tpu.memory_space<vmem>>, vector<1x16xf32>,
        %get3A_243 = vector.shape_cast %get3A_242 : vector<1x16xf32> to vector<16xf32>
        %add3A_244 = arith.constant 16 : i32
        %add3A_245 = arith.addi %mul3A_83, %add3A_244 : i32
        %get3A_246 = arith.constant 11 : i32
        %get3A_247 = arith.index_cast %get3A_246 : i32 to index
        %get3A_248 = arith.index_cast %add3A_245 : i32 to index
        %get3A_249 = tpu.vector_load %arg5[%get3A_247, %get3A_248] {strides = array<i32>} : memref<16x1024xf32, #tpu.memory_space<vmem>>, vector<1x16xf32>,
        %get3A_250 = vector.shape_cast %get3A_249 : vector<1x16xf32> to vector<16xf32>
        %add3A_251 = arith.constant 0 : i32
        %add3A_252 = arith.addi %mul3A_83, %add3A_251 : i32
        %get3A_253 = arith.constant 12 : i32
        %get3A_254 = arith.index_cast %get3A_253 : i32 to index
        %get3A_255 = arith.index_cast %add3A_252 : i32 to index
        %get3A_256 = tpu.vector_load %arg5[%get3A_254, %get3A_255] {strides = array<i32>} : memref<16x1024xf32, #tpu.memory_space<vmem>>, vector<1x16xf32>,
        %get3A_257 = vector.shape_cast %get3A_256 : vector<1x16xf32> to vector<16xf32>
        %add3A_258 = arith.constant 16 : i32
        %add3A_259 = arith.addi %mul3A_83, %add3A_258 : i32
        %get3A_260 = arith.constant 12 : i32
        %get3A_261 = arith.index_cast %get3A_260 : i32 to index
        %get3A_262 = arith.index_cast %add3A_259 : i32 to index
        %get3A_263 = tpu.vector_load %arg5[%get3A_261, %get3A_262] {strides = array<i32>} : memref<16x1024xf32, #tpu.memory_space<vmem>>, vector<1x16xf32>,
        %get3A_264 = vector.shape_cast %get3A_263 : vector<1x16xf32> to vector<16xf32>
        %add3A_265 = arith.constant 0 : i32
        %add3A_266 = arith.addi %mul3A_83, %add3A_265 : i32
        %get3A_267 = arith.constant 13 : i32
        %get3A_268 = arith.index_cast %get3A_267 : i32 to index
        %get3A_269 = arith.index_cast %add3A_266 : i32 to index
        %get3A_270 = tpu.vector_load %arg5[%get3A_268, %get3A_269] {strides = array<i32>} : memref<16x1024xf32, #tpu.memory_space<vmem>>, vector<1x16xf32>,
        %get3A_271 = vector.shape_cast %get3A_270 : vector<1x16xf32> to vector<16xf32>
        %add3A_272 = arith.constant 16 : i32
        %add3A_273 = arith.addi %mul3A_83, %add3A_272 : i32
        %get3A_274 = arith.constant 13 : i32
        %get3A_275 = arith.index_cast %get3A_274 : i32 to index
        %get3A_276 = arith.index_cast %add3A_273 : i32 to index
        %get3A_277 = tpu.vector_load %arg5[%get3A_275, %get3A_276] {strides = array<i32>} : memref<16x1024xf32, #tpu.memory_space<vmem>>, vector<1x16xf32>,
        %get3A_278 = vector.shape_cast %get3A_277 : vector<1x16xf32> to vector<16xf32>
        %add3A_279 = arith.constant 0 : i32
        %add3A_280 = arith.addi %mul3A_83, %add3A_279 : i32
        %get3A_281 = arith.constant 14 : i32
        %get3A_282 = arith.index_cast %get3A_281 : i32 to index
        %get3A_283 = arith.index_cast %add3A_280 : i32 to index
        %get3A_284 = tpu.vector_load %arg5[%get3A_282, %get3A_283] {strides = array<i32>} : memref<16x1024xf32, #tpu.memory_space<vmem>>, vector<1x16xf32>,
        %get3A_285 = vector.shape_cast %get3A_284 : vector<1x16xf32> to vector<16xf32>
        %add3A_286 = arith.constant 16 : i32
        %add3A_287 = arith.addi %mul3A_83, %add3A_286 : i32
        %get3A_288 = arith.constant 14 : i32
        %get3A_289 = arith.index_cast %get3A_288 : i32 to index
        %get3A_290 = arith.index_cast %add3A_287 : i32 to index
        %get3A_291 = tpu.vector_load %arg5[%get3A_289, %get3A_290] {strides = array<i32>} : memref<16x1024xf32, #tpu.memory_space<vmem>>, vector<1x16xf32>,
        %get3A_292 = vector.shape_cast %get3A_291 : vector<1x16xf32> to vector<16xf32>
        %add3A_293 = arith.constant 0 : i32
        %add3A_294 = arith.addi %mul3A_83, %add3A_293 : i32
        %get3A_295 = arith.constant 15 : i32
        %get3A_296 = arith.index_cast %get3A_295 : i32 to index
        %get3A_297 = arith.index_cast %add3A_294 : i32 to index
        %get3A_298 = tpu.vector_load %arg5[%get3A_296, %get3A_297] {strides = array<i32>} : memref<16x1024xf32, #tpu.memory_space<vmem>>, vector<1x16xf32>,
        %get3A_299 = vector.shape_cast %get3A_298 : vector<1x16xf32> to vector<16xf32>
        %add3A_300 = arith.constant 16 : i32
        %add3A_301 = arith.addi %mul3A_83, %add3A_300 : i32
        %get3A_302 = arith.constant 15 : i32
        %get3A_303 = arith.index_cast %get3A_302 : i32 to index
        %get3A_304 = arith.index_cast %add3A_301 : i32 to index
        %get3A_305 = tpu.vector_load %arg5[%get3A_303, %get3A_304] {strides = array<i32>} : memref<16x1024xf32, #tpu.memory_space<vmem>>, vector<1x16xf32>,
        %get3A_306 = vector.shape_cast %get3A_305 : vector<1x16xf32> to vector<16xf32>
        %scan3A_307 = arith.constant 0 : i32
        %scan3A_308 = arith.constant 16 : i32
        %scan3A_309 = arith.addi %scan3A_307, %scan3A_308 : i32
        %scan3A_310 = arith.constant 1 : i32
        %scan3A_311:32 = scf.for %scan3A_574 = %scan3A_307 to %scan3A_309 step %scan3A_310 iter_args(%scan3A_575 = %get3A_89, %scan3A_576 = %get3A_96, %scan3A_577 = %get3A_103, %scan3A_578 = %get3A_110, %scan3A_579 = %get3A_117, %scan3A_580 = %get3A_124, %scan3A_581 = %get3A_131, %scan3A_582 = %get3A_138, %scan3A_583 = %get3A_145, %scan3A_584 = %get3A_152, %scan3A_585 = %get3A_159, %scan3A_586 = %get3A_166, %scan3A_587 = %get3A_173, %scan3A_588 = %get3A_180, %scan3A_589 = %get3A_187, %scan3A_590 = %get3A_194, %scan3A_591 = %get3A_201, %scan3A_592 = %get3A_208, %scan3A_593 = %get3A_215, %scan3A_594 = %get3A_222, %scan3A_595 = %get3A_229, %scan3A_596 = %get3A_236, %scan3A_597 = %get3A_243, %scan3A_598 = %get3A_250, %scan3A_599 = %get3A_257, %scan3A_600 = %get3A_264, %scan3A_601 = %get3A_271, %scan3A_602 = %get3A_278, %scan3A_603 = %get3A_285, %scan3A_604 = %get3A_292, %scan3A_605 = %get3A_299, %scan3A_606 = %get3A_306) -> (vector<16xf32>, vector<16xf32>, vector<16xf32>, vector<16xf32>, vector<16xf32>, vector<16xf32>, vector<16xf32>, vector<16xf32>, vector<16xf32>, vector<16xf32>, vector<16xf32>, vector<16xf32>, vector<16xf32>, vector<16xf32>, vector<16xf32>, vector<16xf32>, vector<16xf32>, vector<16xf32>, vector<16xf32>, vector<16xf32>, vector<16xf32>, vector<16xf32>, vector<16xf32>, vector<16xf32>, vector<16xf32>, vector<16xf32>, vector<16xf32>, vector<16xf32>, vector<16xf32>, vector<16xf32>, vector<16xf32>, vector<16xf32>)  : i32 {
          %sub3A_607 = arith.constant 0 : i32
          %sub3A_608 = arith.subi %scan3A_574, %sub3A_607 : i32
          %broadcast_in_dim3A_609 = vector.broadcast %sub3A_608 : i32 to vector<16xi32>
          %add3A_610 = arith.constant 0 : i32
          %add3A_611 = arith.addi %mul3A_83, %add3A_610 : i32
          %get3A_612 = arith.index_cast %rem3A_61 : i32 to index
          %get3A_613 = arith.index_cast %scan3A_574 : i32 to index
          %get3A_614 = arith.index_cast %add3A_611 : i32 to index
          %get3A_615 = tpu.vector_load %arg6[%get3A_612, %get3A_613, %get3A_614] {strides = array<i32>} : memref<2x32x1024xf32, #tpu.memory_space<vmem>>, vector<1x1x16xf32>,
          %get3A_616 = vector.shape_cast %get3A_615 : vector<1x1x16xf32> to vector<16xf32>
          %add3A_617 = arith.constant 16 : i32
          %add3A_618 = arith.addi %mul3A_83, %add3A_617 : i32
          %get3A_619 = arith.index_cast %rem3A_61 : i32 to index
          %get3A_620 = arith.index_cast %scan3A_574 : i32 to index
          %get3A_621 = arith.index_cast %add3A_618 : i32 to index
          %get3A_622 = tpu.vector_load %arg6[%get3A_619, %get3A_620, %get3A_621] {strides = array<i32>} : memref<2x32x1024xf32, #tpu.memory_space<vmem>>, vector<1x1x16xf32>,
          %get3A_623 = vector.shape_cast %get3A_622 : vector<1x1x16xf32> to vector<16xf32>
          %get3A_624 = arith.constant 0 : i32
          %get3A_625 = arith.index_cast %rem3A_61 : i32 to index
          %get3A_626 = arith.index_cast %get3A_624 : i32 to index
          %get3A_627 = arith.constant 0 : index
          %get3A_628 = tpu.vector_load %arg7[%get3A_625, %get3A_626, %get3A_627] {strides = array<i32>} : memref<2x4x128xf32, #tpu.memory_space<vmem>>, vector<1x1x16xf32>,
          %get3A_629 = vector.shape_cast %get3A_628 : vector<1x1x16xf32> to vector<16xf32>
          %broadcast_in_dim3A_630 = vector.shape_cast %broadcast_in_dim3A_609 : vector<16xi32> to vector<16x1xi32>
          %gather3A = vector.shape_cast %broadcast_in_dim3A_630 : vector<16x1xi32> to vector<16xi32>
          %gather3A_631 = tpu.dynamic_gather %get3A_629[%gather3A] in [0] : vector<16xf32>, vector<16xi32> -> vector<16xf32>
          %mul3A_632 = arith.mulf %get3A_616, %gather3A_631 : vector<16xf32>
          %add3A_633 = arith.addf %scan3A_575, %mul3A_632 : vector<16xf32>
          %mul3A_634 = arith.mulf %get3A_623, %gather3A_631 : vector<16xf32>
          %add3A_635 = arith.addf %scan3A_576, %mul3A_634 : vector<16xf32>
          %get3A_636 = arith.constant 0 : i32
          %get3A_637 = arith.index_cast %rem3A_61 : i32 to index
          %get3A_638 = arith.index_cast %get3A_636 : i32 to index
          %get3A_639 = arith.constant 32 : index
          %get3A_640 = tpu.vector_load %arg7[%get3A_637, %get3A_638, %get3A_639] {strides = array<i32>} : memref<2x4x128xf32, #tpu.memory_space<vmem>>, vector<1x1x16xf32>,
          %get3A_641 = vector.shape_cast %get3A_640 : vector<1x1x16xf32> to vector<16xf32>
          %broadcast_in_dim3A_642 = vector.shape_cast %broadcast_in_dim3A_609 : vector<16xi32> to vector<16x1xi32>
          %gather3A_643 = vector.shape_cast %broadcast_in_dim3A_642 : vector<16x1xi32> to vector<16xi32>
          %gather3A_644 = tpu.dynamic_gather %get3A_641[%gather3A_643] in [0] : vector<16xf32>, vector<16xi32> -> vector<16xf32>
          %mul3A_645 = arith.mulf %get3A_616, %gather3A_644 : vector<16xf32>
          %add3A_646 = arith.addf %scan3A_577, %mul3A_645 : vector<16xf32>
          %mul3A_647 = arith.mulf %get3A_623, %gather3A_644 : vector<16xf32>
          %add3A_648 = arith.addf %scan3A_578, %mul3A_647 : vector<16xf32>
          %get3A_649 = arith.constant 0 : i32
          %get3A_650 = arith.index_cast %rem3A_61 : i32 to index
          %get3A_651 = arith.index_cast %get3A_649 : i32 to index
          %get3A_652 = arith.constant 64 : index
          %get3A_653 = tpu.vector_load %arg7[%get3A_650, %get3A_651, %get3A_652] {strides = array<i32>} : memref<2x4x128xf32, #tpu.memory_space<vmem>>, vector<1x1x16xf32>,
          %get3A_654 = vector.shape_cast %get3A_653 : vector<1x1x16xf32> to vector<16xf32>
          %broadcast_in_dim3A_655 = vector.shape_cast %broadcast_in_dim3A_609 : vector<16xi32> to vector<16x1xi32>
          %gather3A_656 = vector.shape_cast %broadcast_in_dim3A_655 : vector<16x1xi32> to vector<16xi32>
          %gather3A_657 = tpu.dynamic_gather %get3A_654[%gather3A_656] in [0] : vector<16xf32>, vector<16xi32> -> vector<16xf32>
          %mul3A_658 = arith.mulf %get3A_616, %gather3A_657 : vector<16xf32>
          %add3A_659 = arith.addf %scan3A_579, %mul3A_658 : vector<16xf32>
          %mul3A_660 = arith.mulf %get3A_623, %gather3A_657 : vector<16xf32>
          %add3A_661 = arith.addf %scan3A_580, %mul3A_660 : vector<16xf32>
          %get3A_662 = arith.constant 0 : i32
          %get3A_663 = arith.index_cast %rem3A_61 : i32 to index
          %get3A_664 = arith.index_cast %get3A_662 : i32 to index
          %get3A_665 = arith.constant 96 : index
          %get3A_666 = tpu.vector_load %arg7[%get3A_663, %get3A_664, %get3A_665] {strides = array<i32>} : memref<2x4x128xf32, #tpu.memory_space<vmem>>, vector<1x1x16xf32>,
          %get3A_667 = vector.shape_cast %get3A_666 : vector<1x1x16xf32> to vector<16xf32>
          %broadcast_in_dim3A_668 = vector.shape_cast %broadcast_in_dim3A_609 : vector<16xi32> to vector<16x1xi32>
          %gather3A_669 = vector.shape_cast %broadcast_in_dim3A_668 : vector<16x1xi32> to vector<16xi32>
          %gather3A_670 = tpu.dynamic_gather %get3A_667[%gather3A_669] in [0] : vector<16xf32>, vector<16xi32> -> vector<16xf32>
          %mul3A_671 = arith.mulf %get3A_616, %gather3A_670 : vector<16xf32>
          %add3A_672 = arith.addf %scan3A_581, %mul3A_671 : vector<16xf32>
          %mul3A_673 = arith.mulf %get3A_623, %gather3A_670 : vector<16xf32>
          %add3A_674 = arith.addf %scan3A_582, %mul3A_673 : vector<16xf32>
          %get3A_675 = arith.constant 1 : i32
          %get3A_676 = arith.index_cast %rem3A_61 : i32 to index
          %get3A_677 = arith.index_cast %get3A_675 : i32 to index
          %get3A_678 = arith.constant 0 : index
          %get3A_679 = tpu.vector_load %arg7[%get3A_676, %get3A_677, %get3A_678] {strides = array<i32>} : memref<2x4x128xf32, #tpu.memory_space<vmem>>, vector<1x1x16xf32>,
          %get3A_680 = vector.shape_cast %get3A_679 : vector<1x1x16xf32> to vector<16xf32>
          %broadcast_in_dim3A_681 = vector.shape_cast %broadcast_in_dim3A_609 : vector<16xi32> to vector<16x1xi32>
          %gather3A_682 = vector.shape_cast %broadcast_in_dim3A_681 : vector<16x1xi32> to vector<16xi32>
          %gather3A_683 = tpu.dynamic_gather %get3A_680[%gather3A_682] in [0] : vector<16xf32>, vector<16xi32> -> vector<16xf32>
          %mul3A_684 = arith.mulf %get3A_616, %gather3A_683 : vector<16xf32>
          %add3A_685 = arith.addf %scan3A_583, %mul3A_684 : vector<16xf32>
          %mul3A_686 = arith.mulf %get3A_623, %gather3A_683 : vector<16xf32>
          %add3A_687 = arith.addf %scan3A_584, %mul3A_686 : vector<16xf32>
          %get3A_688 = arith.constant 1 : i32
          %get3A_689 = arith.index_cast %rem3A_61 : i32 to index
          %get3A_690 = arith.index_cast %get3A_688 : i32 to index
          %get3A_691 = arith.constant 32 : index
          %get3A_692 = tpu.vector_load %arg7[%get3A_689, %get3A_690, %get3A_691] {strides = array<i32>} : memref<2x4x128xf32, #tpu.memory_space<vmem>>, vector<1x1x16xf32>,
          %get3A_693 = vector.shape_cast %get3A_692 : vector<1x1x16xf32> to vector<16xf32>
          %broadcast_in_dim3A_694 = vector.shape_cast %broadcast_in_dim3A_609 : vector<16xi32> to vector<16x1xi32>
          %gather3A_695 = vector.shape_cast %broadcast_in_dim3A_694 : vector<16x1xi32> to vector<16xi32>
          %gather3A_696 = tpu.dynamic_gather %get3A_693[%gather3A_695] in [0] : vector<16xf32>, vector<16xi32> -> vector<16xf32>
          %mul3A_697 = arith.mulf %get3A_616, %gather3A_696 : vector<16xf32>
          %add3A_698 = arith.addf %scan3A_585, %mul3A_697 : vector<16xf32>
          %mul3A_699 = arith.mulf %get3A_623, %gather3A_696 : vector<16xf32>
          %add3A_700 = arith.addf %scan3A_586, %mul3A_699 : vector<16xf32>
          %get3A_701 = arith.constant 1 : i32
          %get3A_702 = arith.index_cast %rem3A_61 : i32 to index
          %get3A_703 = arith.index_cast %get3A_701 : i32 to index
          %get3A_704 = arith.constant 64 : index
          %get3A_705 = tpu.vector_load %arg7[%get3A_702, %get3A_703, %get3A_704] {strides = array<i32>} : memref<2x4x128xf32, #tpu.memory_space<vmem>>, vector<1x1x16xf32>,
          %get3A_706 = vector.shape_cast %get3A_705 : vector<1x1x16xf32> to vector<16xf32>
          %broadcast_in_dim3A_707 = vector.shape_cast %broadcast_in_dim3A_609 : vector<16xi32> to vector<16x1xi32>
          %gather3A_708 = vector.shape_cast %broadcast_in_dim3A_707 : vector<16x1xi32> to vector<16xi32>
          %gather3A_709 = tpu.dynamic_gather %get3A_706[%gather3A_708] in [0] : vector<16xf32>, vector<16xi32> -> vector<16xf32>
          %mul3A_710 = arith.mulf %get3A_616, %gather3A_709 : vector<16xf32>
          %add3A_711 = arith.addf %scan3A_587, %mul3A_710 : vector<16xf32>
          %mul3A_712 = arith.mulf %get3A_623, %gather3A_709 : vector<16xf32>
          %add3A_713 = arith.addf %scan3A_588, %mul3A_712 : vector<16xf32>
          %get3A_714 = arith.constant 1 : i32
          %get3A_715 = arith.index_cast %rem3A_61 : i32 to index
          %get3A_716 = arith.index_cast %get3A_714 : i32 to index
          %get3A_717 = arith.constant 96 : index
          %get3A_718 = tpu.vector_load %arg7[%get3A_715, %get3A_716, %get3A_717] {strides = array<i32>} : memref<2x4x128xf32, #tpu.memory_space<vmem>>, vector<1x1x16xf32>,
          %get3A_719 = vector.shape_cast %get3A_718 : vector<1x1x16xf32> to vector<16xf32>
          %broadcast_in_dim3A_720 = vector.shape_cast %broadcast_in_dim3A_609 : vector<16xi32> to vector<16x1xi32>
          %gather3A_721 = vector.shape_cast %broadcast_in_dim3A_720 : vector<16x1xi32> to vector<16xi32>
          %gather3A_722 = tpu.dynamic_gather %get3A_719[%gather3A_721] in [0] : vector<16xf32>, vector<16xi32> -> vector<16xf32>
          %mul3A_723 = arith.mulf %get3A_616, %gather3A_722 : vector<16xf32>
          %add3A_724 = arith.addf %scan3A_589, %mul3A_723 : vector<16xf32>
          %mul3A_725 = arith.mulf %get3A_623, %gather3A_722 : vector<16xf32>
          %add3A_726 = arith.addf %scan3A_590, %mul3A_725 : vector<16xf32>
          %get3A_727 = arith.constant 2 : i32
          %get3A_728 = arith.index_cast %rem3A_61 : i32 to index
          %get3A_729 = arith.index_cast %get3A_727 : i32 to index
          %get3A_730 = arith.constant 0 : index
          %get3A_731 = tpu.vector_load %arg7[%get3A_728, %get3A_729, %get3A_730] {strides = array<i32>} : memref<2x4x128xf32, #tpu.memory_space<vmem>>, vector<1x1x16xf32>,
          %get3A_732 = vector.shape_cast %get3A_731 : vector<1x1x16xf32> to vector<16xf32>
          %broadcast_in_dim3A_733 = vector.shape_cast %broadcast_in_dim3A_609 : vector<16xi32> to vector<16x1xi32>
          %gather3A_734 = vector.shape_cast %broadcast_in_dim3A_733 : vector<16x1xi32> to vector<16xi32>
          %gather3A_735 = tpu.dynamic_gather %get3A_732[%gather3A_734] in [0] : vector<16xf32>, vector<16xi32> -> vector<16xf32>
          %mul3A_736 = arith.mulf %get3A_616, %gather3A_735 : vector<16xf32>
          %add3A_737 = arith.addf %scan3A_591, %mul3A_736 : vector<16xf32>
          %mul3A_738 = arith.mulf %get3A_623, %gather3A_735 : vector<16xf32>
          %add3A_739 = arith.addf %scan3A_592, %mul3A_738 : vector<16xf32>
          %get3A_740 = arith.constant 2 : i32
          %get3A_741 = arith.index_cast %rem3A_61 : i32 to index
          %get3A_742 = arith.index_cast %get3A_740 : i32 to index
          %get3A_743 = arith.constant 32 : index
          %get3A_744 = tpu.vector_load %arg7[%get3A_741, %get3A_742, %get3A_743] {strides = array<i32>} : memref<2x4x128xf32, #tpu.memory_space<vmem>>, vector<1x1x16xf32>,
          %get3A_745 = vector.shape_cast %get3A_744 : vector<1x1x16xf32> to vector<16xf32>
          %broadcast_in_dim3A_746 = vector.shape_cast %broadcast_in_dim3A_609 : vector<16xi32> to vector<16x1xi32>
          %gather3A_747 = vector.shape_cast %broadcast_in_dim3A_746 : vector<16x1xi32> to vector<16xi32>
          %gather3A_748 = tpu.dynamic_gather %get3A_745[%gather3A_747] in [0] : vector<16xf32>, vector<16xi32> -> vector<16xf32>
          %mul3A_749 = arith.mulf %get3A_616, %gather3A_748 : vector<16xf32>
          %add3A_750 = arith.addf %scan3A_593, %mul3A_749 : vector<16xf32>
          %mul3A_751 = arith.mulf %get3A_623, %gather3A_748 : vector<16xf32>
          %add3A_752 = arith.addf %scan3A_594, %mul3A_751 : vector<16xf32>
          %get3A_753 = arith.constant 2 : i32
          %get3A_754 = arith.index_cast %rem3A_61 : i32 to index
          %get3A_755 = arith.index_cast %get3A_753 : i32 to index
          %get3A_756 = arith.constant 64 : index
          %get3A_757 = tpu.vector_load %arg7[%get3A_754, %get3A_755, %get3A_756] {strides = array<i32>} : memref<2x4x128xf32, #tpu.memory_space<vmem>>, vector<1x1x16xf32>,
          %get3A_758 = vector.shape_cast %get3A_757 : vector<1x1x16xf32> to vector<16xf32>
          %broadcast_in_dim3A_759 = vector.shape_cast %broadcast_in_dim3A_609 : vector<16xi32> to vector<16x1xi32>
          %gather3A_760 = vector.shape_cast %broadcast_in_dim3A_759 : vector<16x1xi32> to vector<16xi32>
          %gather3A_761 = tpu.dynamic_gather %get3A_758[%gather3A_760] in [0] : vector<16xf32>, vector<16xi32> -> vector<16xf32>
          %mul3A_762 = arith.mulf %get3A_616, %gather3A_761 : vector<16xf32>
          %add3A_763 = arith.addf %scan3A_595, %mul3A_762 : vector<16xf32>
          %mul3A_764 = arith.mulf %get3A_623, %gather3A_761 : vector<16xf32>
          %add3A_765 = arith.addf %scan3A_596, %mul3A_764 : vector<16xf32>
          %get3A_766 = arith.constant 2 : i32
          %get3A_767 = arith.index_cast %rem3A_61 : i32 to index
          %get3A_768 = arith.index_cast %get3A_766 : i32 to index
          %get3A_769 = arith.constant 96 : index
          %get3A_770 = tpu.vector_load %arg7[%get3A_767, %get3A_768, %get3A_769] {strides = array<i32>} : memref<2x4x128xf32, #tpu.memory_space<vmem>>, vector<1x1x16xf32>,
          %get3A_771 = vector.shape_cast %get3A_770 : vector<1x1x16xf32> to vector<16xf32>
          %broadcast_in_dim3A_772 = vector.shape_cast %broadcast_in_dim3A_609 : vector<16xi32> to vector<16x1xi32>
          %gather3A_773 = vector.shape_cast %broadcast_in_dim3A_772 : vector<16x1xi32> to vector<16xi32>
          %gather3A_774 = tpu.dynamic_gather %get3A_771[%gather3A_773] in [0] : vector<16xf32>, vector<16xi32> -> vector<16xf32>
          %mul3A_775 = arith.mulf %get3A_616, %gather3A_774 : vector<16xf32>
          %add3A_776 = arith.addf %scan3A_597, %mul3A_775 : vector<16xf32>
          %mul3A_777 = arith.mulf %get3A_623, %gather3A_774 : vector<16xf32>
          %add3A_778 = arith.addf %scan3A_598, %mul3A_777 : vector<16xf32>
          %get3A_779 = arith.constant 3 : i32
          %get3A_780 = arith.index_cast %rem3A_61 : i32 to index
          %get3A_781 = arith.index_cast %get3A_779 : i32 to index
          %get3A_782 = arith.constant 0 : index
          %get3A_783 = tpu.vector_load %arg7[%get3A_780, %get3A_781, %get3A_782] {strides = array<i32>} : memref<2x4x128xf32, #tpu.memory_space<vmem>>, vector<1x1x16xf32>,
          %get3A_784 = vector.shape_cast %get3A_783 : vector<1x1x16xf32> to vector<16xf32>
          %broadcast_in_dim3A_785 = vector.shape_cast %broadcast_in_dim3A_609 : vector<16xi32> to vector<16x1xi32>
          %gather3A_786 = vector.shape_cast %broadcast_in_dim3A_785 : vector<16x1xi32> to vector<16xi32>
          %gather3A_787 = tpu.dynamic_gather %get3A_784[%gather3A_786] in [0] : vector<16xf32>, vector<16xi32> -> vector<16xf32>
          %mul3A_788 = arith.mulf %get3A_616, %gather3A_787 : vector<16xf32>
          %add3A_789 = arith.addf %scan3A_599, %mul3A_788 : vector<16xf32>
          %mul3A_790 = arith.mulf %get3A_623, %gather3A_787 : vector<16xf32>
          %add3A_791 = arith.addf %scan3A_600, %mul3A_790 : vector<16xf32>
          %get3A_792 = arith.constant 3 : i32
          %get3A_793 = arith.index_cast %rem3A_61 : i32 to index
          %get3A_794 = arith.index_cast %get3A_792 : i32 to index
          %get3A_795 = arith.constant 32 : index
          %get3A_796 = tpu.vector_load %arg7[%get3A_793, %get3A_794, %get3A_795] {strides = array<i32>} : memref<2x4x128xf32, #tpu.memory_space<vmem>>, vector<1x1x16xf32>,
          %get3A_797 = vector.shape_cast %get3A_796 : vector<1x1x16xf32> to vector<16xf32>
          %broadcast_in_dim3A_798 = vector.shape_cast %broadcast_in_dim3A_609 : vector<16xi32> to vector<16x1xi32>
          %gather3A_799 = vector.shape_cast %broadcast_in_dim3A_798 : vector<16x1xi32> to vector<16xi32>
          %gather3A_800 = tpu.dynamic_gather %get3A_797[%gather3A_799] in [0] : vector<16xf32>, vector<16xi32> -> vector<16xf32>
          %mul3A_801 = arith.mulf %get3A_616, %gather3A_800 : vector<16xf32>
          %add3A_802 = arith.addf %scan3A_601, %mul3A_801 : vector<16xf32>
          %mul3A_803 = arith.mulf %get3A_623, %gather3A_800 : vector<16xf32>
          %add3A_804 = arith.addf %scan3A_602, %mul3A_803 : vector<16xf32>
          %get3A_805 = arith.constant 3 : i32
          %get3A_806 = arith.index_cast %rem3A_61 : i32 to index
          %get3A_807 = arith.index_cast %get3A_805 : i32 to index
          %get3A_808 = arith.constant 64 : index
          %get3A_809 = tpu.vector_load %arg7[%get3A_806, %get3A_807, %get3A_808] {strides = array<i32>} : memref<2x4x128xf32, #tpu.memory_space<vmem>>, vector<1x1x16xf32>,
          %get3A_810 = vector.shape_cast %get3A_809 : vector<1x1x16xf32> to vector<16xf32>
          %broadcast_in_dim3A_811 = vector.shape_cast %broadcast_in_dim3A_609 : vector<16xi32> to vector<16x1xi32>
          %gather3A_812 = vector.shape_cast %broadcast_in_dim3A_811 : vector<16x1xi32> to vector<16xi32>
          %gather3A_813 = tpu.dynamic_gather %get3A_810[%gather3A_812] in [0] : vector<16xf32>, vector<16xi32> -> vector<16xf32>
          %mul3A_814 = arith.mulf %get3A_616, %gather3A_813 : vector<16xf32>
          %add3A_815 = arith.addf %scan3A_603, %mul3A_814 : vector<16xf32>
          %mul3A_816 = arith.mulf %get3A_623, %gather3A_813 : vector<16xf32>
          %add3A_817 = arith.addf %scan3A_604, %mul3A_816 : vector<16xf32>
          %get3A_818 = arith.constant 3 : i32
          %get3A_819 = arith.index_cast %rem3A_61 : i32 to index
          %get3A_820 = arith.index_cast %get3A_818 : i32 to index
          %get3A_821 = arith.constant 96 : index
          %get3A_822 = tpu.vector_load %arg7[%get3A_819, %get3A_820, %get3A_821] {strides = array<i32>} : memref<2x4x128xf32, #tpu.memory_space<vmem>>, vector<1x1x16xf32>,
          %get3A_823 = vector.shape_cast %get3A_822 : vector<1x1x16xf32> to vector<16xf32>
          %broadcast_in_dim3A_824 = vector.shape_cast %broadcast_in_dim3A_609 : vector<16xi32> to vector<16x1xi32>
          %gather3A_825 = vector.shape_cast %broadcast_in_dim3A_824 : vector<16x1xi32> to vector<16xi32>
          %gather3A_826 = tpu.dynamic_gather %get3A_823[%gather3A_825] in [0] : vector<16xf32>, vector<16xi32> -> vector<16xf32>
          %mul3A_827 = arith.mulf %get3A_616, %gather3A_826 : vector<16xf32>
          %add3A_828 = arith.addf %scan3A_605, %mul3A_827 : vector<16xf32>
          %mul3A_829 = arith.mulf %get3A_623, %gather3A_826 : vector<16xf32>
          %add3A_830 = arith.addf %scan3A_606, %mul3A_829 : vector<16xf32>
          scf.yield %add3A_633, %add3A_635, %add3A_646, %add3A_648, %add3A_659, %add3A_661, %add3A_672, %add3A_674, %add3A_685, %add3A_687, %add3A_698, %add3A_700, %add3A_711, %add3A_713, %add3A_724, %add3A_726, %add3A_737, %add3A_739, %add3A_750, %add3A_752, %add3A_763, %add3A_765, %add3A_776, %add3A_778, %add3A_789, %add3A_791, %add3A_802, %add3A_804, %add3A_815, %add3A_817, %add3A_828, %add3A_830 : vector<16xf32>, vector<16xf32>, vector<16xf32>, vector<16xf32>, vector<16xf32>, vector<16xf32>, vector<16xf32>, vector<16xf32>, vector<16xf32>, vector<16xf32>, vector<16xf32>, vector<16xf32>, vector<16xf32>, vector<16xf32>, vector<16xf32>, vector<16xf32>, vector<16xf32>, vector<16xf32>, vector<16xf32>, vector<16xf32>, vector<16xf32>, vector<16xf32>, vector<16xf32>, vector<16xf32>, vector<16xf32>, vector<16xf32>, vector<16xf32>, vector<16xf32>, vector<16xf32>, vector<16xf32>, vector<16xf32>, vector<16xf32>
        }
        %scan3A_312 = arith.constant 16 : i32
        %scan3A_313 = arith.constant 16 : i32
        %scan3A_314 = arith.constant 16 : i32
        %scan3A_315 = arith.addi %scan3A_313, %scan3A_314 : i32
        %scan3A_316 = arith.constant 1 : i32
        %scan3A_317:32 = scf.for %scan3A_574 = %scan3A_313 to %scan3A_315 step %scan3A_316 iter_args(%scan3A_575 = %scan3A_311#0, %scan3A_576 = %scan3A_311#1, %scan3A_577 = %scan3A_311#2, %scan3A_578 = %scan3A_311#3, %scan3A_579 = %scan3A_311#4, %scan3A_580 = %scan3A_311#5, %scan3A_581 = %scan3A_311#6, %scan3A_582 = %scan3A_311#7, %scan3A_583 = %scan3A_311#8, %scan3A_584 = %scan3A_311#9, %scan3A_585 = %scan3A_311#10, %scan3A_586 = %scan3A_311#11, %scan3A_587 = %scan3A_311#12, %scan3A_588 = %scan3A_311#13, %scan3A_589 = %scan3A_311#14, %scan3A_590 = %scan3A_311#15, %scan3A_591 = %scan3A_311#16, %scan3A_592 = %scan3A_311#17, %scan3A_593 = %scan3A_311#18, %scan3A_594 = %scan3A_311#19, %scan3A_595 = %scan3A_311#20, %scan3A_596 = %scan3A_311#21, %scan3A_597 = %scan3A_311#22, %scan3A_598 = %scan3A_311#23, %scan3A_599 = %scan3A_311#24, %scan3A_600 = %scan3A_311#25, %scan3A_601 = %scan3A_311#26, %scan3A_602 = %scan3A_311#27, %scan3A_603 = %scan3A_311#28, %scan3A_604 = %scan3A_311#29, %scan3A_605 = %scan3A_311#30, %scan3A_606 = %scan3A_311#31) -> (vector<16xf32>, vector<16xf32>, vector<16xf32>, vector<16xf32>, vector<16xf32>, vector<16xf32>, vector<16xf32>, vector<16xf32>, vector<16xf32>, vector<16xf32>, vector<16xf32>, vector<16xf32>, vector<16xf32>, vector<16xf32>, vector<16xf32>, vector<16xf32>, vector<16xf32>, vector<16xf32>, vector<16xf32>, vector<16xf32>, vector<16xf32>, vector<16xf32>, vector<16xf32>, vector<16xf32>, vector<16xf32>, vector<16xf32>, vector<16xf32>, vector<16xf32>, vector<16xf32>, vector<16xf32>, vector<16xf32>, vector<16xf32>)  : i32 {
          %sub3A_607 = arith.constant 16 : i32
          %sub3A_608 = arith.subi %scan3A_574, %sub3A_607 : i32
          %broadcast_in_dim3A_609 = vector.broadcast %sub3A_608 : i32 to vector<16xi32>
          %add3A_610 = arith.constant 0 : i32
          %add3A_611 = arith.addi %mul3A_83, %add3A_610 : i32
          %get3A_612 = arith.index_cast %rem3A_61 : i32 to index
          %get3A_613 = arith.index_cast %scan3A_574 : i32 to index
          %get3A_614 = arith.index_cast %add3A_611 : i32 to index
          %get3A_615 = tpu.vector_load %arg6[%get3A_612, %get3A_613, %get3A_614] {strides = array<i32>} : memref<2x32x1024xf32, #tpu.memory_space<vmem>>, vector<1x1x16xf32>,
          %get3A_616 = vector.shape_cast %get3A_615 : vector<1x1x16xf32> to vector<16xf32>
          %add3A_617 = arith.constant 16 : i32
          %add3A_618 = arith.addi %mul3A_83, %add3A_617 : i32
          %get3A_619 = arith.index_cast %rem3A_61 : i32 to index
          %get3A_620 = arith.index_cast %scan3A_574 : i32 to index
          %get3A_621 = arith.index_cast %add3A_618 : i32 to index
          %get3A_622 = tpu.vector_load %arg6[%get3A_619, %get3A_620, %get3A_621] {strides = array<i32>} : memref<2x32x1024xf32, #tpu.memory_space<vmem>>, vector<1x1x16xf32>,
          %get3A_623 = vector.shape_cast %get3A_622 : vector<1x1x16xf32> to vector<16xf32>
          %get3A_624 = arith.constant 0 : i32
          %get3A_625 = arith.index_cast %rem3A_61 : i32 to index
          %get3A_626 = arith.index_cast %get3A_624 : i32 to index
          %get3A_627 = arith.constant 16 : index
          %get3A_628 = tpu.vector_load %arg7[%get3A_625, %get3A_626, %get3A_627] {strides = array<i32>} : memref<2x4x128xf32, #tpu.memory_space<vmem>>, vector<1x1x16xf32>,
          %get3A_629 = vector.shape_cast %get3A_628 : vector<1x1x16xf32> to vector<16xf32>
          %broadcast_in_dim3A_630 = vector.shape_cast %broadcast_in_dim3A_609 : vector<16xi32> to vector<16x1xi32>
          %gather3A = vector.shape_cast %broadcast_in_dim3A_630 : vector<16x1xi32> to vector<16xi32>
          %gather3A_631 = tpu.dynamic_gather %get3A_629[%gather3A] in [0] : vector<16xf32>, vector<16xi32> -> vector<16xf32>
          %mul3A_632 = arith.mulf %get3A_616, %gather3A_631 : vector<16xf32>
          %add3A_633 = arith.addf %scan3A_575, %mul3A_632 : vector<16xf32>
          %mul3A_634 = arith.mulf %get3A_623, %gather3A_631 : vector<16xf32>
          %add3A_635 = arith.addf %scan3A_576, %mul3A_634 : vector<16xf32>
          %get3A_636 = arith.constant 0 : i32
          %get3A_637 = arith.index_cast %rem3A_61 : i32 to index
          %get3A_638 = arith.index_cast %get3A_636 : i32 to index
          %get3A_639 = arith.constant 48 : index
          %get3A_640 = tpu.vector_load %arg7[%get3A_637, %get3A_638, %get3A_639] {strides = array<i32>} : memref<2x4x128xf32, #tpu.memory_space<vmem>>, vector<1x1x16xf32>,
          %get3A_641 = vector.shape_cast %get3A_640 : vector<1x1x16xf32> to vector<16xf32>
          %broadcast_in_dim3A_642 = vector.shape_cast %broadcast_in_dim3A_609 : vector<16xi32> to vector<16x1xi32>
          %gather3A_643 = vector.shape_cast %broadcast_in_dim3A_642 : vector<16x1xi32> to vector<16xi32>
          %gather3A_644 = tpu.dynamic_gather %get3A_641[%gather3A_643] in [0] : vector<16xf32>, vector<16xi32> -> vector<16xf32>
          %mul3A_645 = arith.mulf %get3A_616, %gather3A_644 : vector<16xf32>
          %add3A_646 = arith.addf %scan3A_577, %mul3A_645 : vector<16xf32>
          %mul3A_647 = arith.mulf %get3A_623, %gather3A_644 : vector<16xf32>
          %add3A_648 = arith.addf %scan3A_578, %mul3A_647 : vector<16xf32>
          %get3A_649 = arith.constant 0 : i32
          %get3A_650 = arith.index_cast %rem3A_61 : i32 to index
          %get3A_651 = arith.index_cast %get3A_649 : i32 to index
          %get3A_652 = arith.constant 80 : index
          %get3A_653 = tpu.vector_load %arg7[%get3A_650, %get3A_651, %get3A_652] {strides = array<i32>} : memref<2x4x128xf32, #tpu.memory_space<vmem>>, vector<1x1x16xf32>,
          %get3A_654 = vector.shape_cast %get3A_653 : vector<1x1x16xf32> to vector<16xf32>
          %broadcast_in_dim3A_655 = vector.shape_cast %broadcast_in_dim3A_609 : vector<16xi32> to vector<16x1xi32>
          %gather3A_656 = vector.shape_cast %broadcast_in_dim3A_655 : vector<16x1xi32> to vector<16xi32>
          %gather3A_657 = tpu.dynamic_gather %get3A_654[%gather3A_656] in [0] : vector<16xf32>, vector<16xi32> -> vector<16xf32>
          %mul3A_658 = arith.mulf %get3A_616, %gather3A_657 : vector<16xf32>
          %add3A_659 = arith.addf %scan3A_579, %mul3A_658 : vector<16xf32>
          %mul3A_660 = arith.mulf %get3A_623, %gather3A_657 : vector<16xf32>
          %add3A_661 = arith.addf %scan3A_580, %mul3A_660 : vector<16xf32>
          %get3A_662 = arith.constant 0 : i32
          %get3A_663 = arith.index_cast %rem3A_61 : i32 to index
          %get3A_664 = arith.index_cast %get3A_662 : i32 to index
          %get3A_665 = arith.constant 112 : index
          %get3A_666 = tpu.vector_load %arg7[%get3A_663, %get3A_664, %get3A_665] {strides = array<i32>} : memref<2x4x128xf32, #tpu.memory_space<vmem>>, vector<1x1x16xf32>,
          %get3A_667 = vector.shape_cast %get3A_666 : vector<1x1x16xf32> to vector<16xf32>
          %broadcast_in_dim3A_668 = vector.shape_cast %broadcast_in_dim3A_609 : vector<16xi32> to vector<16x1xi32>
          %gather3A_669 = vector.shape_cast %broadcast_in_dim3A_668 : vector<16x1xi32> to vector<16xi32>
          %gather3A_670 = tpu.dynamic_gather %get3A_667[%gather3A_669] in [0] : vector<16xf32>, vector<16xi32> -> vector<16xf32>
          %mul3A_671 = arith.mulf %get3A_616, %gather3A_670 : vector<16xf32>
          %add3A_672 = arith.addf %scan3A_581, %mul3A_671 : vector<16xf32>
          %mul3A_673 = arith.mulf %get3A_623, %gather3A_670 : vector<16xf32>
          %add3A_674 = arith.addf %scan3A_582, %mul3A_673 : vector<16xf32>
          %get3A_675 = arith.constant 1 : i32
          %get3A_676 = arith.index_cast %rem3A_61 : i32 to index
          %get3A_677 = arith.index_cast %get3A_675 : i32 to index
          %get3A_678 = arith.constant 16 : index
          %get3A_679 = tpu.vector_load %arg7[%get3A_676, %get3A_677, %get3A_678] {strides = array<i32>} : memref<2x4x128xf32, #tpu.memory_space<vmem>>, vector<1x1x16xf32>,
          %get3A_680 = vector.shape_cast %get3A_679 : vector<1x1x16xf32> to vector<16xf32>
          %broadcast_in_dim3A_681 = vector.shape_cast %broadcast_in_dim3A_609 : vector<16xi32> to vector<16x1xi32>
          %gather3A_682 = vector.shape_cast %broadcast_in_dim3A_681 : vector<16x1xi32> to vector<16xi32>
          %gather3A_683 = tpu.dynamic_gather %get3A_680[%gather3A_682] in [0] : vector<16xf32>, vector<16xi32> -> vector<16xf32>
          %mul3A_684 = arith.mulf %get3A_616, %gather3A_683 : vector<16xf32>
          %add3A_685 = arith.addf %scan3A_583, %mul3A_684 : vector<16xf32>
          %mul3A_686 = arith.mulf %get3A_623, %gather3A_683 : vector<16xf32>
          %add3A_687 = arith.addf %scan3A_584, %mul3A_686 : vector<16xf32>
          %get3A_688 = arith.constant 1 : i32
          %get3A_689 = arith.index_cast %rem3A_61 : i32 to index
          %get3A_690 = arith.index_cast %get3A_688 : i32 to index
          %get3A_691 = arith.constant 48 : index
          %get3A_692 = tpu.vector_load %arg7[%get3A_689, %get3A_690, %get3A_691] {strides = array<i32>} : memref<2x4x128xf32, #tpu.memory_space<vmem>>, vector<1x1x16xf32>,
          %get3A_693 = vector.shape_cast %get3A_692 : vector<1x1x16xf32> to vector<16xf32>
          %broadcast_in_dim3A_694 = vector.shape_cast %broadcast_in_dim3A_609 : vector<16xi32> to vector<16x1xi32>
          %gather3A_695 = vector.shape_cast %broadcast_in_dim3A_694 : vector<16x1xi32> to vector<16xi32>
          %gather3A_696 = tpu.dynamic_gather %get3A_693[%gather3A_695] in [0] : vector<16xf32>, vector<16xi32> -> vector<16xf32>
          %mul3A_697 = arith.mulf %get3A_616, %gather3A_696 : vector<16xf32>
          %add3A_698 = arith.addf %scan3A_585, %mul3A_697 : vector<16xf32>
          %mul3A_699 = arith.mulf %get3A_623, %gather3A_696 : vector<16xf32>
          %add3A_700 = arith.addf %scan3A_586, %mul3A_699 : vector<16xf32>
          %get3A_701 = arith.constant 1 : i32
          %get3A_702 = arith.index_cast %rem3A_61 : i32 to index
          %get3A_703 = arith.index_cast %get3A_701 : i32 to index
          %get3A_704 = arith.constant 80 : index
          %get3A_705 = tpu.vector_load %arg7[%get3A_702, %get3A_703, %get3A_704] {strides = array<i32>} : memref<2x4x128xf32, #tpu.memory_space<vmem>>, vector<1x1x16xf32>,
          %get3A_706 = vector.shape_cast %get3A_705 : vector<1x1x16xf32> to vector<16xf32>
          %broadcast_in_dim3A_707 = vector.shape_cast %broadcast_in_dim3A_609 : vector<16xi32> to vector<16x1xi32>
          %gather3A_708 = vector.shape_cast %broadcast_in_dim3A_707 : vector<16x1xi32> to vector<16xi32>
          %gather3A_709 = tpu.dynamic_gather %get3A_706[%gather3A_708] in [0] : vector<16xf32>, vector<16xi32> -> vector<16xf32>
          %mul3A_710 = arith.mulf %get3A_616, %gather3A_709 : vector<16xf32>
          %add3A_711 = arith.addf %scan3A_587, %mul3A_710 : vector<16xf32>
          %mul3A_712 = arith.mulf %get3A_623, %gather3A_709 : vector<16xf32>
          %add3A_713 = arith.addf %scan3A_588, %mul3A_712 : vector<16xf32>
          %get3A_714 = arith.constant 1 : i32
          %get3A_715 = arith.index_cast %rem3A_61 : i32 to index
          %get3A_716 = arith.index_cast %get3A_714 : i32 to index
          %get3A_717 = arith.constant 112 : index
          %get3A_718 = tpu.vector_load %arg7[%get3A_715, %get3A_716, %get3A_717] {strides = array<i32>} : memref<2x4x128xf32, #tpu.memory_space<vmem>>, vector<1x1x16xf32>,
          %get3A_719 = vector.shape_cast %get3A_718 : vector<1x1x16xf32> to vector<16xf32>
          %broadcast_in_dim3A_720 = vector.shape_cast %broadcast_in_dim3A_609 : vector<16xi32> to vector<16x1xi32>
          %gather3A_721 = vector.shape_cast %broadcast_in_dim3A_720 : vector<16x1xi32> to vector<16xi32>
          %gather3A_722 = tpu.dynamic_gather %get3A_719[%gather3A_721] in [0] : vector<16xf32>, vector<16xi32> -> vector<16xf32>
          %mul3A_723 = arith.mulf %get3A_616, %gather3A_722 : vector<16xf32>
          %add3A_724 = arith.addf %scan3A_589, %mul3A_723 : vector<16xf32>
          %mul3A_725 = arith.mulf %get3A_623, %gather3A_722 : vector<16xf32>
          %add3A_726 = arith.addf %scan3A_590, %mul3A_725 : vector<16xf32>
          %get3A_727 = arith.constant 2 : i32
          %get3A_728 = arith.index_cast %rem3A_61 : i32 to index
          %get3A_729 = arith.index_cast %get3A_727 : i32 to index
          %get3A_730 = arith.constant 16 : index
          %get3A_731 = tpu.vector_load %arg7[%get3A_728, %get3A_729, %get3A_730] {strides = array<i32>} : memref<2x4x128xf32, #tpu.memory_space<vmem>>, vector<1x1x16xf32>,
          %get3A_732 = vector.shape_cast %get3A_731 : vector<1x1x16xf32> to vector<16xf32>
          %broadcast_in_dim3A_733 = vector.shape_cast %broadcast_in_dim3A_609 : vector<16xi32> to vector<16x1xi32>
          %gather3A_734 = vector.shape_cast %broadcast_in_dim3A_733 : vector<16x1xi32> to vector<16xi32>
          %gather3A_735 = tpu.dynamic_gather %get3A_732[%gather3A_734] in [0] : vector<16xf32>, vector<16xi32> -> vector<16xf32>
          %mul3A_736 = arith.mulf %get3A_616, %gather3A_735 : vector<16xf32>
          %add3A_737 = arith.addf %scan3A_591, %mul3A_736 : vector<16xf32>
          %mul3A_738 = arith.mulf %get3A_623, %gather3A_735 : vector<16xf32>
          %add3A_739 = arith.addf %scan3A_592, %mul3A_738 : vector<16xf32>
          %get3A_740 = arith.constant 2 : i32
          %get3A_741 = arith.index_cast %rem3A_61 : i32 to index
          %get3A_742 = arith.index_cast %get3A_740 : i32 to index
          %get3A_743 = arith.constant 48 : index
          %get3A_744 = tpu.vector_load %arg7[%get3A_741, %get3A_742, %get3A_743] {strides = array<i32>} : memref<2x4x128xf32, #tpu.memory_space<vmem>>, vector<1x1x16xf32>,
          %get3A_745 = vector.shape_cast %get3A_744 : vector<1x1x16xf32> to vector<16xf32>
          %broadcast_in_dim3A_746 = vector.shape_cast %broadcast_in_dim3A_609 : vector<16xi32> to vector<16x1xi32>
          %gather3A_747 = vector.shape_cast %broadcast_in_dim3A_746 : vector<16x1xi32> to vector<16xi32>
          %gather3A_748 = tpu.dynamic_gather %get3A_745[%gather3A_747] in [0] : vector<16xf32>, vector<16xi32> -> vector<16xf32>
          %mul3A_749 = arith.mulf %get3A_616, %gather3A_748 : vector<16xf32>
          %add3A_750 = arith.addf %scan3A_593, %mul3A_749 : vector<16xf32>
          %mul3A_751 = arith.mulf %get3A_623, %gather3A_748 : vector<16xf32>
          %add3A_752 = arith.addf %scan3A_594, %mul3A_751 : vector<16xf32>
          %get3A_753 = arith.constant 2 : i32
          %get3A_754 = arith.index_cast %rem3A_61 : i32 to index
          %get3A_755 = arith.index_cast %get3A_753 : i32 to index
          %get3A_756 = arith.constant 80 : index
          %get3A_757 = tpu.vector_load %arg7[%get3A_754, %get3A_755, %get3A_756] {strides = array<i32>} : memref<2x4x128xf32, #tpu.memory_space<vmem>>, vector<1x1x16xf32>,
          %get3A_758 = vector.shape_cast %get3A_757 : vector<1x1x16xf32> to vector<16xf32>
          %broadcast_in_dim3A_759 = vector.shape_cast %broadcast_in_dim3A_609 : vector<16xi32> to vector<16x1xi32>
          %gather3A_760 = vector.shape_cast %broadcast_in_dim3A_759 : vector<16x1xi32> to vector<16xi32>
          %gather3A_761 = tpu.dynamic_gather %get3A_758[%gather3A_760] in [0] : vector<16xf32>, vector<16xi32> -> vector<16xf32>
          %mul3A_762 = arith.mulf %get3A_616, %gather3A_761 : vector<16xf32>
          %add3A_763 = arith.addf %scan3A_595, %mul3A_762 : vector<16xf32>
          %mul3A_764 = arith.mulf %get3A_623, %gather3A_761 : vector<16xf32>
          %add3A_765 = arith.addf %scan3A_596, %mul3A_764 : vector<16xf32>
          %get3A_766 = arith.constant 2 : i32
          %get3A_767 = arith.index_cast %rem3A_61 : i32 to index
          %get3A_768 = arith.index_cast %get3A_766 : i32 to index
          %get3A_769 = arith.constant 112 : index
          %get3A_770 = tpu.vector_load %arg7[%get3A_767, %get3A_768, %get3A_769] {strides = array<i32>} : memref<2x4x128xf32, #tpu.memory_space<vmem>>, vector<1x1x16xf32>,
          %get3A_771 = vector.shape_cast %get3A_770 : vector<1x1x16xf32> to vector<16xf32>
          %broadcast_in_dim3A_772 = vector.shape_cast %broadcast_in_dim3A_609 : vector<16xi32> to vector<16x1xi32>
          %gather3A_773 = vector.shape_cast %broadcast_in_dim3A_772 : vector<16x1xi32> to vector<16xi32>
          %gather3A_774 = tpu.dynamic_gather %get3A_771[%gather3A_773] in [0] : vector<16xf32>, vector<16xi32> -> vector<16xf32>
          %mul3A_775 = arith.mulf %get3A_616, %gather3A_774 : vector<16xf32>
          %add3A_776 = arith.addf %scan3A_597, %mul3A_775 : vector<16xf32>
          %mul3A_777 = arith.mulf %get3A_623, %gather3A_774 : vector<16xf32>
          %add3A_778 = arith.addf %scan3A_598, %mul3A_777 : vector<16xf32>
          %get3A_779 = arith.constant 3 : i32
          %get3A_780 = arith.index_cast %rem3A_61 : i32 to index
          %get3A_781 = arith.index_cast %get3A_779 : i32 to index
          %get3A_782 = arith.constant 16 : index
          %get3A_783 = tpu.vector_load %arg7[%get3A_780, %get3A_781, %get3A_782] {strides = array<i32>} : memref<2x4x128xf32, #tpu.memory_space<vmem>>, vector<1x1x16xf32>,
          %get3A_784 = vector.shape_cast %get3A_783 : vector<1x1x16xf32> to vector<16xf32>
          %broadcast_in_dim3A_785 = vector.shape_cast %broadcast_in_dim3A_609 : vector<16xi32> to vector<16x1xi32>
          %gather3A_786 = vector.shape_cast %broadcast_in_dim3A_785 : vector<16x1xi32> to vector<16xi32>
          %gather3A_787 = tpu.dynamic_gather %get3A_784[%gather3A_786] in [0] : vector<16xf32>, vector<16xi32> -> vector<16xf32>
          %mul3A_788 = arith.mulf %get3A_616, %gather3A_787 : vector<16xf32>
          %add3A_789 = arith.addf %scan3A_599, %mul3A_788 : vector<16xf32>
          %mul3A_790 = arith.mulf %get3A_623, %gather3A_787 : vector<16xf32>
          %add3A_791 = arith.addf %scan3A_600, %mul3A_790 : vector<16xf32>
          %get3A_792 = arith.constant 3 : i32
          %get3A_793 = arith.index_cast %rem3A_61 : i32 to index
          %get3A_794 = arith.index_cast %get3A_792 : i32 to index
          %get3A_795 = arith.constant 48 : index
          %get3A_796 = tpu.vector_load %arg7[%get3A_793, %get3A_794, %get3A_795] {strides = array<i32>} : memref<2x4x128xf32, #tpu.memory_space<vmem>>, vector<1x1x16xf32>,
          %get3A_797 = vector.shape_cast %get3A_796 : vector<1x1x16xf32> to vector<16xf32>
          %broadcast_in_dim3A_798 = vector.shape_cast %broadcast_in_dim3A_609 : vector<16xi32> to vector<16x1xi32>
          %gather3A_799 = vector.shape_cast %broadcast_in_dim3A_798 : vector<16x1xi32> to vector<16xi32>
          %gather3A_800 = tpu.dynamic_gather %get3A_797[%gather3A_799] in [0] : vector<16xf32>, vector<16xi32> -> vector<16xf32>
          %mul3A_801 = arith.mulf %get3A_616, %gather3A_800 : vector<16xf32>
          %add3A_802 = arith.addf %scan3A_601, %mul3A_801 : vector<16xf32>
          %mul3A_803 = arith.mulf %get3A_623, %gather3A_800 : vector<16xf32>
          %add3A_804 = arith.addf %scan3A_602, %mul3A_803 : vector<16xf32>
          %get3A_805 = arith.constant 3 : i32
          %get3A_806 = arith.index_cast %rem3A_61 : i32 to index
          %get3A_807 = arith.index_cast %get3A_805 : i32 to index
          %get3A_808 = arith.constant 80 : index
          %get3A_809 = tpu.vector_load %arg7[%get3A_806, %get3A_807, %get3A_808] {strides = array<i32>} : memref<2x4x128xf32, #tpu.memory_space<vmem>>, vector<1x1x16xf32>,
          %get3A_810 = vector.shape_cast %get3A_809 : vector<1x1x16xf32> to vector<16xf32>
          %broadcast_in_dim3A_811 = vector.shape_cast %broadcast_in_dim3A_609 : vector<16xi32> to vector<16x1xi32>
          %gather3A_812 = vector.shape_cast %broadcast_in_dim3A_811 : vector<16x1xi32> to vector<16xi32>
          %gather3A_813 = tpu.dynamic_gather %get3A_810[%gather3A_812] in [0] : vector<16xf32>, vector<16xi32> -> vector<16xf32>
          %mul3A_814 = arith.mulf %get3A_616, %gather3A_813 : vector<16xf32>
          %add3A_815 = arith.addf %scan3A_603, %mul3A_814 : vector<16xf32>
          %mul3A_816 = arith.mulf %get3A_623, %gather3A_813 : vector<16xf32>
          %add3A_817 = arith.addf %scan3A_604, %mul3A_816 : vector<16xf32>
          %get3A_818 = arith.constant 3 : i32
          %get3A_819 = arith.index_cast %rem3A_61 : i32 to index
          %get3A_820 = arith.index_cast %get3A_818 : i32 to index
          %get3A_821 = arith.constant 112 : index
          %get3A_822 = tpu.vector_load %arg7[%get3A_819, %get3A_820, %get3A_821] {strides = array<i32>} : memref<2x4x128xf32, #tpu.memory_space<vmem>>, vector<1x1x16xf32>,
          %get3A_823 = vector.shape_cast %get3A_822 : vector<1x1x16xf32> to vector<16xf32>
          %broadcast_in_dim3A_824 = vector.shape_cast %broadcast_in_dim3A_609 : vector<16xi32> to vector<16x1xi32>
          %gather3A_825 = vector.shape_cast %broadcast_in_dim3A_824 : vector<16x1xi32> to vector<16xi32>
          %gather3A_826 = tpu.dynamic_gather %get3A_823[%gather3A_825] in [0] : vector<16xf32>, vector<16xi32> -> vector<16xf32>
          %mul3A_827 = arith.mulf %get3A_616, %gather3A_826 : vector<16xf32>
          %add3A_828 = arith.addf %scan3A_605, %mul3A_827 : vector<16xf32>
          %mul3A_829 = arith.mulf %get3A_623, %gather3A_826 : vector<16xf32>
          %add3A_830 = arith.addf %scan3A_606, %mul3A_829 : vector<16xf32>
          scf.yield %add3A_633, %add3A_635, %add3A_646, %add3A_648, %add3A_659, %add3A_661, %add3A_672, %add3A_674, %add3A_685, %add3A_687, %add3A_698, %add3A_700, %add3A_711, %add3A_713, %add3A_724, %add3A_726, %add3A_737, %add3A_739, %add3A_750, %add3A_752, %add3A_763, %add3A_765, %add3A_776, %add3A_778, %add3A_789, %add3A_791, %add3A_802, %add3A_804, %add3A_815, %add3A_817, %add3A_828, %add3A_830 : vector<16xf32>, vector<16xf32>, vector<16xf32>, vector<16xf32>, vector<16xf32>, vector<16xf32>, vector<16xf32>, vector<16xf32>, vector<16xf32>, vector<16xf32>, vector<16xf32>, vector<16xf32>, vector<16xf32>, vector<16xf32>, vector<16xf32>, vector<16xf32>, vector<16xf32>, vector<16xf32>, vector<16xf32>, vector<16xf32>, vector<16xf32>, vector<16xf32>, vector<16xf32>, vector<16xf32>, vector<16xf32>, vector<16xf32>, vector<16xf32>, vector<16xf32>, vector<16xf32>, vector<16xf32>, vector<16xf32>, vector<16xf32>
        }
        %scan3A_318 = arith.constant 16 : i32
        %add3A_319 = arith.constant 0 : i32
        %add3A_320 = arith.addi %mul3A_83, %add3A_319 : i32
        %swap3A = arith.constant 0 : i32
        %swap3A_321 = arith.index_cast %swap3A : i32 to index
        %swap3A_322 = arith.index_cast %add3A_320 : i32 to index
        %swap3A_323 = tpu.vector_load %arg5[%swap3A_321, %swap3A_322] {strides = array<i32>} : memref<16x1024xf32, #tpu.memory_space<vmem>>, vector<1x16xf32>,
        %swap3A_324 = vector.shape_cast %swap3A_323 : vector<1x16xf32> to vector<16xf32>
        %swap3A_325 = vector.shape_cast %scan3A_317#0 : vector<16xf32> to vector<1x16xf32>
        tpu.vector_store %arg5[%swap3A_321, %swap3A_322], %swap3A_325 {strides = array<i32>} : memref<16x1024xf32, #tpu.memory_space<vmem>>, vector<1x16xf32>,
        %add3A_326 = arith.constant 16 : i32
        %add3A_327 = arith.addi %mul3A_83, %add3A_326 : i32
        %swap3A_328 = arith.constant 0 : i32
        %swap3A_329 = arith.index_cast %swap3A_328 : i32 to index
        %swap3A_330 = arith.index_cast %add3A_327 : i32 to index
        %swap3A_331 = tpu.vector_load %arg5[%swap3A_329, %swap3A_330] {strides = array<i32>} : memref<16x1024xf32, #tpu.memory_space<vmem>>, vector<1x16xf32>,
        %swap3A_332 = vector.shape_cast %swap3A_331 : vector<1x16xf32> to vector<16xf32>
        %swap3A_333 = vector.shape_cast %scan3A_317#1 : vector<16xf32> to vector<1x16xf32>
        tpu.vector_store %arg5[%swap3A_329, %swap3A_330], %swap3A_333 {strides = array<i32>} : memref<16x1024xf32, #tpu.memory_space<vmem>>, vector<1x16xf32>,
        %add3A_334 = arith.constant 0 : i32
        %add3A_335 = arith.addi %mul3A_83, %add3A_334 : i32
        %swap3A_336 = arith.constant 1 : i32
        %swap3A_337 = arith.index_cast %swap3A_336 : i32 to index
        %swap3A_338 = arith.index_cast %add3A_335 : i32 to index
        %swap3A_339 = tpu.vector_load %arg5[%swap3A_337, %swap3A_338] {strides = array<i32>} : memref<16x1024xf32, #tpu.memory_space<vmem>>, vector<1x16xf32>,
        %swap3A_340 = vector.shape_cast %swap3A_339 : vector<1x16xf32> to vector<16xf32>
        %swap3A_341 = vector.shape_cast %scan3A_317#2 : vector<16xf32> to vector<1x16xf32>
        tpu.vector_store %arg5[%swap3A_337, %swap3A_338], %swap3A_341 {strides = array<i32>} : memref<16x1024xf32, #tpu.memory_space<vmem>>, vector<1x16xf32>,
        %add3A_342 = arith.constant 16 : i32
        %add3A_343 = arith.addi %mul3A_83, %add3A_342 : i32
        %swap3A_344 = arith.constant 1 : i32
        %swap3A_345 = arith.index_cast %swap3A_344 : i32 to index
        %swap3A_346 = arith.index_cast %add3A_343 : i32 to index
        %swap3A_347 = tpu.vector_load %arg5[%swap3A_345, %swap3A_346] {strides = array<i32>} : memref<16x1024xf32, #tpu.memory_space<vmem>>, vector<1x16xf32>,
        %swap3A_348 = vector.shape_cast %swap3A_347 : vector<1x16xf32> to vector<16xf32>
        %swap3A_349 = vector.shape_cast %scan3A_317#3 : vector<16xf32> to vector<1x16xf32>
        tpu.vector_store %arg5[%swap3A_345, %swap3A_346], %swap3A_349 {strides = array<i32>} : memref<16x1024xf32, #tpu.memory_space<vmem>>, vector<1x16xf32>,
        %add3A_350 = arith.constant 0 : i32
        %add3A_351 = arith.addi %mul3A_83, %add3A_350 : i32
        %swap3A_352 = arith.constant 2 : i32
        %swap3A_353 = arith.index_cast %swap3A_352 : i32 to index
        %swap3A_354 = arith.index_cast %add3A_351 : i32 to index
        %swap3A_355 = tpu.vector_load %arg5[%swap3A_353, %swap3A_354] {strides = array<i32>} : memref<16x1024xf32, #tpu.memory_space<vmem>>, vector<1x16xf32>,
        %swap3A_356 = vector.shape_cast %swap3A_355 : vector<1x16xf32> to vector<16xf32>
        %swap3A_357 = vector.shape_cast %scan3A_317#4 : vector<16xf32> to vector<1x16xf32>
        tpu.vector_store %arg5[%swap3A_353, %swap3A_354], %swap3A_357 {strides = array<i32>} : memref<16x1024xf32, #tpu.memory_space<vmem>>, vector<1x16xf32>,
        %add3A_358 = arith.constant 16 : i32
        %add3A_359 = arith.addi %mul3A_83, %add3A_358 : i32
        %swap3A_360 = arith.constant 2 : i32
        %swap3A_361 = arith.index_cast %swap3A_360 : i32 to index
        %swap3A_362 = arith.index_cast %add3A_359 : i32 to index
        %swap3A_363 = tpu.vector_load %arg5[%swap3A_361, %swap3A_362] {strides = array<i32>} : memref<16x1024xf32, #tpu.memory_space<vmem>>, vector<1x16xf32>,
        %swap3A_364 = vector.shape_cast %swap3A_363 : vector<1x16xf32> to vector<16xf32>
        %swap3A_365 = vector.shape_cast %scan3A_317#5 : vector<16xf32> to vector<1x16xf32>
        tpu.vector_store %arg5[%swap3A_361, %swap3A_362], %swap3A_365 {strides = array<i32>} : memref<16x1024xf32, #tpu.memory_space<vmem>>, vector<1x16xf32>,
        %add3A_366 = arith.constant 0 : i32
        %add3A_367 = arith.addi %mul3A_83, %add3A_366 : i32
        %swap3A_368 = arith.constant 3 : i32
        %swap3A_369 = arith.index_cast %swap3A_368 : i32 to index
        %swap3A_370 = arith.index_cast %add3A_367 : i32 to index
        %swap3A_371 = tpu.vector_load %arg5[%swap3A_369, %swap3A_370] {strides = array<i32>} : memref<16x1024xf32, #tpu.memory_space<vmem>>, vector<1x16xf32>,
        %swap3A_372 = vector.shape_cast %swap3A_371 : vector<1x16xf32> to vector<16xf32>
        %swap3A_373 = vector.shape_cast %scan3A_317#6 : vector<16xf32> to vector<1x16xf32>
        tpu.vector_store %arg5[%swap3A_369, %swap3A_370], %swap3A_373 {strides = array<i32>} : memref<16x1024xf32, #tpu.memory_space<vmem>>, vector<1x16xf32>,
        %add3A_374 = arith.constant 16 : i32
        %add3A_375 = arith.addi %mul3A_83, %add3A_374 : i32
        %swap3A_376 = arith.constant 3 : i32
        %swap3A_377 = arith.index_cast %swap3A_376 : i32 to index
        %swap3A_378 = arith.index_cast %add3A_375 : i32 to index
        %swap3A_379 = tpu.vector_load %arg5[%swap3A_377, %swap3A_378] {strides = array<i32>} : memref<16x1024xf32, #tpu.memory_space<vmem>>, vector<1x16xf32>,
        %swap3A_380 = vector.shape_cast %swap3A_379 : vector<1x16xf32> to vector<16xf32>
        %swap3A_381 = vector.shape_cast %scan3A_317#7 : vector<16xf32> to vector<1x16xf32>
        tpu.vector_store %arg5[%swap3A_377, %swap3A_378], %swap3A_381 {strides = array<i32>} : memref<16x1024xf32, #tpu.memory_space<vmem>>, vector<1x16xf32>,
        %add3A_382 = arith.constant 0 : i32
        %add3A_383 = arith.addi %mul3A_83, %add3A_382 : i32
        %swap3A_384 = arith.constant 4 : i32
        %swap3A_385 = arith.index_cast %swap3A_384 : i32 to index
        %swap3A_386 = arith.index_cast %add3A_383 : i32 to index
        %swap3A_387 = tpu.vector_load %arg5[%swap3A_385, %swap3A_386] {strides = array<i32>} : memref<16x1024xf32, #tpu.memory_space<vmem>>, vector<1x16xf32>,
        %swap3A_388 = vector.shape_cast %swap3A_387 : vector<1x16xf32> to vector<16xf32>
        %swap3A_389 = vector.shape_cast %scan3A_317#8 : vector<16xf32> to vector<1x16xf32>
        tpu.vector_store %arg5[%swap3A_385, %swap3A_386], %swap3A_389 {strides = array<i32>} : memref<16x1024xf32, #tpu.memory_space<vmem>>, vector<1x16xf32>,
        %add3A_390 = arith.constant 16 : i32
        %add3A_391 = arith.addi %mul3A_83, %add3A_390 : i32
        %swap3A_392 = arith.constant 4 : i32
        %swap3A_393 = arith.index_cast %swap3A_392 : i32 to index
        %swap3A_394 = arith.index_cast %add3A_391 : i32 to index
        %swap3A_395 = tpu.vector_load %arg5[%swap3A_393, %swap3A_394] {strides = array<i32>} : memref<16x1024xf32, #tpu.memory_space<vmem>>, vector<1x16xf32>,
        %swap3A_396 = vector.shape_cast %swap3A_395 : vector<1x16xf32> to vector<16xf32>
        %swap3A_397 = vector.shape_cast %scan3A_317#9 : vector<16xf32> to vector<1x16xf32>
        tpu.vector_store %arg5[%swap3A_393, %swap3A_394], %swap3A_397 {strides = array<i32>} : memref<16x1024xf32, #tpu.memory_space<vmem>>, vector<1x16xf32>,
        %add3A_398 = arith.constant 0 : i32
        %add3A_399 = arith.addi %mul3A_83, %add3A_398 : i32
        %swap3A_400 = arith.constant 5 : i32
        %swap3A_401 = arith.index_cast %swap3A_400 : i32 to index
        %swap3A_402 = arith.index_cast %add3A_399 : i32 to index
        %swap3A_403 = tpu.vector_load %arg5[%swap3A_401, %swap3A_402] {strides = array<i32>} : memref<16x1024xf32, #tpu.memory_space<vmem>>, vector<1x16xf32>,
        %swap3A_404 = vector.shape_cast %swap3A_403 : vector<1x16xf32> to vector<16xf32>
        %swap3A_405 = vector.shape_cast %scan3A_317#10 : vector<16xf32> to vector<1x16xf32>
        tpu.vector_store %arg5[%swap3A_401, %swap3A_402], %swap3A_405 {strides = array<i32>} : memref<16x1024xf32, #tpu.memory_space<vmem>>, vector<1x16xf32>,
        %add3A_406 = arith.constant 16 : i32
        %add3A_407 = arith.addi %mul3A_83, %add3A_406 : i32
        %swap3A_408 = arith.constant 5 : i32
        %swap3A_409 = arith.index_cast %swap3A_408 : i32 to index
        %swap3A_410 = arith.index_cast %add3A_407 : i32 to index
        %swap3A_411 = tpu.vector_load %arg5[%swap3A_409, %swap3A_410] {strides = array<i32>} : memref<16x1024xf32, #tpu.memory_space<vmem>>, vector<1x16xf32>,
        %swap3A_412 = vector.shape_cast %swap3A_411 : vector<1x16xf32> to vector<16xf32>
        %swap3A_413 = vector.shape_cast %scan3A_317#11 : vector<16xf32> to vector<1x16xf32>
        tpu.vector_store %arg5[%swap3A_409, %swap3A_410], %swap3A_413 {strides = array<i32>} : memref<16x1024xf32, #tpu.memory_space<vmem>>, vector<1x16xf32>,
        %add3A_414 = arith.constant 0 : i32
        %add3A_415 = arith.addi %mul3A_83, %add3A_414 : i32
        %swap3A_416 = arith.constant 6 : i32
        %swap3A_417 = arith.index_cast %swap3A_416 : i32 to index
        %swap3A_418 = arith.index_cast %add3A_415 : i32 to index
        %swap3A_419 = tpu.vector_load %arg5[%swap3A_417, %swap3A_418] {strides = array<i32>} : memref<16x1024xf32, #tpu.memory_space<vmem>>, vector<1x16xf32>,
        %swap3A_420 = vector.shape_cast %swap3A_419 : vector<1x16xf32> to vector<16xf32>
        %swap3A_421 = vector.shape_cast %scan3A_317#12 : vector<16xf32> to vector<1x16xf32>
        tpu.vector_store %arg5[%swap3A_417, %swap3A_418], %swap3A_421 {strides = array<i32>} : memref<16x1024xf32, #tpu.memory_space<vmem>>, vector<1x16xf32>,
        %add3A_422 = arith.constant 16 : i32
        %add3A_423 = arith.addi %mul3A_83, %add3A_422 : i32
        %swap3A_424 = arith.constant 6 : i32
        %swap3A_425 = arith.index_cast %swap3A_424 : i32 to index
        %swap3A_426 = arith.index_cast %add3A_423 : i32 to index
        %swap3A_427 = tpu.vector_load %arg5[%swap3A_425, %swap3A_426] {strides = array<i32>} : memref<16x1024xf32, #tpu.memory_space<vmem>>, vector<1x16xf32>,
        %swap3A_428 = vector.shape_cast %swap3A_427 : vector<1x16xf32> to vector<16xf32>
        %swap3A_429 = vector.shape_cast %scan3A_317#13 : vector<16xf32> to vector<1x16xf32>
        tpu.vector_store %arg5[%swap3A_425, %swap3A_426], %swap3A_429 {strides = array<i32>} : memref<16x1024xf32, #tpu.memory_space<vmem>>, vector<1x16xf32>,
        %add3A_430 = arith.constant 0 : i32
        %add3A_431 = arith.addi %mul3A_83, %add3A_430 : i32
        %swap3A_432 = arith.constant 7 : i32
        %swap3A_433 = arith.index_cast %swap3A_432 : i32 to index
        %swap3A_434 = arith.index_cast %add3A_431 : i32 to index
        %swap3A_435 = tpu.vector_load %arg5[%swap3A_433, %swap3A_434] {strides = array<i32>} : memref<16x1024xf32, #tpu.memory_space<vmem>>, vector<1x16xf32>,
        %swap3A_436 = vector.shape_cast %swap3A_435 : vector<1x16xf32> to vector<16xf32>
        %swap3A_437 = vector.shape_cast %scan3A_317#14 : vector<16xf32> to vector<1x16xf32>
        tpu.vector_store %arg5[%swap3A_433, %swap3A_434], %swap3A_437 {strides = array<i32>} : memref<16x1024xf32, #tpu.memory_space<vmem>>, vector<1x16xf32>,
        %add3A_438 = arith.constant 16 : i32
        %add3A_439 = arith.addi %mul3A_83, %add3A_438 : i32
        %swap3A_440 = arith.constant 7 : i32
        %swap3A_441 = arith.index_cast %swap3A_440 : i32 to index
        %swap3A_442 = arith.index_cast %add3A_439 : i32 to index
        %swap3A_443 = tpu.vector_load %arg5[%swap3A_441, %swap3A_442] {strides = array<i32>} : memref<16x1024xf32, #tpu.memory_space<vmem>>, vector<1x16xf32>,
        %swap3A_444 = vector.shape_cast %swap3A_443 : vector<1x16xf32> to vector<16xf32>
        %swap3A_445 = vector.shape_cast %scan3A_317#15 : vector<16xf32> to vector<1x16xf32>
        tpu.vector_store %arg5[%swap3A_441, %swap3A_442], %swap3A_445 {strides = array<i32>} : memref<16x1024xf32, #tpu.memory_space<vmem>>, vector<1x16xf32>,
        %add3A_446 = arith.constant 0 : i32
        %add3A_447 = arith.addi %mul3A_83, %add3A_446 : i32
        %swap3A_448 = arith.constant 8 : i32
        %swap3A_449 = arith.index_cast %swap3A_448 : i32 to index
        %swap3A_450 = arith.index_cast %add3A_447 : i32 to index
        %swap3A_451 = tpu.vector_load %arg5[%swap3A_449, %swap3A_450] {strides = array<i32>} : memref<16x1024xf32, #tpu.memory_space<vmem>>, vector<1x16xf32>,
        %swap3A_452 = vector.shape_cast %swap3A_451 : vector<1x16xf32> to vector<16xf32>
        %swap3A_453 = vector.shape_cast %scan3A_317#16 : vector<16xf32> to vector<1x16xf32>
        tpu.vector_store %arg5[%swap3A_449, %swap3A_450], %swap3A_453 {strides = array<i32>} : memref<16x1024xf32, #tpu.memory_space<vmem>>, vector<1x16xf32>,
        %add3A_454 = arith.constant 16 : i32
        %add3A_455 = arith.addi %mul3A_83, %add3A_454 : i32
        %swap3A_456 = arith.constant 8 : i32
        %swap3A_457 = arith.index_cast %swap3A_456 : i32 to index
        %swap3A_458 = arith.index_cast %add3A_455 : i32 to index
        %swap3A_459 = tpu.vector_load %arg5[%swap3A_457, %swap3A_458] {strides = array<i32>} : memref<16x1024xf32, #tpu.memory_space<vmem>>, vector<1x16xf32>,
        %swap3A_460 = vector.shape_cast %swap3A_459 : vector<1x16xf32> to vector<16xf32>
        %swap3A_461 = vector.shape_cast %scan3A_317#17 : vector<16xf32> to vector<1x16xf32>
        tpu.vector_store %arg5[%swap3A_457, %swap3A_458], %swap3A_461 {strides = array<i32>} : memref<16x1024xf32, #tpu.memory_space<vmem>>, vector<1x16xf32>,
        %add3A_462 = arith.constant 0 : i32
        %add3A_463 = arith.addi %mul3A_83, %add3A_462 : i32
        %swap3A_464 = arith.constant 9 : i32
        %swap3A_465 = arith.index_cast %swap3A_464 : i32 to index
        %swap3A_466 = arith.index_cast %add3A_463 : i32 to index
        %swap3A_467 = tpu.vector_load %arg5[%swap3A_465, %swap3A_466] {strides = array<i32>} : memref<16x1024xf32, #tpu.memory_space<vmem>>, vector<1x16xf32>,
        %swap3A_468 = vector.shape_cast %swap3A_467 : vector<1x16xf32> to vector<16xf32>
        %swap3A_469 = vector.shape_cast %scan3A_317#18 : vector<16xf32> to vector<1x16xf32>
        tpu.vector_store %arg5[%swap3A_465, %swap3A_466], %swap3A_469 {strides = array<i32>} : memref<16x1024xf32, #tpu.memory_space<vmem>>, vector<1x16xf32>,
        %add3A_470 = arith.constant 16 : i32
        %add3A_471 = arith.addi %mul3A_83, %add3A_470 : i32
        %swap3A_472 = arith.constant 9 : i32
        %swap3A_473 = arith.index_cast %swap3A_472 : i32 to index
        %swap3A_474 = arith.index_cast %add3A_471 : i32 to index
        %swap3A_475 = tpu.vector_load %arg5[%swap3A_473, %swap3A_474] {strides = array<i32>} : memref<16x1024xf32, #tpu.memory_space<vmem>>, vector<1x16xf32>,
        %swap3A_476 = vector.shape_cast %swap3A_475 : vector<1x16xf32> to vector<16xf32>
        %swap3A_477 = vector.shape_cast %scan3A_317#19 : vector<16xf32> to vector<1x16xf32>
        tpu.vector_store %arg5[%swap3A_473, %swap3A_474], %swap3A_477 {strides = array<i32>} : memref<16x1024xf32, #tpu.memory_space<vmem>>, vector<1x16xf32>,
        %add3A_478 = arith.constant 0 : i32
        %add3A_479 = arith.addi %mul3A_83, %add3A_478 : i32
        %swap3A_480 = arith.constant 10 : i32
        %swap3A_481 = arith.index_cast %swap3A_480 : i32 to index
        %swap3A_482 = arith.index_cast %add3A_479 : i32 to index
        %swap3A_483 = tpu.vector_load %arg5[%swap3A_481, %swap3A_482] {strides = array<i32>} : memref<16x1024xf32, #tpu.memory_space<vmem>>, vector<1x16xf32>,
        %swap3A_484 = vector.shape_cast %swap3A_483 : vector<1x16xf32> to vector<16xf32>
        %swap3A_485 = vector.shape_cast %scan3A_317#20 : vector<16xf32> to vector<1x16xf32>
        tpu.vector_store %arg5[%swap3A_481, %swap3A_482], %swap3A_485 {strides = array<i32>} : memref<16x1024xf32, #tpu.memory_space<vmem>>, vector<1x16xf32>,
        %add3A_486 = arith.constant 16 : i32
        %add3A_487 = arith.addi %mul3A_83, %add3A_486 : i32
        %swap3A_488 = arith.constant 10 : i32
        %swap3A_489 = arith.index_cast %swap3A_488 : i32 to index
        %swap3A_490 = arith.index_cast %add3A_487 : i32 to index
        %swap3A_491 = tpu.vector_load %arg5[%swap3A_489, %swap3A_490] {strides = array<i32>} : memref<16x1024xf32, #tpu.memory_space<vmem>>, vector<1x16xf32>,
        %swap3A_492 = vector.shape_cast %swap3A_491 : vector<1x16xf32> to vector<16xf32>
        %swap3A_493 = vector.shape_cast %scan3A_317#21 : vector<16xf32> to vector<1x16xf32>
        tpu.vector_store %arg5[%swap3A_489, %swap3A_490], %swap3A_493 {strides = array<i32>} : memref<16x1024xf32, #tpu.memory_space<vmem>>, vector<1x16xf32>,
        %add3A_494 = arith.constant 0 : i32
        %add3A_495 = arith.addi %mul3A_83, %add3A_494 : i32
        %swap3A_496 = arith.constant 11 : i32
        %swap3A_497 = arith.index_cast %swap3A_496 : i32 to index
        %swap3A_498 = arith.index_cast %add3A_495 : i32 to index
        %swap3A_499 = tpu.vector_load %arg5[%swap3A_497, %swap3A_498] {strides = array<i32>} : memref<16x1024xf32, #tpu.memory_space<vmem>>, vector<1x16xf32>,
        %swap3A_500 = vector.shape_cast %swap3A_499 : vector<1x16xf32> to vector<16xf32>
        %swap3A_501 = vector.shape_cast %scan3A_317#22 : vector<16xf32> to vector<1x16xf32>
        tpu.vector_store %arg5[%swap3A_497, %swap3A_498], %swap3A_501 {strides = array<i32>} : memref<16x1024xf32, #tpu.memory_space<vmem>>, vector<1x16xf32>,
        %add3A_502 = arith.constant 16 : i32
        %add3A_503 = arith.addi %mul3A_83, %add3A_502 : i32
        %swap3A_504 = arith.constant 11 : i32
        %swap3A_505 = arith.index_cast %swap3A_504 : i32 to index
        %swap3A_506 = arith.index_cast %add3A_503 : i32 to index
        %swap3A_507 = tpu.vector_load %arg5[%swap3A_505, %swap3A_506] {strides = array<i32>} : memref<16x1024xf32, #tpu.memory_space<vmem>>, vector<1x16xf32>,
        %swap3A_508 = vector.shape_cast %swap3A_507 : vector<1x16xf32> to vector<16xf32>
        %swap3A_509 = vector.shape_cast %scan3A_317#23 : vector<16xf32> to vector<1x16xf32>
        tpu.vector_store %arg5[%swap3A_505, %swap3A_506], %swap3A_509 {strides = array<i32>} : memref<16x1024xf32, #tpu.memory_space<vmem>>, vector<1x16xf32>,
        %add3A_510 = arith.constant 0 : i32
        %add3A_511 = arith.addi %mul3A_83, %add3A_510 : i32
        %swap3A_512 = arith.constant 12 : i32
        %swap3A_513 = arith.index_cast %swap3A_512 : i32 to index
        %swap3A_514 = arith.index_cast %add3A_511 : i32 to index
        %swap3A_515 = tpu.vector_load %arg5[%swap3A_513, %swap3A_514] {strides = array<i32>} : memref<16x1024xf32, #tpu.memory_space<vmem>>, vector<1x16xf32>,
        %swap3A_516 = vector.shape_cast %swap3A_515 : vector<1x16xf32> to vector<16xf32>
        %swap3A_517 = vector.shape_cast %scan3A_317#24 : vector<16xf32> to vector<1x16xf32>
        tpu.vector_store %arg5[%swap3A_513, %swap3A_514], %swap3A_517 {strides = array<i32>} : memref<16x1024xf32, #tpu.memory_space<vmem>>, vector<1x16xf32>,
        %add3A_518 = arith.constant 16 : i32
        %add3A_519 = arith.addi %mul3A_83, %add3A_518 : i32
        %swap3A_520 = arith.constant 12 : i32
        %swap3A_521 = arith.index_cast %swap3A_520 : i32 to index
        %swap3A_522 = arith.index_cast %add3A_519 : i32 to index
        %swap3A_523 = tpu.vector_load %arg5[%swap3A_521, %swap3A_522] {strides = array<i32>} : memref<16x1024xf32, #tpu.memory_space<vmem>>, vector<1x16xf32>,
        %swap3A_524 = vector.shape_cast %swap3A_523 : vector<1x16xf32> to vector<16xf32>
        %swap3A_525 = vector.shape_cast %scan3A_317#25 : vector<16xf32> to vector<1x16xf32>
        tpu.vector_store %arg5[%swap3A_521, %swap3A_522], %swap3A_525 {strides = array<i32>} : memref<16x1024xf32, #tpu.memory_space<vmem>>, vector<1x16xf32>,
        %add3A_526 = arith.constant 0 : i32
        %add3A_527 = arith.addi %mul3A_83, %add3A_526 : i32
        %swap3A_528 = arith.constant 13 : i32
        %swap3A_529 = arith.index_cast %swap3A_528 : i32 to index
        %swap3A_530 = arith.index_cast %add3A_527 : i32 to index
        %swap3A_531 = tpu.vector_load %arg5[%swap3A_529, %swap3A_530] {strides = array<i32>} : memref<16x1024xf32, #tpu.memory_space<vmem>>, vector<1x16xf32>,
        %swap3A_532 = vector.shape_cast %swap3A_531 : vector<1x16xf32> to vector<16xf32>
        %swap3A_533 = vector.shape_cast %scan3A_317#26 : vector<16xf32> to vector<1x16xf32>
        tpu.vector_store %arg5[%swap3A_529, %swap3A_530], %swap3A_533 {strides = array<i32>} : memref<16x1024xf32, #tpu.memory_space<vmem>>, vector<1x16xf32>,
        %add3A_534 = arith.constant 16 : i32
        %add3A_535 = arith.addi %mul3A_83, %add3A_534 : i32
        %swap3A_536 = arith.constant 13 : i32
        %swap3A_537 = arith.index_cast %swap3A_536 : i32 to index
        %swap3A_538 = arith.index_cast %add3A_535 : i32 to index
        %swap3A_539 = tpu.vector_load %arg5[%swap3A_537, %swap3A_538] {strides = array<i32>} : memref<16x1024xf32, #tpu.memory_space<vmem>>, vector<1x16xf32>,
        %swap3A_540 = vector.shape_cast %swap3A_539 : vector<1x16xf32> to vector<16xf32>
        %swap3A_541 = vector.shape_cast %scan3A_317#27 : vector<16xf32> to vector<1x16xf32>
        tpu.vector_store %arg5[%swap3A_537, %swap3A_538], %swap3A_541 {strides = array<i32>} : memref<16x1024xf32, #tpu.memory_space<vmem>>, vector<1x16xf32>,
        %add3A_542 = arith.constant 0 : i32
        %add3A_543 = arith.addi %mul3A_83, %add3A_542 : i32
        %swap3A_544 = arith.constant 14 : i32
        %swap3A_545 = arith.index_cast %swap3A_544 : i32 to index
        %swap3A_546 = arith.index_cast %add3A_543 : i32 to index
        %swap3A_547 = tpu.vector_load %arg5[%swap3A_545, %swap3A_546] {strides = array<i32>} : memref<16x1024xf32, #tpu.memory_space<vmem>>, vector<1x16xf32>,
        %swap3A_548 = vector.shape_cast %swap3A_547 : vector<1x16xf32> to vector<16xf32>
        %swap3A_549 = vector.shape_cast %scan3A_317#28 : vector<16xf32> to vector<1x16xf32>
        tpu.vector_store %arg5[%swap3A_545, %swap3A_546], %swap3A_549 {strides = array<i32>} : memref<16x1024xf32, #tpu.memory_space<vmem>>, vector<1x16xf32>,
        %add3A_550 = arith.constant 16 : i32
        %add3A_551 = arith.addi %mul3A_83, %add3A_550 : i32
        %swap3A_552 = arith.constant 14 : i32
        %swap3A_553 = arith.index_cast %swap3A_552 : i32 to index
        %swap3A_554 = arith.index_cast %add3A_551 : i32 to index
        %swap3A_555 = tpu.vector_load %arg5[%swap3A_553, %swap3A_554] {strides = array<i32>} : memref<16x1024xf32, #tpu.memory_space<vmem>>, vector<1x16xf32>,
        %swap3A_556 = vector.shape_cast %swap3A_555 : vector<1x16xf32> to vector<16xf32>
        %swap3A_557 = vector.shape_cast %scan3A_317#29 : vector<16xf32> to vector<1x16xf32>
        tpu.vector_store %arg5[%swap3A_553, %swap3A_554], %swap3A_557 {strides = array<i32>} : memref<16x1024xf32, #tpu.memory_space<vmem>>, vector<1x16xf32>,
        %add3A_558 = arith.constant 0 : i32
        %add3A_559 = arith.addi %mul3A_83, %add3A_558 : i32
        %swap3A_560 = arith.constant 15 : i32
        %swap3A_561 = arith.index_cast %swap3A_560 : i32 to index
        %swap3A_562 = arith.index_cast %add3A_559 : i32 to index
        %swap3A_563 = tpu.vector_load %arg5[%swap3A_561, %swap3A_562] {strides = array<i32>} : memref<16x1024xf32, #tpu.memory_space<vmem>>, vector<1x16xf32>,
        %swap3A_564 = vector.shape_cast %swap3A_563 : vector<1x16xf32> to vector<16xf32>
        %swap3A_565 = vector.shape_cast %scan3A_317#30 : vector<16xf32> to vector<1x16xf32>
        tpu.vector_store %arg5[%swap3A_561, %swap3A_562], %swap3A_565 {strides = array<i32>} : memref<16x1024xf32, #tpu.memory_space<vmem>>, vector<1x16xf32>,
        %add3A_566 = arith.constant 16 : i32
        %add3A_567 = arith.addi %mul3A_83, %add3A_566 : i32
        %swap3A_568 = arith.constant 15 : i32
        %swap3A_569 = arith.index_cast %swap3A_568 : i32 to index
        %swap3A_570 = arith.index_cast %add3A_567 : i32 to index
        %swap3A_571 = tpu.vector_load %arg5[%swap3A_569, %swap3A_570] {strides = array<i32>} : memref<16x1024xf32, #tpu.memory_space<vmem>>, vector<1x16xf32>,
        %swap3A_572 = vector.shape_cast %swap3A_571 : vector<1x16xf32> to vector<16xf32>
        %swap3A_573 = vector.shape_cast %scan3A_317#31 : vector<16xf32> to vector<1x16xf32>
        tpu.vector_store %arg5[%swap3A_569, %swap3A_570], %swap3A_573 {strides = array<i32>} : memref<16x1024xf32, #tpu.memory_space<vmem>>, vector<1x16xf32>,
      }
      %scan3A_80 = arith.constant 32 : i32
    }
    %while3A_59 = arith.constant 1 : i32
    scf.for %while3A_60 = %while3A_57 to %while3A_53 step %while3A_59  : i32 {
      %rem3A = arith.constant 2 : i32
      %rem3A_61 = arith.remsi %while3A_60, %rem3A : i32
      %add3A_62 = arith.constant 1 : i32
      %add3A_63 = arith.addi %while3A_60, %add3A_62 : i32
      %lt3A_64 = arith.cmpi slt, %add3A_63, %add3A_10 : i32
      %convert_element_type3A = arith.extui %lt3A_64 : i1 to i32
      %cond3A = arith.constant 0 : i32
      %cond3A_65 = arith.cmpi ne, %convert_element_type3A, %cond3A : i32
      scf.if %cond3A_65 {
        %add3A_81 = arith.constant 1 : i32
        %add3A_82 = arith.addi %while3A_60, %add3A_81 : i32
        %sub3A_83 = arith.constant 1 : i32
        %sub3A_84 = arith.subi %sub3A_83, %rem3A_61 : i32
        %eq3A_85 = arith.constant 0 : i32
        %eq3A_86 = arith.cmpi eq, %sub3A_84, %eq3A_85 : i32
        %convert_element_type3A_87 = arith.extui %eq3A_86 : i1 to i32
        %cond3A_88 = arith.constant 0 : i32
        %cond3A_89 = arith.cmpi ne, %convert_element_type3A_87, %cond3A_88 : i32
        scf.if %cond3A_89 {
          %add3A_95 = arith.addi %add3A_6, %add3A_82 : i32
          %mul3A_96 = arith.constant 32 : i32
          %mul3A_97 = arith.muli %add3A_95, %mul3A_96 : i32
          %dma_start3A_98 = arith.constant 0 : i32
          %dma_start3A_99 = arith.constant 0 : i32
          %dma_start3A_100 = arith.constant 0 : i32
          %dma_start3A_101 = tpu.memref_slice %arg6[%dma_start3A_98, %dma_start3A_99, %dma_start3A_100] : memref<2x32x1024xf32, #tpu.memory_space<vmem>> -> memref<1x32x1024xf32, #tpu.memory_space<vmem>>
          %dma_start3A_102 = tpu.memref_squeeze %dma_start3A_101 : memref<1x32x1024xf32, #tpu.memory_space<vmem>> -> memref<32x1024xf32, #tpu.memory_space<vmem>>
          %dma_start3A_103 = arith.constant 0 : i32
          %dma_start3A_104 = tpu.memref_slice %arg3[%mul3A_97, %dma_start3A_103] : memref<100000x1024xf32, #tpu.memory_space<hbm>> -> memref<32x1024xf32, #tpu.memory_space<hbm>>
          %dma_start3A_105 = arith.constant 0 : i32
          %dma_start3A_106 = arith.constant 0 : i32
          %dma_start3A_107 = tpu.memref_slice %arg6[%dma_start3A_98, %dma_start3A_105, %dma_start3A_106] : memref<2x32x1024xf32, #tpu.memory_space<vmem>> -> memref<1x32x1024xf32, #tpu.memory_space<vmem>>
          %dma_start3A_108 = tpu.memref_squeeze %dma_start3A_107 : memref<1x32x1024xf32, #tpu.memory_space<vmem>> -> memref<32x1024xf32, #tpu.memory_space<vmem>>
          %dma_start3A_109 = arith.constant 0 : i32
          %dma_start3A_110 = tpu.memref_slice %arg3[%mul3A_97, %dma_start3A_109] : memref<100000x1024xf32, #tpu.memory_space<hbm>> -> memref<32x1024xf32, #tpu.memory_space<hbm>>
          tpu.enqueue_dma source(%dma_start3A_110 : memref<32x1024xf32, #tpu.memory_space<hbm>>) target(%dma_start3A_108 : memref<32x1024xf32, #tpu.memory_space<vmem>>) target_semaphore(%arg8 : memref<!tpu.dma_semaphore, #tpu.memory_space<semaphore_mem>>)
          %sub3A_111 = arith.constant 2997 : i32
          %sub3A_112 = arith.subi %add3A_95, %sub3A_111 : i32
          %dma_start3A_113 = arith.constant 0 : i32
          %dma_start3A_114 = arith.constant 0 : i32
          %dma_start3A_115 = arith.constant 0 : i32
          %dma_start3A_116 = tpu.memref_slice %arg7[%dma_start3A_113, %dma_start3A_114, %dma_start3A_115] : memref<2x4x128xf32, #tpu.memory_space<vmem>> -> memref<1x4x128xf32, #tpu.memory_space<vmem>>
          %dma_start3A_117 = tpu.memref_squeeze %dma_start3A_116 : memref<1x4x128xf32, #tpu.memory_space<vmem>> -> memref<4x128xf32, #tpu.memory_space<vmem>>
          %dma_start3A_118 = arith.constant 0 : i32
          %dma_start3A_119 = arith.constant 0 : i32
          %dma_start3A_120 = tpu.memref_slice %arg2[%sub3A_112, %dma_start3A_118, %dma_start3A_119] : memref<128x4x128xf32, #tpu.memory_space<hbm>> -> memref<1x4x128xf32, #tpu.memory_space<hbm>>
          %dma_start3A_121 = tpu.memref_squeeze %dma_start3A_120 : memref<1x4x128xf32, #tpu.memory_space<hbm>> -> memref<4x128xf32, #tpu.memory_space<hbm>>
          %dma_start3A_122 = arith.constant 0 : i32
          %dma_start3A_123 = arith.constant 0 : i32
          %dma_start3A_124 = tpu.memref_slice %arg7[%dma_start3A_113, %dma_start3A_122, %dma_start3A_123] : memref<2x4x128xf32, #tpu.memory_space<vmem>> -> memref<1x4x128xf32, #tpu.memory_space<vmem>>
          %dma_start3A_125 = tpu.memref_squeeze %dma_start3A_124 : memref<1x4x128xf32, #tpu.memory_space<vmem>> -> memref<4x128xf32, #tpu.memory_space<vmem>>
          %dma_start3A_126 = arith.constant 0 : i32
          %dma_start3A_127 = arith.constant 0 : i32
          %dma_start3A_128 = tpu.memref_slice %arg2[%sub3A_112, %dma_start3A_126, %dma_start3A_127] : memref<128x4x128xf32, #tpu.memory_space<hbm>> -> memref<1x4x128xf32, #tpu.memory_space<hbm>>
          %dma_start3A_129 = tpu.memref_squeeze %dma_start3A_128 : memref<1x4x128xf32, #tpu.memory_space<hbm>> -> memref<4x128xf32, #tpu.memory_space<hbm>>
          tpu.enqueue_dma source(%dma_start3A_129 : memref<4x128xf32, #tpu.memory_space<hbm>>) target(%dma_start3A_125 : memref<4x128xf32, #tpu.memory_space<vmem>>) target_semaphore(%arg10 : memref<!tpu.dma_semaphore, #tpu.memory_space<semaphore_mem>>)
        } else {
        }
        %eq3A_90 = arith.constant 1 : i32
        %eq3A_91 = arith.cmpi eq, %sub3A_84, %eq3A_90 : i32
        %convert_element_type3A_92 = arith.extui %eq3A_91 : i1 to i32
        %cond3A_93 = arith.constant 0 : i32
        %cond3A_94 = arith.cmpi ne, %convert_element_type3A_92, %cond3A_93 : i32
        scf.if %cond3A_94 {
          %add3A_95 = arith.addi %add3A_6, %add3A_82 : i32
          %mul3A_96 = arith.constant 32 : i32
          %mul3A_97 = arith.muli %add3A_95, %mul3A_96 : i32
          %dma_start3A_98 = arith.constant 1 : i32
          %dma_start3A_99 = arith.constant 0 : i32
          %dma_start3A_100 = arith.constant 0 : i32
          %dma_start3A_101 = tpu.memref_slice %arg6[%dma_start3A_98, %dma_start3A_99, %dma_start3A_100] : memref<2x32x1024xf32, #tpu.memory_space<vmem>> -> memref<1x32x1024xf32, #tpu.memory_space<vmem>>
          %dma_start3A_102 = tpu.memref_squeeze %dma_start3A_101 : memref<1x32x1024xf32, #tpu.memory_space<vmem>> -> memref<32x1024xf32, #tpu.memory_space<vmem>>
          %dma_start3A_103 = arith.constant 0 : i32
          %dma_start3A_104 = tpu.memref_slice %arg3[%mul3A_97, %dma_start3A_103] : memref<100000x1024xf32, #tpu.memory_space<hbm>> -> memref<32x1024xf32, #tpu.memory_space<hbm>>
          %dma_start3A_105 = arith.constant 0 : i32
          %dma_start3A_106 = arith.constant 0 : i32
          %dma_start3A_107 = tpu.memref_slice %arg6[%dma_start3A_98, %dma_start3A_105, %dma_start3A_106] : memref<2x32x1024xf32, #tpu.memory_space<vmem>> -> memref<1x32x1024xf32, #tpu.memory_space<vmem>>
          %dma_start3A_108 = tpu.memref_squeeze %dma_start3A_107 : memref<1x32x1024xf32, #tpu.memory_space<vmem>> -> memref<32x1024xf32, #tpu.memory_space<vmem>>
          %dma_start3A_109 = arith.constant 0 : i32
          %dma_start3A_110 = tpu.memref_slice %arg3[%mul3A_97, %dma_start3A_109] : memref<100000x1024xf32, #tpu.memory_space<hbm>> -> memref<32x1024xf32, #tpu.memory_space<hbm>>
          tpu.enqueue_dma source(%dma_start3A_110 : memref<32x1024xf32, #tpu.memory_space<hbm>>) target(%dma_start3A_108 : memref<32x1024xf32, #tpu.memory_space<vmem>>) target_semaphore(%arg9 : memref<!tpu.dma_semaphore, #tpu.memory_space<semaphore_mem>>)
          %sub3A_111 = arith.constant 2997 : i32
          %sub3A_112 = arith.subi %add3A_95, %sub3A_111 : i32
          %dma_start3A_113 = arith.constant 1 : i32
          %dma_start3A_114 = arith.constant 0 : i32
          %dma_start3A_115 = arith.constant 0 : i32
          %dma_start3A_116 = tpu.memref_slice %arg7[%dma_start3A_113, %dma_start3A_114, %dma_start3A_115] : memref<2x4x128xf32, #tpu.memory_space<vmem>> -> memref<1x4x128xf32, #tpu.memory_space<vmem>>
          %dma_start3A_117 = tpu.memref_squeeze %dma_start3A_116 : memref<1x4x128xf32, #tpu.memory_space<vmem>> -> memref<4x128xf32, #tpu.memory_space<vmem>>
          %dma_start3A_118 = arith.constant 0 : i32
          %dma_start3A_119 = arith.constant 0 : i32
          %dma_start3A_120 = tpu.memref_slice %arg2[%sub3A_112, %dma_start3A_118, %dma_start3A_119] : memref<128x4x128xf32, #tpu.memory_space<hbm>> -> memref<1x4x128xf32, #tpu.memory_space<hbm>>
          %dma_start3A_121 = tpu.memref_squeeze %dma_start3A_120 : memref<1x4x128xf32, #tpu.memory_space<hbm>> -> memref<4x128xf32, #tpu.memory_space<hbm>>
          %dma_start3A_122 = arith.constant 0 : i32
          %dma_start3A_123 = arith.constant 0 : i32
          %dma_start3A_124 = tpu.memref_slice %arg7[%dma_start3A_113, %dma_start3A_122, %dma_start3A_123] : memref<2x4x128xf32, #tpu.memory_space<vmem>> -> memref<1x4x128xf32, #tpu.memory_space<vmem>>
          %dma_start3A_125 = tpu.memref_squeeze %dma_start3A_124 : memref<1x4x128xf32, #tpu.memory_space<vmem>> -> memref<4x128xf32, #tpu.memory_space<vmem>>
          %dma_start3A_126 = arith.constant 0 : i32
          %dma_start3A_127 = arith.constant 0 : i32
          %dma_start3A_128 = tpu.memref_slice %arg2[%sub3A_112, %dma_start3A_126, %dma_start3A_127] : memref<128x4x128xf32, #tpu.memory_space<hbm>> -> memref<1x4x128xf32, #tpu.memory_space<hbm>>
          %dma_start3A_129 = tpu.memref_squeeze %dma_start3A_128 : memref<1x4x128xf32, #tpu.memory_space<hbm>> -> memref<4x128xf32, #tpu.memory_space<hbm>>
          tpu.enqueue_dma source(%dma_start3A_129 : memref<4x128xf32, #tpu.memory_space<hbm>>) target(%dma_start3A_125 : memref<4x128xf32, #tpu.memory_space<vmem>>) target_semaphore(%arg11 : memref<!tpu.dma_semaphore, #tpu.memory_space<semaphore_mem>>)
        } else {
        }
      } else {
      }
      %eq3A = arith.constant 0 : i32
      %eq3A_66 = arith.cmpi eq, %rem3A_61, %eq3A : i32
      %convert_element_type3A_67 = arith.extui %eq3A_66 : i1 to i32
      %cond3A_68 = arith.constant 0 : i32
      %cond3A_69 = arith.cmpi ne, %convert_element_type3A_67, %cond3A_68 : i32
      scf.if %cond3A_69 {
        %dma_wait3A = arith.constant 0 : i32
        %dma_wait3A_81 = arith.constant 0 : i32
        %dma_wait3A_82 = arith.constant 0 : i32
        %dma_wait3A_83 = tpu.memref_slice %arg6[%dma_wait3A, %dma_wait3A_81, %dma_wait3A_82] : memref<2x32x1024xf32, #tpu.memory_space<vmem>> -> memref<1x32x1024xf32, #tpu.memory_space<vmem>>
        %dma_wait3A_84 = tpu.memref_squeeze %dma_wait3A_83 : memref<1x32x1024xf32, #tpu.memory_space<vmem>> -> memref<32x1024xf32, #tpu.memory_space<vmem>>
        %dma_wait3A_85 = arith.constant 0 : i32
        %dma_wait3A_86 = arith.constant 0 : i32
        %dma_wait3A_87 = tpu.memref_slice %arg3[%dma_wait3A_85, %dma_wait3A_86] : memref<100000x1024xf32, #tpu.memory_space<hbm>> -> memref<32x1024xf32, #tpu.memory_space<hbm>>
        %dma_wait3A_88 = arith.constant 0 : i32
        %dma_wait3A_89 = arith.constant 0 : i32
        %dma_wait3A_90 = tpu.memref_slice %arg6[%dma_wait3A, %dma_wait3A_88, %dma_wait3A_89] : memref<2x32x1024xf32, #tpu.memory_space<vmem>> -> memref<1x32x1024xf32, #tpu.memory_space<vmem>>
        %dma_wait3A_91 = tpu.memref_squeeze %dma_wait3A_90 : memref<1x32x1024xf32, #tpu.memory_space<vmem>> -> memref<32x1024xf32, #tpu.memory_space<vmem>>
        %dma_wait3A_92 = arith.constant 0 : i32
        %dma_wait3A_93 = arith.constant 0 : i32
        %dma_wait3A_94 = tpu.memref_slice %arg3[%dma_wait3A_92, %dma_wait3A_93] : memref<100000x1024xf32, #tpu.memory_space<hbm>> -> memref<32x1024xf32, #tpu.memory_space<hbm>>
        tpu.wait_dma2 semaphore(%arg8 : memref<!tpu.dma_semaphore, #tpu.memory_space<semaphore_mem>>) src(%dma_wait3A_94 : memref<32x1024xf32, #tpu.memory_space<hbm>>) dst(%dma_wait3A_91 : memref<32x1024xf32, #tpu.memory_space<vmem>>)
        %dma_wait3A_95 = arith.constant 0 : i32
        %dma_wait3A_96 = arith.constant 0 : i32
        %dma_wait3A_97 = arith.constant 0 : i32
        %dma_wait3A_98 = arith.constant 0 : i32
        %dma_wait3A_99 = tpu.memref_slice %arg7[%dma_wait3A_96, %dma_wait3A_97, %dma_wait3A_98] : memref<2x4x128xf32, #tpu.memory_space<vmem>> -> memref<1x4x128xf32, #tpu.memory_space<vmem>>
        %dma_wait3A_100 = tpu.memref_squeeze %dma_wait3A_99 : memref<1x4x128xf32, #tpu.memory_space<vmem>> -> memref<4x128xf32, #tpu.memory_space<vmem>>
        %dma_wait3A_101 = arith.constant 0 : i32
        %dma_wait3A_102 = arith.constant 0 : i32
        %dma_wait3A_103 = tpu.memref_slice %arg2[%dma_wait3A_95, %dma_wait3A_101, %dma_wait3A_102] : memref<128x4x128xf32, #tpu.memory_space<hbm>> -> memref<1x4x128xf32, #tpu.memory_space<hbm>>
        %dma_wait3A_104 = tpu.memref_squeeze %dma_wait3A_103 : memref<1x4x128xf32, #tpu.memory_space<hbm>> -> memref<4x128xf32, #tpu.memory_space<hbm>>
        %dma_wait3A_105 = arith.constant 0 : i32
        %dma_wait3A_106 = arith.constant 0 : i32
        %dma_wait3A_107 = tpu.memref_slice %arg7[%dma_wait3A_96, %dma_wait3A_105, %dma_wait3A_106] : memref<2x4x128xf32, #tpu.memory_space<vmem>> -> memref<1x4x128xf32, #tpu.memory_space<vmem>>
        %dma_wait3A_108 = tpu.memref_squeeze %dma_wait3A_107 : memref<1x4x128xf32, #tpu.memory_space<vmem>> -> memref<4x128xf32, #tpu.memory_space<vmem>>
        %dma_wait3A_109 = arith.constant 0 : i32
        %dma_wait3A_110 = arith.constant 0 : i32
        %dma_wait3A_111 = tpu.memref_slice %arg2[%dma_wait3A_95, %dma_wait3A_109, %dma_wait3A_110] : memref<128x4x128xf32, #tpu.memory_space<hbm>> -> memref<1x4x128xf32, #tpu.memory_space<hbm>>
        %dma_wait3A_112 = tpu.memref_squeeze %dma_wait3A_111 : memref<1x4x128xf32, #tpu.memory_space<hbm>> -> memref<4x128xf32, #tpu.memory_space<hbm>>
        tpu.wait_dma2 semaphore(%arg10 : memref<!tpu.dma_semaphore, #tpu.memory_space<semaphore_mem>>) src(%dma_wait3A_112 : memref<4x128xf32, #tpu.memory_space<hbm>>) dst(%dma_wait3A_108 : memref<4x128xf32, #tpu.memory_space<vmem>>)
      } else {
      }
      %eq3A_70 = arith.constant 1 : i32
      %eq3A_71 = arith.cmpi eq, %rem3A_61, %eq3A_70 : i32
      %convert_element_type3A_72 = arith.extui %eq3A_71 : i1 to i32
      %cond3A_73 = arith.constant 0 : i32
      %cond3A_74 = arith.cmpi ne, %convert_element_type3A_72, %cond3A_73 : i32
      scf.if %cond3A_74 {
        %dma_wait3A = arith.constant 1 : i32
        %dma_wait3A_81 = arith.constant 0 : i32
        %dma_wait3A_82 = arith.constant 0 : i32
        %dma_wait3A_83 = tpu.memref_slice %arg6[%dma_wait3A, %dma_wait3A_81, %dma_wait3A_82] : memref<2x32x1024xf32, #tpu.memory_space<vmem>> -> memref<1x32x1024xf32, #tpu.memory_space<vmem>>
        %dma_wait3A_84 = tpu.memref_squeeze %dma_wait3A_83 : memref<1x32x1024xf32, #tpu.memory_space<vmem>> -> memref<32x1024xf32, #tpu.memory_space<vmem>>
        %dma_wait3A_85 = arith.constant 0 : i32
        %dma_wait3A_86 = arith.constant 0 : i32
        %dma_wait3A_87 = tpu.memref_slice %arg3[%dma_wait3A_85, %dma_wait3A_86] : memref<100000x1024xf32, #tpu.memory_space<hbm>> -> memref<32x1024xf32, #tpu.memory_space<hbm>>
        %dma_wait3A_88 = arith.constant 0 : i32
        %dma_wait3A_89 = arith.constant 0 : i32
        %dma_wait3A_90 = tpu.memref_slice %arg6[%dma_wait3A, %dma_wait3A_88, %dma_wait3A_89] : memref<2x32x1024xf32, #tpu.memory_space<vmem>> -> memref<1x32x1024xf32, #tpu.memory_space<vmem>>
        %dma_wait3A_91 = tpu.memref_squeeze %dma_wait3A_90 : memref<1x32x1024xf32, #tpu.memory_space<vmem>> -> memref<32x1024xf32, #tpu.memory_space<vmem>>
        %dma_wait3A_92 = arith.constant 0 : i32
        %dma_wait3A_93 = arith.constant 0 : i32
        %dma_wait3A_94 = tpu.memref_slice %arg3[%dma_wait3A_92, %dma_wait3A_93] : memref<100000x1024xf32, #tpu.memory_space<hbm>> -> memref<32x1024xf32, #tpu.memory_space<hbm>>
        tpu.wait_dma2 semaphore(%arg9 : memref<!tpu.dma_semaphore, #tpu.memory_space<semaphore_mem>>) src(%dma_wait3A_94 : memref<32x1024xf32, #tpu.memory_space<hbm>>) dst(%dma_wait3A_91 : memref<32x1024xf32, #tpu.memory_space<vmem>>)
        %dma_wait3A_95 = arith.constant 0 : i32
        %dma_wait3A_96 = arith.constant 1 : i32
        %dma_wait3A_97 = arith.constant 0 : i32
        %dma_wait3A_98 = arith.constant 0 : i32
        %dma_wait3A_99 = tpu.memref_slice %arg7[%dma_wait3A_96, %dma_wait3A_97, %dma_wait3A_98] : memref<2x4x128xf32, #tpu.memory_space<vmem>> -> memref<1x4x128xf32, #tpu.memory_space<vmem>>
        %dma_wait3A_100 = tpu.memref_squeeze %dma_wait3A_99 : memref<1x4x128xf32, #tpu.memory_space<vmem>> -> memref<4x128xf32, #tpu.memory_space<vmem>>
        %dma_wait3A_101 = arith.constant 0 : i32
        %dma_wait3A_102 = arith.constant 0 : i32
        %dma_wait3A_103 = tpu.memref_slice %arg2[%dma_wait3A_95, %dma_wait3A_101, %dma_wait3A_102] : memref<128x4x128xf32, #tpu.memory_space<hbm>> -> memref<1x4x128xf32, #tpu.memory_space<hbm>>
        %dma_wait3A_104 = tpu.memref_squeeze %dma_wait3A_103 : memref<1x4x128xf32, #tpu.memory_space<hbm>> -> memref<4x128xf32, #tpu.memory_space<hbm>>
        %dma_wait3A_105 = arith.constant 0 : i32
        %dma_wait3A_106 = arith.constant 0 : i32
        %dma_wait3A_107 = tpu.memref_slice %arg7[%dma_wait3A_96, %dma_wait3A_105, %dma_wait3A_106] : memref<2x4x128xf32, #tpu.memory_space<vmem>> -> memref<1x4x128xf32, #tpu.memory_space<vmem>>
        %dma_wait3A_108 = tpu.memref_squeeze %dma_wait3A_107 : memref<1x4x128xf32, #tpu.memory_space<vmem>> -> memref<4x128xf32, #tpu.memory_space<vmem>>
        %dma_wait3A_109 = arith.constant 0 : i32
        %dma_wait3A_110 = arith.constant 0 : i32
        %dma_wait3A_111 = tpu.memref_slice %arg2[%dma_wait3A_95, %dma_wait3A_109, %dma_wait3A_110] : memref<128x4x128xf32, #tpu.memory_space<hbm>> -> memref<1x4x128xf32, #tpu.memory_space<hbm>>
        %dma_wait3A_112 = tpu.memref_squeeze %dma_wait3A_111 : memref<1x4x128xf32, #tpu.memory_space<hbm>> -> memref<4x128xf32, #tpu.memory_space<hbm>>
        tpu.wait_dma2 semaphore(%arg11 : memref<!tpu.dma_semaphore, #tpu.memory_space<semaphore_mem>>) src(%dma_wait3A_112 : memref<4x128xf32, #tpu.memory_space<hbm>>) dst(%dma_wait3A_108 : memref<4x128xf32, #tpu.memory_space<vmem>>)
      } else {
      }
      %scan3A_75 = arith.constant 0 : i32
      %scan3A_76 = arith.constant 0 : i32
      %scan3A_77 = arith.constant 32 : i32
      %scan3A_78 = arith.addi %scan3A_76, %scan3A_77 : i32
      %scan3A_79 = arith.constant 1 : i32
      scf.for %scan3A_81 = %scan3A_76 to %scan3A_78 step %scan3A_79  : i32 {
        %mul3A_82 = arith.constant 32 : i32
        %mul3A_83 = arith.muli %scan3A_81, %mul3A_82 : i32
        %add3A_84 = arith.constant 0 : i32
        %add3A_85 = arith.addi %mul3A_83, %add3A_84 : i32
        %get3A = arith.constant 0 : i32
        %get3A_86 = arith.index_cast %get3A : i32 to index
        %get3A_87 = arith.index_cast %add3A_85 : i32 to index
        %get3A_88 = tpu.vector_load %arg5[%get3A_86, %get3A_87] {strides = array<i32>} : memref<16x1024xf32, #tpu.memory_space<vmem>>, vector<1x16xf32>,
        %get3A_89 = vector.shape_cast %get3A_88 : vector<1x16xf32> to vector<16xf32>
        %add3A_90 = arith.constant 16 : i32
        %add3A_91 = arith.addi %mul3A_83, %add3A_90 : i32
        %get3A_92 = arith.constant 0 : i32
        %get3A_93 = arith.index_cast %get3A_92 : i32 to index
        %get3A_94 = arith.index_cast %add3A_91 : i32 to index
        %get3A_95 = tpu.vector_load %arg5[%get3A_93, %get3A_94] {strides = array<i32>} : memref<16x1024xf32, #tpu.memory_space<vmem>>, vector<1x16xf32>,
        %get3A_96 = vector.shape_cast %get3A_95 : vector<1x16xf32> to vector<16xf32>
        %add3A_97 = arith.constant 0 : i32
        %add3A_98 = arith.addi %mul3A_83, %add3A_97 : i32
        %get3A_99 = arith.constant 1 : i32
        %get3A_100 = arith.index_cast %get3A_99 : i32 to index
        %get3A_101 = arith.index_cast %add3A_98 : i32 to index
        %get3A_102 = tpu.vector_load %arg5[%get3A_100, %get3A_101] {strides = array<i32>} : memref<16x1024xf32, #tpu.memory_space<vmem>>, vector<1x16xf32>,
        %get3A_103 = vector.shape_cast %get3A_102 : vector<1x16xf32> to vector<16xf32>
        %add3A_104 = arith.constant 16 : i32
        %add3A_105 = arith.addi %mul3A_83, %add3A_104 : i32
        %get3A_106 = arith.constant 1 : i32
        %get3A_107 = arith.index_cast %get3A_106 : i32 to index
        %get3A_108 = arith.index_cast %add3A_105 : i32 to index
        %get3A_109 = tpu.vector_load %arg5[%get3A_107, %get3A_108] {strides = array<i32>} : memref<16x1024xf32, #tpu.memory_space<vmem>>, vector<1x16xf32>,
        %get3A_110 = vector.shape_cast %get3A_109 : vector<1x16xf32> to vector<16xf32>
        %add3A_111 = arith.constant 0 : i32
        %add3A_112 = arith.addi %mul3A_83, %add3A_111 : i32
        %get3A_113 = arith.constant 2 : i32
        %get3A_114 = arith.index_cast %get3A_113 : i32 to index
        %get3A_115 = arith.index_cast %add3A_112 : i32 to index
        %get3A_116 = tpu.vector_load %arg5[%get3A_114, %get3A_115] {strides = array<i32>} : memref<16x1024xf32, #tpu.memory_space<vmem>>, vector<1x16xf32>,
        %get3A_117 = vector.shape_cast %get3A_116 : vector<1x16xf32> to vector<16xf32>
        %add3A_118 = arith.constant 16 : i32
        %add3A_119 = arith.addi %mul3A_83, %add3A_118 : i32
        %get3A_120 = arith.constant 2 : i32
        %get3A_121 = arith.index_cast %get3A_120 : i32 to index
        %get3A_122 = arith.index_cast %add3A_119 : i32 to index
        %get3A_123 = tpu.vector_load %arg5[%get3A_121, %get3A_122] {strides = array<i32>} : memref<16x1024xf32, #tpu.memory_space<vmem>>, vector<1x16xf32>,
        %get3A_124 = vector.shape_cast %get3A_123 : vector<1x16xf32> to vector<16xf32>
        %add3A_125 = arith.constant 0 : i32
        %add3A_126 = arith.addi %mul3A_83, %add3A_125 : i32
        %get3A_127 = arith.constant 3 : i32
        %get3A_128 = arith.index_cast %get3A_127 : i32 to index
        %get3A_129 = arith.index_cast %add3A_126 : i32 to index
        %get3A_130 = tpu.vector_load %arg5[%get3A_128, %get3A_129] {strides = array<i32>} : memref<16x1024xf32, #tpu.memory_space<vmem>>, vector<1x16xf32>,
        %get3A_131 = vector.shape_cast %get3A_130 : vector<1x16xf32> to vector<16xf32>
        %add3A_132 = arith.constant 16 : i32
        %add3A_133 = arith.addi %mul3A_83, %add3A_132 : i32
        %get3A_134 = arith.constant 3 : i32
        %get3A_135 = arith.index_cast %get3A_134 : i32 to index
        %get3A_136 = arith.index_cast %add3A_133 : i32 to index
        %get3A_137 = tpu.vector_load %arg5[%get3A_135, %get3A_136] {strides = array<i32>} : memref<16x1024xf32, #tpu.memory_space<vmem>>, vector<1x16xf32>,
        %get3A_138 = vector.shape_cast %get3A_137 : vector<1x16xf32> to vector<16xf32>
        %add3A_139 = arith.constant 0 : i32
        %add3A_140 = arith.addi %mul3A_83, %add3A_139 : i32
        %get3A_141 = arith.constant 4 : i32
        %get3A_142 = arith.index_cast %get3A_141 : i32 to index
        %get3A_143 = arith.index_cast %add3A_140 : i32 to index
        %get3A_144 = tpu.vector_load %arg5[%get3A_142, %get3A_143] {strides = array<i32>} : memref<16x1024xf32, #tpu.memory_space<vmem>>, vector<1x16xf32>,
        %get3A_145 = vector.shape_cast %get3A_144 : vector<1x16xf32> to vector<16xf32>
        %add3A_146 = arith.constant 16 : i32
        %add3A_147 = arith.addi %mul3A_83, %add3A_146 : i32
        %get3A_148 = arith.constant 4 : i32
        %get3A_149 = arith.index_cast %get3A_148 : i32 to index
        %get3A_150 = arith.index_cast %add3A_147 : i32 to index
        %get3A_151 = tpu.vector_load %arg5[%get3A_149, %get3A_150] {strides = array<i32>} : memref<16x1024xf32, #tpu.memory_space<vmem>>, vector<1x16xf32>,
        %get3A_152 = vector.shape_cast %get3A_151 : vector<1x16xf32> to vector<16xf32>
        %add3A_153 = arith.constant 0 : i32
        %add3A_154 = arith.addi %mul3A_83, %add3A_153 : i32
        %get3A_155 = arith.constant 5 : i32
        %get3A_156 = arith.index_cast %get3A_155 : i32 to index
        %get3A_157 = arith.index_cast %add3A_154 : i32 to index
        %get3A_158 = tpu.vector_load %arg5[%get3A_156, %get3A_157] {strides = array<i32>} : memref<16x1024xf32, #tpu.memory_space<vmem>>, vector<1x16xf32>,
        %get3A_159 = vector.shape_cast %get3A_158 : vector<1x16xf32> to vector<16xf32>
        %add3A_160 = arith.constant 16 : i32
        %add3A_161 = arith.addi %mul3A_83, %add3A_160 : i32
        %get3A_162 = arith.constant 5 : i32
        %get3A_163 = arith.index_cast %get3A_162 : i32 to index
        %get3A_164 = arith.index_cast %add3A_161 : i32 to index
        %get3A_165 = tpu.vector_load %arg5[%get3A_163, %get3A_164] {strides = array<i32>} : memref<16x1024xf32, #tpu.memory_space<vmem>>, vector<1x16xf32>,
        %get3A_166 = vector.shape_cast %get3A_165 : vector<1x16xf32> to vector<16xf32>
        %add3A_167 = arith.constant 0 : i32
        %add3A_168 = arith.addi %mul3A_83, %add3A_167 : i32
        %get3A_169 = arith.constant 6 : i32
        %get3A_170 = arith.index_cast %get3A_169 : i32 to index
        %get3A_171 = arith.index_cast %add3A_168 : i32 to index
        %get3A_172 = tpu.vector_load %arg5[%get3A_170, %get3A_171] {strides = array<i32>} : memref<16x1024xf32, #tpu.memory_space<vmem>>, vector<1x16xf32>,
        %get3A_173 = vector.shape_cast %get3A_172 : vector<1x16xf32> to vector<16xf32>
        %add3A_174 = arith.constant 16 : i32
        %add3A_175 = arith.addi %mul3A_83, %add3A_174 : i32
        %get3A_176 = arith.constant 6 : i32
        %get3A_177 = arith.index_cast %get3A_176 : i32 to index
        %get3A_178 = arith.index_cast %add3A_175 : i32 to index
        %get3A_179 = tpu.vector_load %arg5[%get3A_177, %get3A_178] {strides = array<i32>} : memref<16x1024xf32, #tpu.memory_space<vmem>>, vector<1x16xf32>,
        %get3A_180 = vector.shape_cast %get3A_179 : vector<1x16xf32> to vector<16xf32>
        %add3A_181 = arith.constant 0 : i32
        %add3A_182 = arith.addi %mul3A_83, %add3A_181 : i32
        %get3A_183 = arith.constant 7 : i32
        %get3A_184 = arith.index_cast %get3A_183 : i32 to index
        %get3A_185 = arith.index_cast %add3A_182 : i32 to index
        %get3A_186 = tpu.vector_load %arg5[%get3A_184, %get3A_185] {strides = array<i32>} : memref<16x1024xf32, #tpu.memory_space<vmem>>, vector<1x16xf32>,
        %get3A_187 = vector.shape_cast %get3A_186 : vector<1x16xf32> to vector<16xf32>
        %add3A_188 = arith.constant 16 : i32
        %add3A_189 = arith.addi %mul3A_83, %add3A_188 : i32
        %get3A_190 = arith.constant 7 : i32
        %get3A_191 = arith.index_cast %get3A_190 : i32 to index
        %get3A_192 = arith.index_cast %add3A_189 : i32 to index
        %get3A_193 = tpu.vector_load %arg5[%get3A_191, %get3A_192] {strides = array<i32>} : memref<16x1024xf32, #tpu.memory_space<vmem>>, vector<1x16xf32>,
        %get3A_194 = vector.shape_cast %get3A_193 : vector<1x16xf32> to vector<16xf32>
        %add3A_195 = arith.constant 0 : i32
        %add3A_196 = arith.addi %mul3A_83, %add3A_195 : i32
        %get3A_197 = arith.constant 8 : i32
        %get3A_198 = arith.index_cast %get3A_197 : i32 to index
        %get3A_199 = arith.index_cast %add3A_196 : i32 to index
        %get3A_200 = tpu.vector_load %arg5[%get3A_198, %get3A_199] {strides = array<i32>} : memref<16x1024xf32, #tpu.memory_space<vmem>>, vector<1x16xf32>,
        %get3A_201 = vector.shape_cast %get3A_200 : vector<1x16xf32> to vector<16xf32>
        %add3A_202 = arith.constant 16 : i32
        %add3A_203 = arith.addi %mul3A_83, %add3A_202 : i32
        %get3A_204 = arith.constant 8 : i32
        %get3A_205 = arith.index_cast %get3A_204 : i32 to index
        %get3A_206 = arith.index_cast %add3A_203 : i32 to index
        %get3A_207 = tpu.vector_load %arg5[%get3A_205, %get3A_206] {strides = array<i32>} : memref<16x1024xf32, #tpu.memory_space<vmem>>, vector<1x16xf32>,
        %get3A_208 = vector.shape_cast %get3A_207 : vector<1x16xf32> to vector<16xf32>
        %add3A_209 = arith.constant 0 : i32
        %add3A_210 = arith.addi %mul3A_83, %add3A_209 : i32
        %get3A_211 = arith.constant 9 : i32
        %get3A_212 = arith.index_cast %get3A_211 : i32 to index
        %get3A_213 = arith.index_cast %add3A_210 : i32 to index
        %get3A_214 = tpu.vector_load %arg5[%get3A_212, %get3A_213] {strides = array<i32>} : memref<16x1024xf32, #tpu.memory_space<vmem>>, vector<1x16xf32>,
        %get3A_215 = vector.shape_cast %get3A_214 : vector<1x16xf32> to vector<16xf32>
        %add3A_216 = arith.constant 16 : i32
        %add3A_217 = arith.addi %mul3A_83, %add3A_216 : i32
        %get3A_218 = arith.constant 9 : i32
        %get3A_219 = arith.index_cast %get3A_218 : i32 to index
        %get3A_220 = arith.index_cast %add3A_217 : i32 to index
        %get3A_221 = tpu.vector_load %arg5[%get3A_219, %get3A_220] {strides = array<i32>} : memref<16x1024xf32, #tpu.memory_space<vmem>>, vector<1x16xf32>,
        %get3A_222 = vector.shape_cast %get3A_221 : vector<1x16xf32> to vector<16xf32>
        %add3A_223 = arith.constant 0 : i32
        %add3A_224 = arith.addi %mul3A_83, %add3A_223 : i32
        %get3A_225 = arith.constant 10 : i32
        %get3A_226 = arith.index_cast %get3A_225 : i32 to index
        %get3A_227 = arith.index_cast %add3A_224 : i32 to index
        %get3A_228 = tpu.vector_load %arg5[%get3A_226, %get3A_227] {strides = array<i32>} : memref<16x1024xf32, #tpu.memory_space<vmem>>, vector<1x16xf32>,
        %get3A_229 = vector.shape_cast %get3A_228 : vector<1x16xf32> to vector<16xf32>
        %add3A_230 = arith.constant 16 : i32
        %add3A_231 = arith.addi %mul3A_83, %add3A_230 : i32
        %get3A_232 = arith.constant 10 : i32
        %get3A_233 = arith.index_cast %get3A_232 : i32 to index
        %get3A_234 = arith.index_cast %add3A_231 : i32 to index
        %get3A_235 = tpu.vector_load %arg5[%get3A_233, %get3A_234] {strides = array<i32>} : memref<16x1024xf32, #tpu.memory_space<vmem>>, vector<1x16xf32>,
        %get3A_236 = vector.shape_cast %get3A_235 : vector<1x16xf32> to vector<16xf32>
        %add3A_237 = arith.constant 0 : i32
        %add3A_238 = arith.addi %mul3A_83, %add3A_237 : i32
        %get3A_239 = arith.constant 11 : i32
        %get3A_240 = arith.index_cast %get3A_239 : i32 to index
        %get3A_241 = arith.index_cast %add3A_238 : i32 to index
        %get3A_242 = tpu.vector_load %arg5[%get3A_240, %get3A_241] {strides = array<i32>} : memref<16x1024xf32, #tpu.memory_space<vmem>>, vector<1x16xf32>,
        %get3A_243 = vector.shape_cast %get3A_242 : vector<1x16xf32> to vector<16xf32>
        %add3A_244 = arith.constant 16 : i32
        %add3A_245 = arith.addi %mul3A_83, %add3A_244 : i32
        %get3A_246 = arith.constant 11 : i32
        %get3A_247 = arith.index_cast %get3A_246 : i32 to index
        %get3A_248 = arith.index_cast %add3A_245 : i32 to index
        %get3A_249 = tpu.vector_load %arg5[%get3A_247, %get3A_248] {strides = array<i32>} : memref<16x1024xf32, #tpu.memory_space<vmem>>, vector<1x16xf32>,
        %get3A_250 = vector.shape_cast %get3A_249 : vector<1x16xf32> to vector<16xf32>
        %add3A_251 = arith.constant 0 : i32
        %add3A_252 = arith.addi %mul3A_83, %add3A_251 : i32
        %get3A_253 = arith.constant 12 : i32
        %get3A_254 = arith.index_cast %get3A_253 : i32 to index
        %get3A_255 = arith.index_cast %add3A_252 : i32 to index
        %get3A_256 = tpu.vector_load %arg5[%get3A_254, %get3A_255] {strides = array<i32>} : memref<16x1024xf32, #tpu.memory_space<vmem>>, vector<1x16xf32>,
        %get3A_257 = vector.shape_cast %get3A_256 : vector<1x16xf32> to vector<16xf32>
        %add3A_258 = arith.constant 16 : i32
        %add3A_259 = arith.addi %mul3A_83, %add3A_258 : i32
        %get3A_260 = arith.constant 12 : i32
        %get3A_261 = arith.index_cast %get3A_260 : i32 to index
        %get3A_262 = arith.index_cast %add3A_259 : i32 to index
        %get3A_263 = tpu.vector_load %arg5[%get3A_261, %get3A_262] {strides = array<i32>} : memref<16x1024xf32, #tpu.memory_space<vmem>>, vector<1x16xf32>,
        %get3A_264 = vector.shape_cast %get3A_263 : vector<1x16xf32> to vector<16xf32>
        %add3A_265 = arith.constant 0 : i32
        %add3A_266 = arith.addi %mul3A_83, %add3A_265 : i32
        %get3A_267 = arith.constant 13 : i32
        %get3A_268 = arith.index_cast %get3A_267 : i32 to index
        %get3A_269 = arith.index_cast %add3A_266 : i32 to index
        %get3A_270 = tpu.vector_load %arg5[%get3A_268, %get3A_269] {strides = array<i32>} : memref<16x1024xf32, #tpu.memory_space<vmem>>, vector<1x16xf32>,
        %get3A_271 = vector.shape_cast %get3A_270 : vector<1x16xf32> to vector<16xf32>
        %add3A_272 = arith.constant 16 : i32
        %add3A_273 = arith.addi %mul3A_83, %add3A_272 : i32
        %get3A_274 = arith.constant 13 : i32
        %get3A_275 = arith.index_cast %get3A_274 : i32 to index
        %get3A_276 = arith.index_cast %add3A_273 : i32 to index
        %get3A_277 = tpu.vector_load %arg5[%get3A_275, %get3A_276] {strides = array<i32>} : memref<16x1024xf32, #tpu.memory_space<vmem>>, vector<1x16xf32>,
        %get3A_278 = vector.shape_cast %get3A_277 : vector<1x16xf32> to vector<16xf32>
        %add3A_279 = arith.constant 0 : i32
        %add3A_280 = arith.addi %mul3A_83, %add3A_279 : i32
        %get3A_281 = arith.constant 14 : i32
        %get3A_282 = arith.index_cast %get3A_281 : i32 to index
        %get3A_283 = arith.index_cast %add3A_280 : i32 to index
        %get3A_284 = tpu.vector_load %arg5[%get3A_282, %get3A_283] {strides = array<i32>} : memref<16x1024xf32, #tpu.memory_space<vmem>>, vector<1x16xf32>,
        %get3A_285 = vector.shape_cast %get3A_284 : vector<1x16xf32> to vector<16xf32>
        %add3A_286 = arith.constant 16 : i32
        %add3A_287 = arith.addi %mul3A_83, %add3A_286 : i32
        %get3A_288 = arith.constant 14 : i32
        %get3A_289 = arith.index_cast %get3A_288 : i32 to index
        %get3A_290 = arith.index_cast %add3A_287 : i32 to index
        %get3A_291 = tpu.vector_load %arg5[%get3A_289, %get3A_290] {strides = array<i32>} : memref<16x1024xf32, #tpu.memory_space<vmem>>, vector<1x16xf32>,
        %get3A_292 = vector.shape_cast %get3A_291 : vector<1x16xf32> to vector<16xf32>
        %add3A_293 = arith.constant 0 : i32
        %add3A_294 = arith.addi %mul3A_83, %add3A_293 : i32
        %get3A_295 = arith.constant 15 : i32
        %get3A_296 = arith.index_cast %get3A_295 : i32 to index
        %get3A_297 = arith.index_cast %add3A_294 : i32 to index
        %get3A_298 = tpu.vector_load %arg5[%get3A_296, %get3A_297] {strides = array<i32>} : memref<16x1024xf32, #tpu.memory_space<vmem>>, vector<1x16xf32>,
        %get3A_299 = vector.shape_cast %get3A_298 : vector<1x16xf32> to vector<16xf32>
        %add3A_300 = arith.constant 16 : i32
        %add3A_301 = arith.addi %mul3A_83, %add3A_300 : i32
        %get3A_302 = arith.constant 15 : i32
        %get3A_303 = arith.index_cast %get3A_302 : i32 to index
        %get3A_304 = arith.index_cast %add3A_301 : i32 to index
        %get3A_305 = tpu.vector_load %arg5[%get3A_303, %get3A_304] {strides = array<i32>} : memref<16x1024xf32, #tpu.memory_space<vmem>>, vector<1x16xf32>,
        %get3A_306 = vector.shape_cast %get3A_305 : vector<1x16xf32> to vector<16xf32>
        %scan3A_307 = arith.constant 0 : i32
        %scan3A_308 = arith.constant 16 : i32
        %scan3A_309 = arith.addi %scan3A_307, %scan3A_308 : i32
        %scan3A_310 = arith.constant 1 : i32
        %scan3A_311:32 = scf.for %scan3A_574 = %scan3A_307 to %scan3A_309 step %scan3A_310 iter_args(%scan3A_575 = %get3A_89, %scan3A_576 = %get3A_96, %scan3A_577 = %get3A_103, %scan3A_578 = %get3A_110, %scan3A_579 = %get3A_117, %scan3A_580 = %get3A_124, %scan3A_581 = %get3A_131, %scan3A_582 = %get3A_138, %scan3A_583 = %get3A_145, %scan3A_584 = %get3A_152, %scan3A_585 = %get3A_159, %scan3A_586 = %get3A_166, %scan3A_587 = %get3A_173, %scan3A_588 = %get3A_180, %scan3A_589 = %get3A_187, %scan3A_590 = %get3A_194, %scan3A_591 = %get3A_201, %scan3A_592 = %get3A_208, %scan3A_593 = %get3A_215, %scan3A_594 = %get3A_222, %scan3A_595 = %get3A_229, %scan3A_596 = %get3A_236, %scan3A_597 = %get3A_243, %scan3A_598 = %get3A_250, %scan3A_599 = %get3A_257, %scan3A_600 = %get3A_264, %scan3A_601 = %get3A_271, %scan3A_602 = %get3A_278, %scan3A_603 = %get3A_285, %scan3A_604 = %get3A_292, %scan3A_605 = %get3A_299, %scan3A_606 = %get3A_306) -> (vector<16xf32>, vector<16xf32>, vector<16xf32>, vector<16xf32>, vector<16xf32>, vector<16xf32>, vector<16xf32>, vector<16xf32>, vector<16xf32>, vector<16xf32>, vector<16xf32>, vector<16xf32>, vector<16xf32>, vector<16xf32>, vector<16xf32>, vector<16xf32>, vector<16xf32>, vector<16xf32>, vector<16xf32>, vector<16xf32>, vector<16xf32>, vector<16xf32>, vector<16xf32>, vector<16xf32>, vector<16xf32>, vector<16xf32>, vector<16xf32>, vector<16xf32>, vector<16xf32>, vector<16xf32>, vector<16xf32>, vector<16xf32>)  : i32 {
          %sub3A_607 = arith.constant 0 : i32
          %sub3A_608 = arith.subi %scan3A_574, %sub3A_607 : i32
          %broadcast_in_dim3A_609 = vector.broadcast %sub3A_608 : i32 to vector<16xi32>
          %add3A_610 = arith.constant 0 : i32
          %add3A_611 = arith.addi %mul3A_83, %add3A_610 : i32
          %get3A_612 = arith.index_cast %rem3A_61 : i32 to index
          %get3A_613 = arith.index_cast %scan3A_574 : i32 to index
          %get3A_614 = arith.index_cast %add3A_611 : i32 to index
          %get3A_615 = tpu.vector_load %arg6[%get3A_612, %get3A_613, %get3A_614] {strides = array<i32>} : memref<2x32x1024xf32, #tpu.memory_space<vmem>>, vector<1x1x16xf32>,
          %get3A_616 = vector.shape_cast %get3A_615 : vector<1x1x16xf32> to vector<16xf32>
          %add3A_617 = arith.constant 16 : i32
          %add3A_618 = arith.addi %mul3A_83, %add3A_617 : i32
          %get3A_619 = arith.index_cast %rem3A_61 : i32 to index
          %get3A_620 = arith.index_cast %scan3A_574 : i32 to index
          %get3A_621 = arith.index_cast %add3A_618 : i32 to index
          %get3A_622 = tpu.vector_load %arg6[%get3A_619, %get3A_620, %get3A_621] {strides = array<i32>} : memref<2x32x1024xf32, #tpu.memory_space<vmem>>, vector<1x1x16xf32>,
          %get3A_623 = vector.shape_cast %get3A_622 : vector<1x1x16xf32> to vector<16xf32>
          %get3A_624 = arith.constant 0 : i32
          %get3A_625 = arith.index_cast %rem3A_61 : i32 to index
          %get3A_626 = arith.index_cast %get3A_624 : i32 to index
          %get3A_627 = arith.constant 0 : index
          %get3A_628 = tpu.vector_load %arg7[%get3A_625, %get3A_626, %get3A_627] {strides = array<i32>} : memref<2x4x128xf32, #tpu.memory_space<vmem>>, vector<1x1x16xf32>,
          %get3A_629 = vector.shape_cast %get3A_628 : vector<1x1x16xf32> to vector<16xf32>
          %broadcast_in_dim3A_630 = vector.shape_cast %broadcast_in_dim3A_609 : vector<16xi32> to vector<16x1xi32>
          %gather3A = vector.shape_cast %broadcast_in_dim3A_630 : vector<16x1xi32> to vector<16xi32>
          %gather3A_631 = tpu.dynamic_gather %get3A_629[%gather3A] in [0] : vector<16xf32>, vector<16xi32> -> vector<16xf32>
          %mul3A_632 = arith.mulf %get3A_616, %gather3A_631 : vector<16xf32>
          %add3A_633 = arith.addf %scan3A_575, %mul3A_632 : vector<16xf32>
          %mul3A_634 = arith.mulf %get3A_623, %gather3A_631 : vector<16xf32>
          %add3A_635 = arith.addf %scan3A_576, %mul3A_634 : vector<16xf32>
          %get3A_636 = arith.constant 0 : i32
          %get3A_637 = arith.index_cast %rem3A_61 : i32 to index
          %get3A_638 = arith.index_cast %get3A_636 : i32 to index
          %get3A_639 = arith.constant 32 : index
          %get3A_640 = tpu.vector_load %arg7[%get3A_637, %get3A_638, %get3A_639] {strides = array<i32>} : memref<2x4x128xf32, #tpu.memory_space<vmem>>, vector<1x1x16xf32>,
          %get3A_641 = vector.shape_cast %get3A_640 : vector<1x1x16xf32> to vector<16xf32>
          %broadcast_in_dim3A_642 = vector.shape_cast %broadcast_in_dim3A_609 : vector<16xi32> to vector<16x1xi32>
          %gather3A_643 = vector.shape_cast %broadcast_in_dim3A_642 : vector<16x1xi32> to vector<16xi32>
          %gather3A_644 = tpu.dynamic_gather %get3A_641[%gather3A_643] in [0] : vector<16xf32>, vector<16xi32> -> vector<16xf32>
          %mul3A_645 = arith.mulf %get3A_616, %gather3A_644 : vector<16xf32>
          %add3A_646 = arith.addf %scan3A_577, %mul3A_645 : vector<16xf32>
          %mul3A_647 = arith.mulf %get3A_623, %gather3A_644 : vector<16xf32>
          %add3A_648 = arith.addf %scan3A_578, %mul3A_647 : vector<16xf32>
          %get3A_649 = arith.constant 0 : i32
          %get3A_650 = arith.index_cast %rem3A_61 : i32 to index
          %get3A_651 = arith.index_cast %get3A_649 : i32 to index
          %get3A_652 = arith.constant 64 : index
          %get3A_653 = tpu.vector_load %arg7[%get3A_650, %get3A_651, %get3A_652] {strides = array<i32>} : memref<2x4x128xf32, #tpu.memory_space<vmem>>, vector<1x1x16xf32>,
          %get3A_654 = vector.shape_cast %get3A_653 : vector<1x1x16xf32> to vector<16xf32>
          %broadcast_in_dim3A_655 = vector.shape_cast %broadcast_in_dim3A_609 : vector<16xi32> to vector<16x1xi32>
          %gather3A_656 = vector.shape_cast %broadcast_in_dim3A_655 : vector<16x1xi32> to vector<16xi32>
          %gather3A_657 = tpu.dynamic_gather %get3A_654[%gather3A_656] in [0] : vector<16xf32>, vector<16xi32> -> vector<16xf32>
          %mul3A_658 = arith.mulf %get3A_616, %gather3A_657 : vector<16xf32>
          %add3A_659 = arith.addf %scan3A_579, %mul3A_658 : vector<16xf32>
          %mul3A_660 = arith.mulf %get3A_623, %gather3A_657 : vector<16xf32>
          %add3A_661 = arith.addf %scan3A_580, %mul3A_660 : vector<16xf32>
          %get3A_662 = arith.constant 0 : i32
          %get3A_663 = arith.index_cast %rem3A_61 : i32 to index
          %get3A_664 = arith.index_cast %get3A_662 : i32 to index
          %get3A_665 = arith.constant 96 : index
          %get3A_666 = tpu.vector_load %arg7[%get3A_663, %get3A_664, %get3A_665] {strides = array<i32>} : memref<2x4x128xf32, #tpu.memory_space<vmem>>, vector<1x1x16xf32>,
          %get3A_667 = vector.shape_cast %get3A_666 : vector<1x1x16xf32> to vector<16xf32>
          %broadcast_in_dim3A_668 = vector.shape_cast %broadcast_in_dim3A_609 : vector<16xi32> to vector<16x1xi32>
          %gather3A_669 = vector.shape_cast %broadcast_in_dim3A_668 : vector<16x1xi32> to vector<16xi32>
          %gather3A_670 = tpu.dynamic_gather %get3A_667[%gather3A_669] in [0] : vector<16xf32>, vector<16xi32> -> vector<16xf32>
          %mul3A_671 = arith.mulf %get3A_616, %gather3A_670 : vector<16xf32>
          %add3A_672 = arith.addf %scan3A_581, %mul3A_671 : vector<16xf32>
          %mul3A_673 = arith.mulf %get3A_623, %gather3A_670 : vector<16xf32>
          %add3A_674 = arith.addf %scan3A_582, %mul3A_673 : vector<16xf32>
          %get3A_675 = arith.constant 1 : i32
          %get3A_676 = arith.index_cast %rem3A_61 : i32 to index
          %get3A_677 = arith.index_cast %get3A_675 : i32 to index
          %get3A_678 = arith.constant 0 : index
          %get3A_679 = tpu.vector_load %arg7[%get3A_676, %get3A_677, %get3A_678] {strides = array<i32>} : memref<2x4x128xf32, #tpu.memory_space<vmem>>, vector<1x1x16xf32>,
          %get3A_680 = vector.shape_cast %get3A_679 : vector<1x1x16xf32> to vector<16xf32>
          %broadcast_in_dim3A_681 = vector.shape_cast %broadcast_in_dim3A_609 : vector<16xi32> to vector<16x1xi32>
          %gather3A_682 = vector.shape_cast %broadcast_in_dim3A_681 : vector<16x1xi32> to vector<16xi32>
          %gather3A_683 = tpu.dynamic_gather %get3A_680[%gather3A_682] in [0] : vector<16xf32>, vector<16xi32> -> vector<16xf32>
          %mul3A_684 = arith.mulf %get3A_616, %gather3A_683 : vector<16xf32>
          %add3A_685 = arith.addf %scan3A_583, %mul3A_684 : vector<16xf32>
          %mul3A_686 = arith.mulf %get3A_623, %gather3A_683 : vector<16xf32>
          %add3A_687 = arith.addf %scan3A_584, %mul3A_686 : vector<16xf32>
          %get3A_688 = arith.constant 1 : i32
          %get3A_689 = arith.index_cast %rem3A_61 : i32 to index
          %get3A_690 = arith.index_cast %get3A_688 : i32 to index
          %get3A_691 = arith.constant 32 : index
          %get3A_692 = tpu.vector_load %arg7[%get3A_689, %get3A_690, %get3A_691] {strides = array<i32>} : memref<2x4x128xf32, #tpu.memory_space<vmem>>, vector<1x1x16xf32>,
          %get3A_693 = vector.shape_cast %get3A_692 : vector<1x1x16xf32> to vector<16xf32>
          %broadcast_in_dim3A_694 = vector.shape_cast %broadcast_in_dim3A_609 : vector<16xi32> to vector<16x1xi32>
          %gather3A_695 = vector.shape_cast %broadcast_in_dim3A_694 : vector<16x1xi32> to vector<16xi32>
          %gather3A_696 = tpu.dynamic_gather %get3A_693[%gather3A_695] in [0] : vector<16xf32>, vector<16xi32> -> vector<16xf32>
          %mul3A_697 = arith.mulf %get3A_616, %gather3A_696 : vector<16xf32>
          %add3A_698 = arith.addf %scan3A_585, %mul3A_697 : vector<16xf32>
          %mul3A_699 = arith.mulf %get3A_623, %gather3A_696 : vector<16xf32>
          %add3A_700 = arith.addf %scan3A_586, %mul3A_699 : vector<16xf32>
          %get3A_701 = arith.constant 1 : i32
          %get3A_702 = arith.index_cast %rem3A_61 : i32 to index
          %get3A_703 = arith.index_cast %get3A_701 : i32 to index
          %get3A_704 = arith.constant 64 : index
          %get3A_705 = tpu.vector_load %arg7[%get3A_702, %get3A_703, %get3A_704] {strides = array<i32>} : memref<2x4x128xf32, #tpu.memory_space<vmem>>, vector<1x1x16xf32>,
          %get3A_706 = vector.shape_cast %get3A_705 : vector<1x1x16xf32> to vector<16xf32>
          %broadcast_in_dim3A_707 = vector.shape_cast %broadcast_in_dim3A_609 : vector<16xi32> to vector<16x1xi32>
          %gather3A_708 = vector.shape_cast %broadcast_in_dim3A_707 : vector<16x1xi32> to vector<16xi32>
          %gather3A_709 = tpu.dynamic_gather %get3A_706[%gather3A_708] in [0] : vector<16xf32>, vector<16xi32> -> vector<16xf32>
          %mul3A_710 = arith.mulf %get3A_616, %gather3A_709 : vector<16xf32>
          %add3A_711 = arith.addf %scan3A_587, %mul3A_710 : vector<16xf32>
          %mul3A_712 = arith.mulf %get3A_623, %gather3A_709 : vector<16xf32>
          %add3A_713 = arith.addf %scan3A_588, %mul3A_712 : vector<16xf32>
          %get3A_714 = arith.constant 1 : i32
          %get3A_715 = arith.index_cast %rem3A_61 : i32 to index
          %get3A_716 = arith.index_cast %get3A_714 : i32 to index
          %get3A_717 = arith.constant 96 : index
          %get3A_718 = tpu.vector_load %arg7[%get3A_715, %get3A_716, %get3A_717] {strides = array<i32>} : memref<2x4x128xf32, #tpu.memory_space<vmem>>, vector<1x1x16xf32>,
          %get3A_719 = vector.shape_cast %get3A_718 : vector<1x1x16xf32> to vector<16xf32>
          %broadcast_in_dim3A_720 = vector.shape_cast %broadcast_in_dim3A_609 : vector<16xi32> to vector<16x1xi32>
          %gather3A_721 = vector.shape_cast %broadcast_in_dim3A_720 : vector<16x1xi32> to vector<16xi32>
          %gather3A_722 = tpu.dynamic_gather %get3A_719[%gather3A_721] in [0] : vector<16xf32>, vector<16xi32> -> vector<16xf32>
          %mul3A_723 = arith.mulf %get3A_616, %gather3A_722 : vector<16xf32>
          %add3A_724 = arith.addf %scan3A_589, %mul3A_723 : vector<16xf32>
          %mul3A_725 = arith.mulf %get3A_623, %gather3A_722 : vector<16xf32>
          %add3A_726 = arith.addf %scan3A_590, %mul3A_725 : vector<16xf32>
          %get3A_727 = arith.constant 2 : i32
          %get3A_728 = arith.index_cast %rem3A_61 : i32 to index
          %get3A_729 = arith.index_cast %get3A_727 : i32 to index
          %get3A_730 = arith.constant 0 : index
          %get3A_731 = tpu.vector_load %arg7[%get3A_728, %get3A_729, %get3A_730] {strides = array<i32>} : memref<2x4x128xf32, #tpu.memory_space<vmem>>, vector<1x1x16xf32>,
          %get3A_732 = vector.shape_cast %get3A_731 : vector<1x1x16xf32> to vector<16xf32>
          %broadcast_in_dim3A_733 = vector.shape_cast %broadcast_in_dim3A_609 : vector<16xi32> to vector<16x1xi32>
          %gather3A_734 = vector.shape_cast %broadcast_in_dim3A_733 : vector<16x1xi32> to vector<16xi32>
          %gather3A_735 = tpu.dynamic_gather %get3A_732[%gather3A_734] in [0] : vector<16xf32>, vector<16xi32> -> vector<16xf32>
          %mul3A_736 = arith.mulf %get3A_616, %gather3A_735 : vector<16xf32>
          %add3A_737 = arith.addf %scan3A_591, %mul3A_736 : vector<16xf32>
          %mul3A_738 = arith.mulf %get3A_623, %gather3A_735 : vector<16xf32>
          %add3A_739 = arith.addf %scan3A_592, %mul3A_738 : vector<16xf32>
          %get3A_740 = arith.constant 2 : i32
          %get3A_741 = arith.index_cast %rem3A_61 : i32 to index
          %get3A_742 = arith.index_cast %get3A_740 : i32 to index
          %get3A_743 = arith.constant 32 : index
          %get3A_744 = tpu.vector_load %arg7[%get3A_741, %get3A_742, %get3A_743] {strides = array<i32>} : memref<2x4x128xf32, #tpu.memory_space<vmem>>, vector<1x1x16xf32>,
          %get3A_745 = vector.shape_cast %get3A_744 : vector<1x1x16xf32> to vector<16xf32>
          %broadcast_in_dim3A_746 = vector.shape_cast %broadcast_in_dim3A_609 : vector<16xi32> to vector<16x1xi32>
          %gather3A_747 = vector.shape_cast %broadcast_in_dim3A_746 : vector<16x1xi32> to vector<16xi32>
          %gather3A_748 = tpu.dynamic_gather %get3A_745[%gather3A_747] in [0] : vector<16xf32>, vector<16xi32> -> vector<16xf32>
          %mul3A_749 = arith.mulf %get3A_616, %gather3A_748 : vector<16xf32>
          %add3A_750 = arith.addf %scan3A_593, %mul3A_749 : vector<16xf32>
          %mul3A_751 = arith.mulf %get3A_623, %gather3A_748 : vector<16xf32>
          %add3A_752 = arith.addf %scan3A_594, %mul3A_751 : vector<16xf32>
          %get3A_753 = arith.constant 2 : i32
          %get3A_754 = arith.index_cast %rem3A_61 : i32 to index
          %get3A_755 = arith.index_cast %get3A_753 : i32 to index
          %get3A_756 = arith.constant 64 : index
          %get3A_757 = tpu.vector_load %arg7[%get3A_754, %get3A_755, %get3A_756] {strides = array<i32>} : memref<2x4x128xf32, #tpu.memory_space<vmem>>, vector<1x1x16xf32>,
          %get3A_758 = vector.shape_cast %get3A_757 : vector<1x1x16xf32> to vector<16xf32>
          %broadcast_in_dim3A_759 = vector.shape_cast %broadcast_in_dim3A_609 : vector<16xi32> to vector<16x1xi32>
          %gather3A_760 = vector.shape_cast %broadcast_in_dim3A_759 : vector<16x1xi32> to vector<16xi32>
          %gather3A_761 = tpu.dynamic_gather %get3A_758[%gather3A_760] in [0] : vector<16xf32>, vector<16xi32> -> vector<16xf32>
          %mul3A_762 = arith.mulf %get3A_616, %gather3A_761 : vector<16xf32>
          %add3A_763 = arith.addf %scan3A_595, %mul3A_762 : vector<16xf32>
          %mul3A_764 = arith.mulf %get3A_623, %gather3A_761 : vector<16xf32>
          %add3A_765 = arith.addf %scan3A_596, %mul3A_764 : vector<16xf32>
          %get3A_766 = arith.constant 2 : i32
          %get3A_767 = arith.index_cast %rem3A_61 : i32 to index
          %get3A_768 = arith.index_cast %get3A_766 : i32 to index
          %get3A_769 = arith.constant 96 : index
          %get3A_770 = tpu.vector_load %arg7[%get3A_767, %get3A_768, %get3A_769] {strides = array<i32>} : memref<2x4x128xf32, #tpu.memory_space<vmem>>, vector<1x1x16xf32>,
          %get3A_771 = vector.shape_cast %get3A_770 : vector<1x1x16xf32> to vector<16xf32>
          %broadcast_in_dim3A_772 = vector.shape_cast %broadcast_in_dim3A_609 : vector<16xi32> to vector<16x1xi32>
          %gather3A_773 = vector.shape_cast %broadcast_in_dim3A_772 : vector<16x1xi32> to vector<16xi32>
          %gather3A_774 = tpu.dynamic_gather %get3A_771[%gather3A_773] in [0] : vector<16xf32>, vector<16xi32> -> vector<16xf32>
          %mul3A_775 = arith.mulf %get3A_616, %gather3A_774 : vector<16xf32>
          %add3A_776 = arith.addf %scan3A_597, %mul3A_775 : vector<16xf32>
          %mul3A_777 = arith.mulf %get3A_623, %gather3A_774 : vector<16xf32>
          %add3A_778 = arith.addf %scan3A_598, %mul3A_777 : vector<16xf32>
          %get3A_779 = arith.constant 3 : i32
          %get3A_780 = arith.index_cast %rem3A_61 : i32 to index
          %get3A_781 = arith.index_cast %get3A_779 : i32 to index
          %get3A_782 = arith.constant 0 : index
          %get3A_783 = tpu.vector_load %arg7[%get3A_780, %get3A_781, %get3A_782] {strides = array<i32>} : memref<2x4x128xf32, #tpu.memory_space<vmem>>, vector<1x1x16xf32>,
          %get3A_784 = vector.shape_cast %get3A_783 : vector<1x1x16xf32> to vector<16xf32>
          %broadcast_in_dim3A_785 = vector.shape_cast %broadcast_in_dim3A_609 : vector<16xi32> to vector<16x1xi32>
          %gather3A_786 = vector.shape_cast %broadcast_in_dim3A_785 : vector<16x1xi32> to vector<16xi32>
          %gather3A_787 = tpu.dynamic_gather %get3A_784[%gather3A_786] in [0] : vector<16xf32>, vector<16xi32> -> vector<16xf32>
          %mul3A_788 = arith.mulf %get3A_616, %gather3A_787 : vector<16xf32>
          %add3A_789 = arith.addf %scan3A_599, %mul3A_788 : vector<16xf32>
          %mul3A_790 = arith.mulf %get3A_623, %gather3A_787 : vector<16xf32>
          %add3A_791 = arith.addf %scan3A_600, %mul3A_790 : vector<16xf32>
          %get3A_792 = arith.constant 3 : i32
          %get3A_793 = arith.index_cast %rem3A_61 : i32 to index
          %get3A_794 = arith.index_cast %get3A_792 : i32 to index
          %get3A_795 = arith.constant 32 : index
          %get3A_796 = tpu.vector_load %arg7[%get3A_793, %get3A_794, %get3A_795] {strides = array<i32>} : memref<2x4x128xf32, #tpu.memory_space<vmem>>, vector<1x1x16xf32>,
          %get3A_797 = vector.shape_cast %get3A_796 : vector<1x1x16xf32> to vector<16xf32>
          %broadcast_in_dim3A_798 = vector.shape_cast %broadcast_in_dim3A_609 : vector<16xi32> to vector<16x1xi32>
          %gather3A_799 = vector.shape_cast %broadcast_in_dim3A_798 : vector<16x1xi32> to vector<16xi32>
          %gather3A_800 = tpu.dynamic_gather %get3A_797[%gather3A_799] in [0] : vector<16xf32>, vector<16xi32> -> vector<16xf32>
          %mul3A_801 = arith.mulf %get3A_616, %gather3A_800 : vector<16xf32>
          %add3A_802 = arith.addf %scan3A_601, %mul3A_801 : vector<16xf32>
          %mul3A_803 = arith.mulf %get3A_623, %gather3A_800 : vector<16xf32>
          %add3A_804 = arith.addf %scan3A_602, %mul3A_803 : vector<16xf32>
          %get3A_805 = arith.constant 3 : i32
          %get3A_806 = arith.index_cast %rem3A_61 : i32 to index
          %get3A_807 = arith.index_cast %get3A_805 : i32 to index
          %get3A_808 = arith.constant 64 : index
          %get3A_809 = tpu.vector_load %arg7[%get3A_806, %get3A_807, %get3A_808] {strides = array<i32>} : memref<2x4x128xf32, #tpu.memory_space<vmem>>, vector<1x1x16xf32>,
          %get3A_810 = vector.shape_cast %get3A_809 : vector<1x1x16xf32> to vector<16xf32>
          %broadcast_in_dim3A_811 = vector.shape_cast %broadcast_in_dim3A_609 : vector<16xi32> to vector<16x1xi32>
          %gather3A_812 = vector.shape_cast %broadcast_in_dim3A_811 : vector<16x1xi32> to vector<16xi32>
          %gather3A_813 = tpu.dynamic_gather %get3A_810[%gather3A_812] in [0] : vector<16xf32>, vector<16xi32> -> vector<16xf32>
          %mul3A_814 = arith.mulf %get3A_616, %gather3A_813 : vector<16xf32>
          %add3A_815 = arith.addf %scan3A_603, %mul3A_814 : vector<16xf32>
          %mul3A_816 = arith.mulf %get3A_623, %gather3A_813 : vector<16xf32>
          %add3A_817 = arith.addf %scan3A_604, %mul3A_816 : vector<16xf32>
          %get3A_818 = arith.constant 3 : i32
          %get3A_819 = arith.index_cast %rem3A_61 : i32 to index
          %get3A_820 = arith.index_cast %get3A_818 : i32 to index
          %get3A_821 = arith.constant 96 : index
          %get3A_822 = tpu.vector_load %arg7[%get3A_819, %get3A_820, %get3A_821] {strides = array<i32>} : memref<2x4x128xf32, #tpu.memory_space<vmem>>, vector<1x1x16xf32>,
          %get3A_823 = vector.shape_cast %get3A_822 : vector<1x1x16xf32> to vector<16xf32>
          %broadcast_in_dim3A_824 = vector.shape_cast %broadcast_in_dim3A_609 : vector<16xi32> to vector<16x1xi32>
          %gather3A_825 = vector.shape_cast %broadcast_in_dim3A_824 : vector<16x1xi32> to vector<16xi32>
          %gather3A_826 = tpu.dynamic_gather %get3A_823[%gather3A_825] in [0] : vector<16xf32>, vector<16xi32> -> vector<16xf32>
          %mul3A_827 = arith.mulf %get3A_616, %gather3A_826 : vector<16xf32>
          %add3A_828 = arith.addf %scan3A_605, %mul3A_827 : vector<16xf32>
          %mul3A_829 = arith.mulf %get3A_623, %gather3A_826 : vector<16xf32>
          %add3A_830 = arith.addf %scan3A_606, %mul3A_829 : vector<16xf32>
          scf.yield %add3A_633, %add3A_635, %add3A_646, %add3A_648, %add3A_659, %add3A_661, %add3A_672, %add3A_674, %add3A_685, %add3A_687, %add3A_698, %add3A_700, %add3A_711, %add3A_713, %add3A_724, %add3A_726, %add3A_737, %add3A_739, %add3A_750, %add3A_752, %add3A_763, %add3A_765, %add3A_776, %add3A_778, %add3A_789, %add3A_791, %add3A_802, %add3A_804, %add3A_815, %add3A_817, %add3A_828, %add3A_830 : vector<16xf32>, vector<16xf32>, vector<16xf32>, vector<16xf32>, vector<16xf32>, vector<16xf32>, vector<16xf32>, vector<16xf32>, vector<16xf32>, vector<16xf32>, vector<16xf32>, vector<16xf32>, vector<16xf32>, vector<16xf32>, vector<16xf32>, vector<16xf32>, vector<16xf32>, vector<16xf32>, vector<16xf32>, vector<16xf32>, vector<16xf32>, vector<16xf32>, vector<16xf32>, vector<16xf32>, vector<16xf32>, vector<16xf32>, vector<16xf32>, vector<16xf32>, vector<16xf32>, vector<16xf32>, vector<16xf32>, vector<16xf32>
        }
        %scan3A_312 = arith.constant 16 : i32
        %scan3A_313 = arith.constant 16 : i32
        %scan3A_314 = arith.constant 16 : i32
        %scan3A_315 = arith.addi %scan3A_313, %scan3A_314 : i32
        %scan3A_316 = arith.constant 1 : i32
        %scan3A_317:32 = scf.for %scan3A_574 = %scan3A_313 to %scan3A_315 step %scan3A_316 iter_args(%scan3A_575 = %scan3A_311#0, %scan3A_576 = %scan3A_311#1, %scan3A_577 = %scan3A_311#2, %scan3A_578 = %scan3A_311#3, %scan3A_579 = %scan3A_311#4, %scan3A_580 = %scan3A_311#5, %scan3A_581 = %scan3A_311#6, %scan3A_582 = %scan3A_311#7, %scan3A_583 = %scan3A_311#8, %scan3A_584 = %scan3A_311#9, %scan3A_585 = %scan3A_311#10, %scan3A_586 = %scan3A_311#11, %scan3A_587 = %scan3A_311#12, %scan3A_588 = %scan3A_311#13, %scan3A_589 = %scan3A_311#14, %scan3A_590 = %scan3A_311#15, %scan3A_591 = %scan3A_311#16, %scan3A_592 = %scan3A_311#17, %scan3A_593 = %scan3A_311#18, %scan3A_594 = %scan3A_311#19, %scan3A_595 = %scan3A_311#20, %scan3A_596 = %scan3A_311#21, %scan3A_597 = %scan3A_311#22, %scan3A_598 = %scan3A_311#23, %scan3A_599 = %scan3A_311#24, %scan3A_600 = %scan3A_311#25, %scan3A_601 = %scan3A_311#26, %scan3A_602 = %scan3A_311#27, %scan3A_603 = %scan3A_311#28, %scan3A_604 = %scan3A_311#29, %scan3A_605 = %scan3A_311#30, %scan3A_606 = %scan3A_311#31) -> (vector<16xf32>, vector<16xf32>, vector<16xf32>, vector<16xf32>, vector<16xf32>, vector<16xf32>, vector<16xf32>, vector<16xf32>, vector<16xf32>, vector<16xf32>, vector<16xf32>, vector<16xf32>, vector<16xf32>, vector<16xf32>, vector<16xf32>, vector<16xf32>, vector<16xf32>, vector<16xf32>, vector<16xf32>, vector<16xf32>, vector<16xf32>, vector<16xf32>, vector<16xf32>, vector<16xf32>, vector<16xf32>, vector<16xf32>, vector<16xf32>, vector<16xf32>, vector<16xf32>, vector<16xf32>, vector<16xf32>, vector<16xf32>)  : i32 {
          %sub3A_607 = arith.constant 16 : i32
          %sub3A_608 = arith.subi %scan3A_574, %sub3A_607 : i32
          %broadcast_in_dim3A_609 = vector.broadcast %sub3A_608 : i32 to vector<16xi32>
          %add3A_610 = arith.constant 0 : i32
          %add3A_611 = arith.addi %mul3A_83, %add3A_610 : i32
          %get3A_612 = arith.index_cast %rem3A_61 : i32 to index
          %get3A_613 = arith.index_cast %scan3A_574 : i32 to index
          %get3A_614 = arith.index_cast %add3A_611 : i32 to index
          %get3A_615 = tpu.vector_load %arg6[%get3A_612, %get3A_613, %get3A_614] {strides = array<i32>} : memref<2x32x1024xf32, #tpu.memory_space<vmem>>, vector<1x1x16xf32>,
          %get3A_616 = vector.shape_cast %get3A_615 : vector<1x1x16xf32> to vector<16xf32>
          %add3A_617 = arith.constant 16 : i32
          %add3A_618 = arith.addi %mul3A_83, %add3A_617 : i32
          %get3A_619 = arith.index_cast %rem3A_61 : i32 to index
          %get3A_620 = arith.index_cast %scan3A_574 : i32 to index
          %get3A_621 = arith.index_cast %add3A_618 : i32 to index
          %get3A_622 = tpu.vector_load %arg6[%get3A_619, %get3A_620, %get3A_621] {strides = array<i32>} : memref<2x32x1024xf32, #tpu.memory_space<vmem>>, vector<1x1x16xf32>,
          %get3A_623 = vector.shape_cast %get3A_622 : vector<1x1x16xf32> to vector<16xf32>
          %get3A_624 = arith.constant 0 : i32
          %get3A_625 = arith.index_cast %rem3A_61 : i32 to index
          %get3A_626 = arith.index_cast %get3A_624 : i32 to index
          %get3A_627 = arith.constant 16 : index
          %get3A_628 = tpu.vector_load %arg7[%get3A_625, %get3A_626, %get3A_627] {strides = array<i32>} : memref<2x4x128xf32, #tpu.memory_space<vmem>>, vector<1x1x16xf32>,
          %get3A_629 = vector.shape_cast %get3A_628 : vector<1x1x16xf32> to vector<16xf32>
          %broadcast_in_dim3A_630 = vector.shape_cast %broadcast_in_dim3A_609 : vector<16xi32> to vector<16x1xi32>
          %gather3A = vector.shape_cast %broadcast_in_dim3A_630 : vector<16x1xi32> to vector<16xi32>
          %gather3A_631 = tpu.dynamic_gather %get3A_629[%gather3A] in [0] : vector<16xf32>, vector<16xi32> -> vector<16xf32>
          %mul3A_632 = arith.mulf %get3A_616, %gather3A_631 : vector<16xf32>
          %add3A_633 = arith.addf %scan3A_575, %mul3A_632 : vector<16xf32>
          %mul3A_634 = arith.mulf %get3A_623, %gather3A_631 : vector<16xf32>
          %add3A_635 = arith.addf %scan3A_576, %mul3A_634 : vector<16xf32>
          %get3A_636 = arith.constant 0 : i32
          %get3A_637 = arith.index_cast %rem3A_61 : i32 to index
          %get3A_638 = arith.index_cast %get3A_636 : i32 to index
          %get3A_639 = arith.constant 48 : index
          %get3A_640 = tpu.vector_load %arg7[%get3A_637, %get3A_638, %get3A_639] {strides = array<i32>} : memref<2x4x128xf32, #tpu.memory_space<vmem>>, vector<1x1x16xf32>,
          %get3A_641 = vector.shape_cast %get3A_640 : vector<1x1x16xf32> to vector<16xf32>
          %broadcast_in_dim3A_642 = vector.shape_cast %broadcast_in_dim3A_609 : vector<16xi32> to vector<16x1xi32>
          %gather3A_643 = vector.shape_cast %broadcast_in_dim3A_642 : vector<16x1xi32> to vector<16xi32>
          %gather3A_644 = tpu.dynamic_gather %get3A_641[%gather3A_643] in [0] : vector<16xf32>, vector<16xi32> -> vector<16xf32>
          %mul3A_645 = arith.mulf %get3A_616, %gather3A_644 : vector<16xf32>
          %add3A_646 = arith.addf %scan3A_577, %mul3A_645 : vector<16xf32>
          %mul3A_647 = arith.mulf %get3A_623, %gather3A_644 : vector<16xf32>
          %add3A_648 = arith.addf %scan3A_578, %mul3A_647 : vector<16xf32>
          %get3A_649 = arith.constant 0 : i32
          %get3A_650 = arith.index_cast %rem3A_61 : i32 to index
          %get3A_651 = arith.index_cast %get3A_649 : i32 to index
          %get3A_652 = arith.constant 80 : index
          %get3A_653 = tpu.vector_load %arg7[%get3A_650, %get3A_651, %get3A_652] {strides = array<i32>} : memref<2x4x128xf32, #tpu.memory_space<vmem>>, vector<1x1x16xf32>,
          %get3A_654 = vector.shape_cast %get3A_653 : vector<1x1x16xf32> to vector<16xf32>
          %broadcast_in_dim3A_655 = vector.shape_cast %broadcast_in_dim3A_609 : vector<16xi32> to vector<16x1xi32>
          %gather3A_656 = vector.shape_cast %broadcast_in_dim3A_655 : vector<16x1xi32> to vector<16xi32>
          %gather3A_657 = tpu.dynamic_gather %get3A_654[%gather3A_656] in [0] : vector<16xf32>, vector<16xi32> -> vector<16xf32>
          %mul3A_658 = arith.mulf %get3A_616, %gather3A_657 : vector<16xf32>
          %add3A_659 = arith.addf %scan3A_579, %mul3A_658 : vector<16xf32>
          %mul3A_660 = arith.mulf %get3A_623, %gather3A_657 : vector<16xf32>
          %add3A_661 = arith.addf %scan3A_580, %mul3A_660 : vector<16xf32>
          %get3A_662 = arith.constant 0 : i32
          %get3A_663 = arith.index_cast %rem3A_61 : i32 to index
          %get3A_664 = arith.index_cast %get3A_662 : i32 to index
          %get3A_665 = arith.constant 112 : index
          %get3A_666 = tpu.vector_load %arg7[%get3A_663, %get3A_664, %get3A_665] {strides = array<i32>} : memref<2x4x128xf32, #tpu.memory_space<vmem>>, vector<1x1x16xf32>,
          %get3A_667 = vector.shape_cast %get3A_666 : vector<1x1x16xf32> to vector<16xf32>
          %broadcast_in_dim3A_668 = vector.shape_cast %broadcast_in_dim3A_609 : vector<16xi32> to vector<16x1xi32>
          %gather3A_669 = vector.shape_cast %broadcast_in_dim3A_668 : vector<16x1xi32> to vector<16xi32>
          %gather3A_670 = tpu.dynamic_gather %get3A_667[%gather3A_669] in [0] : vector<16xf32>, vector<16xi32> -> vector<16xf32>
          %mul3A_671 = arith.mulf %get3A_616, %gather3A_670 : vector<16xf32>
          %add3A_672 = arith.addf %scan3A_581, %mul3A_671 : vector<16xf32>
          %mul3A_673 = arith.mulf %get3A_623, %gather3A_670 : vector<16xf32>
          %add3A_674 = arith.addf %scan3A_582, %mul3A_673 : vector<16xf32>
          %get3A_675 = arith.constant 1 : i32
          %get3A_676 = arith.index_cast %rem3A_61 : i32 to index
          %get3A_677 = arith.index_cast %get3A_675 : i32 to index
          %get3A_678 = arith.constant 16 : index
          %get3A_679 = tpu.vector_load %arg7[%get3A_676, %get3A_677, %get3A_678] {strides = array<i32>} : memref<2x4x128xf32, #tpu.memory_space<vmem>>, vector<1x1x16xf32>,
          %get3A_680 = vector.shape_cast %get3A_679 : vector<1x1x16xf32> to vector<16xf32>
          %broadcast_in_dim3A_681 = vector.shape_cast %broadcast_in_dim3A_609 : vector<16xi32> to vector<16x1xi32>
          %gather3A_682 = vector.shape_cast %broadcast_in_dim3A_681 : vector<16x1xi32> to vector<16xi32>
          %gather3A_683 = tpu.dynamic_gather %get3A_680[%gather3A_682] in [0] : vector<16xf32>, vector<16xi32> -> vector<16xf32>
          %mul3A_684 = arith.mulf %get3A_616, %gather3A_683 : vector<16xf32>
          %add3A_685 = arith.addf %scan3A_583, %mul3A_684 : vector<16xf32>
          %mul3A_686 = arith.mulf %get3A_623, %gather3A_683 : vector<16xf32>
          %add3A_687 = arith.addf %scan3A_584, %mul3A_686 : vector<16xf32>
          %get3A_688 = arith.constant 1 : i32
          %get3A_689 = arith.index_cast %rem3A_61 : i32 to index
          %get3A_690 = arith.index_cast %get3A_688 : i32 to index
          %get3A_691 = arith.constant 48 : index
          %get3A_692 = tpu.vector_load %arg7[%get3A_689, %get3A_690, %get3A_691] {strides = array<i32>} : memref<2x4x128xf32, #tpu.memory_space<vmem>>, vector<1x1x16xf32>,
          %get3A_693 = vector.shape_cast %get3A_692 : vector<1x1x16xf32> to vector<16xf32>
          %broadcast_in_dim3A_694 = vector.shape_cast %broadcast_in_dim3A_609 : vector<16xi32> to vector<16x1xi32>
          %gather3A_695 = vector.shape_cast %broadcast_in_dim3A_694 : vector<16x1xi32> to vector<16xi32>
          %gather3A_696 = tpu.dynamic_gather %get3A_693[%gather3A_695] in [0] : vector<16xf32>, vector<16xi32> -> vector<16xf32>
          %mul3A_697 = arith.mulf %get3A_616, %gather3A_696 : vector<16xf32>
          %add3A_698 = arith.addf %scan3A_585, %mul3A_697 : vector<16xf32>
          %mul3A_699 = arith.mulf %get3A_623, %gather3A_696 : vector<16xf32>
          %add3A_700 = arith.addf %scan3A_586, %mul3A_699 : vector<16xf32>
          %get3A_701 = arith.constant 1 : i32
          %get3A_702 = arith.index_cast %rem3A_61 : i32 to index
          %get3A_703 = arith.index_cast %get3A_701 : i32 to index
          %get3A_704 = arith.constant 80 : index
          %get3A_705 = tpu.vector_load %arg7[%get3A_702, %get3A_703, %get3A_704] {strides = array<i32>} : memref<2x4x128xf32, #tpu.memory_space<vmem>>, vector<1x1x16xf32>,
          %get3A_706 = vector.shape_cast %get3A_705 : vector<1x1x16xf32> to vector<16xf32>
          %broadcast_in_dim3A_707 = vector.shape_cast %broadcast_in_dim3A_609 : vector<16xi32> to vector<16x1xi32>
          %gather3A_708 = vector.shape_cast %broadcast_in_dim3A_707 : vector<16x1xi32> to vector<16xi32>
          %gather3A_709 = tpu.dynamic_gather %get3A_706[%gather3A_708] in [0] : vector<16xf32>, vector<16xi32> -> vector<16xf32>
          %mul3A_710 = arith.mulf %get3A_616, %gather3A_709 : vector<16xf32>
          %add3A_711 = arith.addf %scan3A_587, %mul3A_710 : vector<16xf32>
          %mul3A_712 = arith.mulf %get3A_623, %gather3A_709 : vector<16xf32>
          %add3A_713 = arith.addf %scan3A_588, %mul3A_712 : vector<16xf32>
          %get3A_714 = arith.constant 1 : i32
          %get3A_715 = arith.index_cast %rem3A_61 : i32 to index
          %get3A_716 = arith.index_cast %get3A_714 : i32 to index
          %get3A_717 = arith.constant 112 : index
          %get3A_718 = tpu.vector_load %arg7[%get3A_715, %get3A_716, %get3A_717] {strides = array<i32>} : memref<2x4x128xf32, #tpu.memory_space<vmem>>, vector<1x1x16xf32>,
          %get3A_719 = vector.shape_cast %get3A_718 : vector<1x1x16xf32> to vector<16xf32>
          %broadcast_in_dim3A_720 = vector.shape_cast %broadcast_in_dim3A_609 : vector<16xi32> to vector<16x1xi32>
          %gather3A_721 = vector.shape_cast %broadcast_in_dim3A_720 : vector<16x1xi32> to vector<16xi32>
          %gather3A_722 = tpu.dynamic_gather %get3A_719[%gather3A_721] in [0] : vector<16xf32>, vector<16xi32> -> vector<16xf32>
          %mul3A_723 = arith.mulf %get3A_616, %gather3A_722 : vector<16xf32>
          %add3A_724 = arith.addf %scan3A_589, %mul3A_723 : vector<16xf32>
          %mul3A_725 = arith.mulf %get3A_623, %gather3A_722 : vector<16xf32>
          %add3A_726 = arith.addf %scan3A_590, %mul3A_725 : vector<16xf32>
          %get3A_727 = arith.constant 2 : i32
          %get3A_728 = arith.index_cast %rem3A_61 : i32 to index
          %get3A_729 = arith.index_cast %get3A_727 : i32 to index
          %get3A_730 = arith.constant 16 : index
          %get3A_731 = tpu.vector_load %arg7[%get3A_728, %get3A_729, %get3A_730] {strides = array<i32>} : memref<2x4x128xf32, #tpu.memory_space<vmem>>, vector<1x1x16xf32>,
          %get3A_732 = vector.shape_cast %get3A_731 : vector<1x1x16xf32> to vector<16xf32>
          %broadcast_in_dim3A_733 = vector.shape_cast %broadcast_in_dim3A_609 : vector<16xi32> to vector<16x1xi32>
          %gather3A_734 = vector.shape_cast %broadcast_in_dim3A_733 : vector<16x1xi32> to vector<16xi32>
          %gather3A_735 = tpu.dynamic_gather %get3A_732[%gather3A_734] in [0] : vector<16xf32>, vector<16xi32> -> vector<16xf32>
          %mul3A_736 = arith.mulf %get3A_616, %gather3A_735 : vector<16xf32>
          %add3A_737 = arith.addf %scan3A_591, %mul3A_736 : vector<16xf32>
          %mul3A_738 = arith.mulf %get3A_623, %gather3A_735 : vector<16xf32>
          %add3A_739 = arith.addf %scan3A_592, %mul3A_738 : vector<16xf32>
          %get3A_740 = arith.constant 2 : i32
          %get3A_741 = arith.index_cast %rem3A_61 : i32 to index
          %get3A_742 = arith.index_cast %get3A_740 : i32 to index
          %get3A_743 = arith.constant 48 : index
          %get3A_744 = tpu.vector_load %arg7[%get3A_741, %get3A_742, %get3A_743] {strides = array<i32>} : memref<2x4x128xf32, #tpu.memory_space<vmem>>, vector<1x1x16xf32>,
          %get3A_745 = vector.shape_cast %get3A_744 : vector<1x1x16xf32> to vector<16xf32>
          %broadcast_in_dim3A_746 = vector.shape_cast %broadcast_in_dim3A_609 : vector<16xi32> to vector<16x1xi32>
          %gather3A_747 = vector.shape_cast %broadcast_in_dim3A_746 : vector<16x1xi32> to vector<16xi32>
          %gather3A_748 = tpu.dynamic_gather %get3A_745[%gather3A_747] in [0] : vector<16xf32>, vector<16xi32> -> vector<16xf32>
          %mul3A_749 = arith.mulf %get3A_616, %gather3A_748 : vector<16xf32>
          %add3A_750 = arith.addf %scan3A_593, %mul3A_749 : vector<16xf32>
          %mul3A_751 = arith.mulf %get3A_623, %gather3A_748 : vector<16xf32>
          %add3A_752 = arith.addf %scan3A_594, %mul3A_751 : vector<16xf32>
          %get3A_753 = arith.constant 2 : i32
          %get3A_754 = arith.index_cast %rem3A_61 : i32 to index
          %get3A_755 = arith.index_cast %get3A_753 : i32 to index
          %get3A_756 = arith.constant 80 : index
          %get3A_757 = tpu.vector_load %arg7[%get3A_754, %get3A_755, %get3A_756] {strides = array<i32>} : memref<2x4x128xf32, #tpu.memory_space<vmem>>, vector<1x1x16xf32>,
          %get3A_758 = vector.shape_cast %get3A_757 : vector<1x1x16xf32> to vector<16xf32>
          %broadcast_in_dim3A_759 = vector.shape_cast %broadcast_in_dim3A_609 : vector<16xi32> to vector<16x1xi32>
          %gather3A_760 = vector.shape_cast %broadcast_in_dim3A_759 : vector<16x1xi32> to vector<16xi32>
          %gather3A_761 = tpu.dynamic_gather %get3A_758[%gather3A_760] in [0] : vector<16xf32>, vector<16xi32> -> vector<16xf32>
          %mul3A_762 = arith.mulf %get3A_616, %gather3A_761 : vector<16xf32>
          %add3A_763 = arith.addf %scan3A_595, %mul3A_762 : vector<16xf32>
          %mul3A_764 = arith.mulf %get3A_623, %gather3A_761 : vector<16xf32>
          %add3A_765 = arith.addf %scan3A_596, %mul3A_764 : vector<16xf32>
          %get3A_766 = arith.constant 2 : i32
          %get3A_767 = arith.index_cast %rem3A_61 : i32 to index
          %get3A_768 = arith.index_cast %get3A_766 : i32 to index
          %get3A_769 = arith.constant 112 : index
          %get3A_770 = tpu.vector_load %arg7[%get3A_767, %get3A_768, %get3A_769] {strides = array<i32>} : memref<2x4x128xf32, #tpu.memory_space<vmem>>, vector<1x1x16xf32>,
          %get3A_771 = vector.shape_cast %get3A_770 : vector<1x1x16xf32> to vector<16xf32>
          %broadcast_in_dim3A_772 = vector.shape_cast %broadcast_in_dim3A_609 : vector<16xi32> to vector<16x1xi32>
          %gather3A_773 = vector.shape_cast %broadcast_in_dim3A_772 : vector<16x1xi32> to vector<16xi32>
          %gather3A_774 = tpu.dynamic_gather %get3A_771[%gather3A_773] in [0] : vector<16xf32>, vector<16xi32> -> vector<16xf32>
          %mul3A_775 = arith.mulf %get3A_616, %gather3A_774 : vector<16xf32>
          %add3A_776 = arith.addf %scan3A_597, %mul3A_775 : vector<16xf32>
          %mul3A_777 = arith.mulf %get3A_623, %gather3A_774 : vector<16xf32>
          %add3A_778 = arith.addf %scan3A_598, %mul3A_777 : vector<16xf32>
          %get3A_779 = arith.constant 3 : i32
          %get3A_780 = arith.index_cast %rem3A_61 : i32 to index
          %get3A_781 = arith.index_cast %get3A_779 : i32 to index
          %get3A_782 = arith.constant 16 : index
          %get3A_783 = tpu.vector_load %arg7[%get3A_780, %get3A_781, %get3A_782] {strides = array<i32>} : memref<2x4x128xf32, #tpu.memory_space<vmem>>, vector<1x1x16xf32>,
          %get3A_784 = vector.shape_cast %get3A_783 : vector<1x1x16xf32> to vector<16xf32>
          %broadcast_in_dim3A_785 = vector.shape_cast %broadcast_in_dim3A_609 : vector<16xi32> to vector<16x1xi32>
          %gather3A_786 = vector.shape_cast %broadcast_in_dim3A_785 : vector<16x1xi32> to vector<16xi32>
          %gather3A_787 = tpu.dynamic_gather %get3A_784[%gather3A_786] in [0] : vector<16xf32>, vector<16xi32> -> vector<16xf32>
          %mul3A_788 = arith.mulf %get3A_616, %gather3A_787 : vector<16xf32>
          %add3A_789 = arith.addf %scan3A_599, %mul3A_788 : vector<16xf32>
          %mul3A_790 = arith.mulf %get3A_623, %gather3A_787 : vector<16xf32>
          %add3A_791 = arith.addf %scan3A_600, %mul3A_790 : vector<16xf32>
          %get3A_792 = arith.constant 3 : i32
          %get3A_793 = arith.index_cast %rem3A_61 : i32 to index
          %get3A_794 = arith.index_cast %get3A_792 : i32 to index
          %get3A_795 = arith.constant 48 : index
          %get3A_796 = tpu.vector_load %arg7[%get3A_793, %get3A_794, %get3A_795] {strides = array<i32>} : memref<2x4x128xf32, #tpu.memory_space<vmem>>, vector<1x1x16xf32>,
          %get3A_797 = vector.shape_cast %get3A_796 : vector<1x1x16xf32> to vector<16xf32>
          %broadcast_in_dim3A_798 = vector.shape_cast %broadcast_in_dim3A_609 : vector<16xi32> to vector<16x1xi32>
          %gather3A_799 = vector.shape_cast %broadcast_in_dim3A_798 : vector<16x1xi32> to vector<16xi32>
          %gather3A_800 = tpu.dynamic_gather %get3A_797[%gather3A_799] in [0] : vector<16xf32>, vector<16xi32> -> vector<16xf32>
          %mul3A_801 = arith.mulf %get3A_616, %gather3A_800 : vector<16xf32>
          %add3A_802 = arith.addf %scan3A_601, %mul3A_801 : vector<16xf32>
          %mul3A_803 = arith.mulf %get3A_623, %gather3A_800 : vector<16xf32>
          %add3A_804 = arith.addf %scan3A_602, %mul3A_803 : vector<16xf32>
          %get3A_805 = arith.constant 3 : i32
          %get3A_806 = arith.index_cast %rem3A_61 : i32 to index
          %get3A_807 = arith.index_cast %get3A_805 : i32 to index
          %get3A_808 = arith.constant 80 : index
          %get3A_809 = tpu.vector_load %arg7[%get3A_806, %get3A_807, %get3A_808] {strides = array<i32>} : memref<2x4x128xf32, #tpu.memory_space<vmem>>, vector<1x1x16xf32>,
          %get3A_810 = vector.shape_cast %get3A_809 : vector<1x1x16xf32> to vector<16xf32>
          %broadcast_in_dim3A_811 = vector.shape_cast %broadcast_in_dim3A_609 : vector<16xi32> to vector<16x1xi32>
          %gather3A_812 = vector.shape_cast %broadcast_in_dim3A_811 : vector<16x1xi32> to vector<16xi32>
          %gather3A_813 = tpu.dynamic_gather %get3A_810[%gather3A_812] in [0] : vector<16xf32>, vector<16xi32> -> vector<16xf32>
          %mul3A_814 = arith.mulf %get3A_616, %gather3A_813 : vector<16xf32>
          %add3A_815 = arith.addf %scan3A_603, %mul3A_814 : vector<16xf32>
          %mul3A_816 = arith.mulf %get3A_623, %gather3A_813 : vector<16xf32>
          %add3A_817 = arith.addf %scan3A_604, %mul3A_816 : vector<16xf32>
          %get3A_818 = arith.constant 3 : i32
          %get3A_819 = arith.index_cast %rem3A_61 : i32 to index
          %get3A_820 = arith.index_cast %get3A_818 : i32 to index
          %get3A_821 = arith.constant 112 : index
          %get3A_822 = tpu.vector_load %arg7[%get3A_819, %get3A_820, %get3A_821] {strides = array<i32>} : memref<2x4x128xf32, #tpu.memory_space<vmem>>, vector<1x1x16xf32>,
          %get3A_823 = vector.shape_cast %get3A_822 : vector<1x1x16xf32> to vector<16xf32>
          %broadcast_in_dim3A_824 = vector.shape_cast %broadcast_in_dim3A_609 : vector<16xi32> to vector<16x1xi32>
          %gather3A_825 = vector.shape_cast %broadcast_in_dim3A_824 : vector<16x1xi32> to vector<16xi32>
          %gather3A_826 = tpu.dynamic_gather %get3A_823[%gather3A_825] in [0] : vector<16xf32>, vector<16xi32> -> vector<16xf32>
          %mul3A_827 = arith.mulf %get3A_616, %gather3A_826 : vector<16xf32>
          %add3A_828 = arith.addf %scan3A_605, %mul3A_827 : vector<16xf32>
          %mul3A_829 = arith.mulf %get3A_623, %gather3A_826 : vector<16xf32>
          %add3A_830 = arith.addf %scan3A_606, %mul3A_829 : vector<16xf32>
          scf.yield %add3A_633, %add3A_635, %add3A_646, %add3A_648, %add3A_659, %add3A_661, %add3A_672, %add3A_674, %add3A_685, %add3A_687, %add3A_698, %add3A_700, %add3A_711, %add3A_713, %add3A_724, %add3A_726, %add3A_737, %add3A_739, %add3A_750, %add3A_752, %add3A_763, %add3A_765, %add3A_776, %add3A_778, %add3A_789, %add3A_791, %add3A_802, %add3A_804, %add3A_815, %add3A_817, %add3A_828, %add3A_830 : vector<16xf32>, vector<16xf32>, vector<16xf32>, vector<16xf32>, vector<16xf32>, vector<16xf32>, vector<16xf32>, vector<16xf32>, vector<16xf32>, vector<16xf32>, vector<16xf32>, vector<16xf32>, vector<16xf32>, vector<16xf32>, vector<16xf32>, vector<16xf32>, vector<16xf32>, vector<16xf32>, vector<16xf32>, vector<16xf32>, vector<16xf32>, vector<16xf32>, vector<16xf32>, vector<16xf32>, vector<16xf32>, vector<16xf32>, vector<16xf32>, vector<16xf32>, vector<16xf32>, vector<16xf32>, vector<16xf32>, vector<16xf32>
        }
        %scan3A_318 = arith.constant 16 : i32
        %add3A_319 = arith.constant 0 : i32
        %add3A_320 = arith.addi %mul3A_83, %add3A_319 : i32
        %swap3A = arith.constant 0 : i32
        %swap3A_321 = arith.index_cast %swap3A : i32 to index
        %swap3A_322 = arith.index_cast %add3A_320 : i32 to index
        %swap3A_323 = tpu.vector_load %arg5[%swap3A_321, %swap3A_322] {strides = array<i32>} : memref<16x1024xf32, #tpu.memory_space<vmem>>, vector<1x16xf32>,
        %swap3A_324 = vector.shape_cast %swap3A_323 : vector<1x16xf32> to vector<16xf32>
        %swap3A_325 = vector.shape_cast %scan3A_317#0 : vector<16xf32> to vector<1x16xf32>
        tpu.vector_store %arg5[%swap3A_321, %swap3A_322], %swap3A_325 {strides = array<i32>} : memref<16x1024xf32, #tpu.memory_space<vmem>>, vector<1x16xf32>,
        %add3A_326 = arith.constant 16 : i32
        %add3A_327 = arith.addi %mul3A_83, %add3A_326 : i32
        %swap3A_328 = arith.constant 0 : i32
        %swap3A_329 = arith.index_cast %swap3A_328 : i32 to index
        %swap3A_330 = arith.index_cast %add3A_327 : i32 to index
        %swap3A_331 = tpu.vector_load %arg5[%swap3A_329, %swap3A_330] {strides = array<i32>} : memref<16x1024xf32, #tpu.memory_space<vmem>>, vector<1x16xf32>,
        %swap3A_332 = vector.shape_cast %swap3A_331 : vector<1x16xf32> to vector<16xf32>
        %swap3A_333 = vector.shape_cast %scan3A_317#1 : vector<16xf32> to vector<1x16xf32>
        tpu.vector_store %arg5[%swap3A_329, %swap3A_330], %swap3A_333 {strides = array<i32>} : memref<16x1024xf32, #tpu.memory_space<vmem>>, vector<1x16xf32>,
        %add3A_334 = arith.constant 0 : i32
        %add3A_335 = arith.addi %mul3A_83, %add3A_334 : i32
        %swap3A_336 = arith.constant 1 : i32
        %swap3A_337 = arith.index_cast %swap3A_336 : i32 to index
        %swap3A_338 = arith.index_cast %add3A_335 : i32 to index
        %swap3A_339 = tpu.vector_load %arg5[%swap3A_337, %swap3A_338] {strides = array<i32>} : memref<16x1024xf32, #tpu.memory_space<vmem>>, vector<1x16xf32>,
        %swap3A_340 = vector.shape_cast %swap3A_339 : vector<1x16xf32> to vector<16xf32>
        %swap3A_341 = vector.shape_cast %scan3A_317#2 : vector<16xf32> to vector<1x16xf32>
        tpu.vector_store %arg5[%swap3A_337, %swap3A_338], %swap3A_341 {strides = array<i32>} : memref<16x1024xf32, #tpu.memory_space<vmem>>, vector<1x16xf32>,
        %add3A_342 = arith.constant 16 : i32
        %add3A_343 = arith.addi %mul3A_83, %add3A_342 : i32
        %swap3A_344 = arith.constant 1 : i32
        %swap3A_345 = arith.index_cast %swap3A_344 : i32 to index
        %swap3A_346 = arith.index_cast %add3A_343 : i32 to index
        %swap3A_347 = tpu.vector_load %arg5[%swap3A_345, %swap3A_346] {strides = array<i32>} : memref<16x1024xf32, #tpu.memory_space<vmem>>, vector<1x16xf32>,
        %swap3A_348 = vector.shape_cast %swap3A_347 : vector<1x16xf32> to vector<16xf32>
        %swap3A_349 = vector.shape_cast %scan3A_317#3 : vector<16xf32> to vector<1x16xf32>
        tpu.vector_store %arg5[%swap3A_345, %swap3A_346], %swap3A_349 {strides = array<i32>} : memref<16x1024xf32, #tpu.memory_space<vmem>>, vector<1x16xf32>,
        %add3A_350 = arith.constant 0 : i32
        %add3A_351 = arith.addi %mul3A_83, %add3A_350 : i32
        %swap3A_352 = arith.constant 2 : i32
        %swap3A_353 = arith.index_cast %swap3A_352 : i32 to index
        %swap3A_354 = arith.index_cast %add3A_351 : i32 to index
        %swap3A_355 = tpu.vector_load %arg5[%swap3A_353, %swap3A_354] {strides = array<i32>} : memref<16x1024xf32, #tpu.memory_space<vmem>>, vector<1x16xf32>,
        %swap3A_356 = vector.shape_cast %swap3A_355 : vector<1x16xf32> to vector<16xf32>
        %swap3A_357 = vector.shape_cast %scan3A_317#4 : vector<16xf32> to vector<1x16xf32>
        tpu.vector_store %arg5[%swap3A_353, %swap3A_354], %swap3A_357 {strides = array<i32>} : memref<16x1024xf32, #tpu.memory_space<vmem>>, vector<1x16xf32>,
        %add3A_358 = arith.constant 16 : i32
        %add3A_359 = arith.addi %mul3A_83, %add3A_358 : i32
        %swap3A_360 = arith.constant 2 : i32
        %swap3A_361 = arith.index_cast %swap3A_360 : i32 to index
        %swap3A_362 = arith.index_cast %add3A_359 : i32 to index
        %swap3A_363 = tpu.vector_load %arg5[%swap3A_361, %swap3A_362] {strides = array<i32>} : memref<16x1024xf32, #tpu.memory_space<vmem>>, vector<1x16xf32>,
        %swap3A_364 = vector.shape_cast %swap3A_363 : vector<1x16xf32> to vector<16xf32>
        %swap3A_365 = vector.shape_cast %scan3A_317#5 : vector<16xf32> to vector<1x16xf32>
        tpu.vector_store %arg5[%swap3A_361, %swap3A_362], %swap3A_365 {strides = array<i32>} : memref<16x1024xf32, #tpu.memory_space<vmem>>, vector<1x16xf32>,
        %add3A_366 = arith.constant 0 : i32
        %add3A_367 = arith.addi %mul3A_83, %add3A_366 : i32
        %swap3A_368 = arith.constant 3 : i32
        %swap3A_369 = arith.index_cast %swap3A_368 : i32 to index
        %swap3A_370 = arith.index_cast %add3A_367 : i32 to index
        %swap3A_371 = tpu.vector_load %arg5[%swap3A_369, %swap3A_370] {strides = array<i32>} : memref<16x1024xf32, #tpu.memory_space<vmem>>, vector<1x16xf32>,
        %swap3A_372 = vector.shape_cast %swap3A_371 : vector<1x16xf32> to vector<16xf32>
        %swap3A_373 = vector.shape_cast %scan3A_317#6 : vector<16xf32> to vector<1x16xf32>
        tpu.vector_store %arg5[%swap3A_369, %swap3A_370], %swap3A_373 {strides = array<i32>} : memref<16x1024xf32, #tpu.memory_space<vmem>>, vector<1x16xf32>,
        %add3A_374 = arith.constant 16 : i32
        %add3A_375 = arith.addi %mul3A_83, %add3A_374 : i32
        %swap3A_376 = arith.constant 3 : i32
        %swap3A_377 = arith.index_cast %swap3A_376 : i32 to index
        %swap3A_378 = arith.index_cast %add3A_375 : i32 to index
        %swap3A_379 = tpu.vector_load %arg5[%swap3A_377, %swap3A_378] {strides = array<i32>} : memref<16x1024xf32, #tpu.memory_space<vmem>>, vector<1x16xf32>,
        %swap3A_380 = vector.shape_cast %swap3A_379 : vector<1x16xf32> to vector<16xf32>
        %swap3A_381 = vector.shape_cast %scan3A_317#7 : vector<16xf32> to vector<1x16xf32>
        tpu.vector_store %arg5[%swap3A_377, %swap3A_378], %swap3A_381 {strides = array<i32>} : memref<16x1024xf32, #tpu.memory_space<vmem>>, vector<1x16xf32>,
        %add3A_382 = arith.constant 0 : i32
        %add3A_383 = arith.addi %mul3A_83, %add3A_382 : i32
        %swap3A_384 = arith.constant 4 : i32
        %swap3A_385 = arith.index_cast %swap3A_384 : i32 to index
        %swap3A_386 = arith.index_cast %add3A_383 : i32 to index
        %swap3A_387 = tpu.vector_load %arg5[%swap3A_385, %swap3A_386] {strides = array<i32>} : memref<16x1024xf32, #tpu.memory_space<vmem>>, vector<1x16xf32>,
        %swap3A_388 = vector.shape_cast %swap3A_387 : vector<1x16xf32> to vector<16xf32>
        %swap3A_389 = vector.shape_cast %scan3A_317#8 : vector<16xf32> to vector<1x16xf32>
        tpu.vector_store %arg5[%swap3A_385, %swap3A_386], %swap3A_389 {strides = array<i32>} : memref<16x1024xf32, #tpu.memory_space<vmem>>, vector<1x16xf32>,
        %add3A_390 = arith.constant 16 : i32
        %add3A_391 = arith.addi %mul3A_83, %add3A_390 : i32
        %swap3A_392 = arith.constant 4 : i32
        %swap3A_393 = arith.index_cast %swap3A_392 : i32 to index
        %swap3A_394 = arith.index_cast %add3A_391 : i32 to index
        %swap3A_395 = tpu.vector_load %arg5[%swap3A_393, %swap3A_394] {strides = array<i32>} : memref<16x1024xf32, #tpu.memory_space<vmem>>, vector<1x16xf32>,
        %swap3A_396 = vector.shape_cast %swap3A_395 : vector<1x16xf32> to vector<16xf32>
        %swap3A_397 = vector.shape_cast %scan3A_317#9 : vector<16xf32> to vector<1x16xf32>
        tpu.vector_store %arg5[%swap3A_393, %swap3A_394], %swap3A_397 {strides = array<i32>} : memref<16x1024xf32, #tpu.memory_space<vmem>>, vector<1x16xf32>,
        %add3A_398 = arith.constant 0 : i32
        %add3A_399 = arith.addi %mul3A_83, %add3A_398 : i32
        %swap3A_400 = arith.constant 5 : i32
        %swap3A_401 = arith.index_cast %swap3A_400 : i32 to index
        %swap3A_402 = arith.index_cast %add3A_399 : i32 to index
        %swap3A_403 = tpu.vector_load %arg5[%swap3A_401, %swap3A_402] {strides = array<i32>} : memref<16x1024xf32, #tpu.memory_space<vmem>>, vector<1x16xf32>,
        %swap3A_404 = vector.shape_cast %swap3A_403 : vector<1x16xf32> to vector<16xf32>
        %swap3A_405 = vector.shape_cast %scan3A_317#10 : vector<16xf32> to vector<1x16xf32>
        tpu.vector_store %arg5[%swap3A_401, %swap3A_402], %swap3A_405 {strides = array<i32>} : memref<16x1024xf32, #tpu.memory_space<vmem>>, vector<1x16xf32>,
        %add3A_406 = arith.constant 16 : i32
        %add3A_407 = arith.addi %mul3A_83, %add3A_406 : i32
        %swap3A_408 = arith.constant 5 : i32
        %swap3A_409 = arith.index_cast %swap3A_408 : i32 to index
        %swap3A_410 = arith.index_cast %add3A_407 : i32 to index
        %swap3A_411 = tpu.vector_load %arg5[%swap3A_409, %swap3A_410] {strides = array<i32>} : memref<16x1024xf32, #tpu.memory_space<vmem>>, vector<1x16xf32>,
        %swap3A_412 = vector.shape_cast %swap3A_411 : vector<1x16xf32> to vector<16xf32>
        %swap3A_413 = vector.shape_cast %scan3A_317#11 : vector<16xf32> to vector<1x16xf32>
        tpu.vector_store %arg5[%swap3A_409, %swap3A_410], %swap3A_413 {strides = array<i32>} : memref<16x1024xf32, #tpu.memory_space<vmem>>, vector<1x16xf32>,
        %add3A_414 = arith.constant 0 : i32
        %add3A_415 = arith.addi %mul3A_83, %add3A_414 : i32
        %swap3A_416 = arith.constant 6 : i32
        %swap3A_417 = arith.index_cast %swap3A_416 : i32 to index
        %swap3A_418 = arith.index_cast %add3A_415 : i32 to index
        %swap3A_419 = tpu.vector_load %arg5[%swap3A_417, %swap3A_418] {strides = array<i32>} : memref<16x1024xf32, #tpu.memory_space<vmem>>, vector<1x16xf32>,
        %swap3A_420 = vector.shape_cast %swap3A_419 : vector<1x16xf32> to vector<16xf32>
        %swap3A_421 = vector.shape_cast %scan3A_317#12 : vector<16xf32> to vector<1x16xf32>
        tpu.vector_store %arg5[%swap3A_417, %swap3A_418], %swap3A_421 {strides = array<i32>} : memref<16x1024xf32, #tpu.memory_space<vmem>>, vector<1x16xf32>,
        %add3A_422 = arith.constant 16 : i32
        %add3A_423 = arith.addi %mul3A_83, %add3A_422 : i32
        %swap3A_424 = arith.constant 6 : i32
        %swap3A_425 = arith.index_cast %swap3A_424 : i32 to index
        %swap3A_426 = arith.index_cast %add3A_423 : i32 to index
        %swap3A_427 = tpu.vector_load %arg5[%swap3A_425, %swap3A_426] {strides = array<i32>} : memref<16x1024xf32, #tpu.memory_space<vmem>>, vector<1x16xf32>,
        %swap3A_428 = vector.shape_cast %swap3A_427 : vector<1x16xf32> to vector<16xf32>
        %swap3A_429 = vector.shape_cast %scan3A_317#13 : vector<16xf32> to vector<1x16xf32>
        tpu.vector_store %arg5[%swap3A_425, %swap3A_426], %swap3A_429 {strides = array<i32>} : memref<16x1024xf32, #tpu.memory_space<vmem>>, vector<1x16xf32>,
        %add3A_430 = arith.constant 0 : i32
        %add3A_431 = arith.addi %mul3A_83, %add3A_430 : i32
        %swap3A_432 = arith.constant 7 : i32
        %swap3A_433 = arith.index_cast %swap3A_432 : i32 to index
        %swap3A_434 = arith.index_cast %add3A_431 : i32 to index
        %swap3A_435 = tpu.vector_load %arg5[%swap3A_433, %swap3A_434] {strides = array<i32>} : memref<16x1024xf32, #tpu.memory_space<vmem>>, vector<1x16xf32>,
        %swap3A_436 = vector.shape_cast %swap3A_435 : vector<1x16xf32> to vector<16xf32>
        %swap3A_437 = vector.shape_cast %scan3A_317#14 : vector<16xf32> to vector<1x16xf32>
        tpu.vector_store %arg5[%swap3A_433, %swap3A_434], %swap3A_437 {strides = array<i32>} : memref<16x1024xf32, #tpu.memory_space<vmem>>, vector<1x16xf32>,
        %add3A_438 = arith.constant 16 : i32
        %add3A_439 = arith.addi %mul3A_83, %add3A_438 : i32
        %swap3A_440 = arith.constant 7 : i32
        %swap3A_441 = arith.index_cast %swap3A_440 : i32 to index
        %swap3A_442 = arith.index_cast %add3A_439 : i32 to index
        %swap3A_443 = tpu.vector_load %arg5[%swap3A_441, %swap3A_442] {strides = array<i32>} : memref<16x1024xf32, #tpu.memory_space<vmem>>, vector<1x16xf32>,
        %swap3A_444 = vector.shape_cast %swap3A_443 : vector<1x16xf32> to vector<16xf32>
        %swap3A_445 = vector.shape_cast %scan3A_317#15 : vector<16xf32> to vector<1x16xf32>
        tpu.vector_store %arg5[%swap3A_441, %swap3A_442], %swap3A_445 {strides = array<i32>} : memref<16x1024xf32, #tpu.memory_space<vmem>>, vector<1x16xf32>,
        %add3A_446 = arith.constant 0 : i32
        %add3A_447 = arith.addi %mul3A_83, %add3A_446 : i32
        %swap3A_448 = arith.constant 8 : i32
        %swap3A_449 = arith.index_cast %swap3A_448 : i32 to index
        %swap3A_450 = arith.index_cast %add3A_447 : i32 to index
        %swap3A_451 = tpu.vector_load %arg5[%swap3A_449, %swap3A_450] {strides = array<i32>} : memref<16x1024xf32, #tpu.memory_space<vmem>>, vector<1x16xf32>,
        %swap3A_452 = vector.shape_cast %swap3A_451 : vector<1x16xf32> to vector<16xf32>
        %swap3A_453 = vector.shape_cast %scan3A_317#16 : vector<16xf32> to vector<1x16xf32>
        tpu.vector_store %arg5[%swap3A_449, %swap3A_450], %swap3A_453 {strides = array<i32>} : memref<16x1024xf32, #tpu.memory_space<vmem>>, vector<1x16xf32>,
        %add3A_454 = arith.constant 16 : i32
        %add3A_455 = arith.addi %mul3A_83, %add3A_454 : i32
        %swap3A_456 = arith.constant 8 : i32
        %swap3A_457 = arith.index_cast %swap3A_456 : i32 to index
        %swap3A_458 = arith.index_cast %add3A_455 : i32 to index
        %swap3A_459 = tpu.vector_load %arg5[%swap3A_457, %swap3A_458] {strides = array<i32>} : memref<16x1024xf32, #tpu.memory_space<vmem>>, vector<1x16xf32>,
        %swap3A_460 = vector.shape_cast %swap3A_459 : vector<1x16xf32> to vector<16xf32>
        %swap3A_461 = vector.shape_cast %scan3A_317#17 : vector<16xf32> to vector<1x16xf32>
        tpu.vector_store %arg5[%swap3A_457, %swap3A_458], %swap3A_461 {strides = array<i32>} : memref<16x1024xf32, #tpu.memory_space<vmem>>, vector<1x16xf32>,
        %add3A_462 = arith.constant 0 : i32
        %add3A_463 = arith.addi %mul3A_83, %add3A_462 : i32
        %swap3A_464 = arith.constant 9 : i32
        %swap3A_465 = arith.index_cast %swap3A_464 : i32 to index
        %swap3A_466 = arith.index_cast %add3A_463 : i32 to index
        %swap3A_467 = tpu.vector_load %arg5[%swap3A_465, %swap3A_466] {strides = array<i32>} : memref<16x1024xf32, #tpu.memory_space<vmem>>, vector<1x16xf32>,
        %swap3A_468 = vector.shape_cast %swap3A_467 : vector<1x16xf32> to vector<16xf32>
        %swap3A_469 = vector.shape_cast %scan3A_317#18 : vector<16xf32> to vector<1x16xf32>
        tpu.vector_store %arg5[%swap3A_465, %swap3A_466], %swap3A_469 {strides = array<i32>} : memref<16x1024xf32, #tpu.memory_space<vmem>>, vector<1x16xf32>,
        %add3A_470 = arith.constant 16 : i32
        %add3A_471 = arith.addi %mul3A_83, %add3A_470 : i32
        %swap3A_472 = arith.constant 9 : i32
        %swap3A_473 = arith.index_cast %swap3A_472 : i32 to index
        %swap3A_474 = arith.index_cast %add3A_471 : i32 to index
        %swap3A_475 = tpu.vector_load %arg5[%swap3A_473, %swap3A_474] {strides = array<i32>} : memref<16x1024xf32, #tpu.memory_space<vmem>>, vector<1x16xf32>,
        %swap3A_476 = vector.shape_cast %swap3A_475 : vector<1x16xf32> to vector<16xf32>
        %swap3A_477 = vector.shape_cast %scan3A_317#19 : vector<16xf32> to vector<1x16xf32>
        tpu.vector_store %arg5[%swap3A_473, %swap3A_474], %swap3A_477 {strides = array<i32>} : memref<16x1024xf32, #tpu.memory_space<vmem>>, vector<1x16xf32>,
        %add3A_478 = arith.constant 0 : i32
        %add3A_479 = arith.addi %mul3A_83, %add3A_478 : i32
        %swap3A_480 = arith.constant 10 : i32
        %swap3A_481 = arith.index_cast %swap3A_480 : i32 to index
        %swap3A_482 = arith.index_cast %add3A_479 : i32 to index
        %swap3A_483 = tpu.vector_load %arg5[%swap3A_481, %swap3A_482] {strides = array<i32>} : memref<16x1024xf32, #tpu.memory_space<vmem>>, vector<1x16xf32>,
        %swap3A_484 = vector.shape_cast %swap3A_483 : vector<1x16xf32> to vector<16xf32>
        %swap3A_485 = vector.shape_cast %scan3A_317#20 : vector<16xf32> to vector<1x16xf32>
        tpu.vector_store %arg5[%swap3A_481, %swap3A_482], %swap3A_485 {strides = array<i32>} : memref<16x1024xf32, #tpu.memory_space<vmem>>, vector<1x16xf32>,
        %add3A_486 = arith.constant 16 : i32
        %add3A_487 = arith.addi %mul3A_83, %add3A_486 : i32
        %swap3A_488 = arith.constant 10 : i32
        %swap3A_489 = arith.index_cast %swap3A_488 : i32 to index
        %swap3A_490 = arith.index_cast %add3A_487 : i32 to index
        %swap3A_491 = tpu.vector_load %arg5[%swap3A_489, %swap3A_490] {strides = array<i32>} : memref<16x1024xf32, #tpu.memory_space<vmem>>, vector<1x16xf32>,
        %swap3A_492 = vector.shape_cast %swap3A_491 : vector<1x16xf32> to vector<16xf32>
        %swap3A_493 = vector.shape_cast %scan3A_317#21 : vector<16xf32> to vector<1x16xf32>
        tpu.vector_store %arg5[%swap3A_489, %swap3A_490], %swap3A_493 {strides = array<i32>} : memref<16x1024xf32, #tpu.memory_space<vmem>>, vector<1x16xf32>,
        %add3A_494 = arith.constant 0 : i32
        %add3A_495 = arith.addi %mul3A_83, %add3A_494 : i32
        %swap3A_496 = arith.constant 11 : i32
        %swap3A_497 = arith.index_cast %swap3A_496 : i32 to index
        %swap3A_498 = arith.index_cast %add3A_495 : i32 to index
        %swap3A_499 = tpu.vector_load %arg5[%swap3A_497, %swap3A_498] {strides = array<i32>} : memref<16x1024xf32, #tpu.memory_space<vmem>>, vector<1x16xf32>,
        %swap3A_500 = vector.shape_cast %swap3A_499 : vector<1x16xf32> to vector<16xf32>
        %swap3A_501 = vector.shape_cast %scan3A_317#22 : vector<16xf32> to vector<1x16xf32>
        tpu.vector_store %arg5[%swap3A_497, %swap3A_498], %swap3A_501 {strides = array<i32>} : memref<16x1024xf32, #tpu.memory_space<vmem>>, vector<1x16xf32>,
        %add3A_502 = arith.constant 16 : i32
        %add3A_503 = arith.addi %mul3A_83, %add3A_502 : i32
        %swap3A_504 = arith.constant 11 : i32
        %swap3A_505 = arith.index_cast %swap3A_504 : i32 to index
        %swap3A_506 = arith.index_cast %add3A_503 : i32 to index
        %swap3A_507 = tpu.vector_load %arg5[%swap3A_505, %swap3A_506] {strides = array<i32>} : memref<16x1024xf32, #tpu.memory_space<vmem>>, vector<1x16xf32>,
        %swap3A_508 = vector.shape_cast %swap3A_507 : vector<1x16xf32> to vector<16xf32>
        %swap3A_509 = vector.shape_cast %scan3A_317#23 : vector<16xf32> to vector<1x16xf32>
        tpu.vector_store %arg5[%swap3A_505, %swap3A_506], %swap3A_509 {strides = array<i32>} : memref<16x1024xf32, #tpu.memory_space<vmem>>, vector<1x16xf32>,
        %add3A_510 = arith.constant 0 : i32
        %add3A_511 = arith.addi %mul3A_83, %add3A_510 : i32
        %swap3A_512 = arith.constant 12 : i32
        %swap3A_513 = arith.index_cast %swap3A_512 : i32 to index
        %swap3A_514 = arith.index_cast %add3A_511 : i32 to index
        %swap3A_515 = tpu.vector_load %arg5[%swap3A_513, %swap3A_514] {strides = array<i32>} : memref<16x1024xf32, #tpu.memory_space<vmem>>, vector<1x16xf32>,
        %swap3A_516 = vector.shape_cast %swap3A_515 : vector<1x16xf32> to vector<16xf32>
        %swap3A_517 = vector.shape_cast %scan3A_317#24 : vector<16xf32> to vector<1x16xf32>
        tpu.vector_store %arg5[%swap3A_513, %swap3A_514], %swap3A_517 {strides = array<i32>} : memref<16x1024xf32, #tpu.memory_space<vmem>>, vector<1x16xf32>,
        %add3A_518 = arith.constant 16 : i32
        %add3A_519 = arith.addi %mul3A_83, %add3A_518 : i32
        %swap3A_520 = arith.constant 12 : i32
        %swap3A_521 = arith.index_cast %swap3A_520 : i32 to index
        %swap3A_522 = arith.index_cast %add3A_519 : i32 to index
        %swap3A_523 = tpu.vector_load %arg5[%swap3A_521, %swap3A_522] {strides = array<i32>} : memref<16x1024xf32, #tpu.memory_space<vmem>>, vector<1x16xf32>,
        %swap3A_524 = vector.shape_cast %swap3A_523 : vector<1x16xf32> to vector<16xf32>
        %swap3A_525 = vector.shape_cast %scan3A_317#25 : vector<16xf32> to vector<1x16xf32>
        tpu.vector_store %arg5[%swap3A_521, %swap3A_522], %swap3A_525 {strides = array<i32>} : memref<16x1024xf32, #tpu.memory_space<vmem>>, vector<1x16xf32>,
        %add3A_526 = arith.constant 0 : i32
        %add3A_527 = arith.addi %mul3A_83, %add3A_526 : i32
        %swap3A_528 = arith.constant 13 : i32
        %swap3A_529 = arith.index_cast %swap3A_528 : i32 to index
        %swap3A_530 = arith.index_cast %add3A_527 : i32 to index
        %swap3A_531 = tpu.vector_load %arg5[%swap3A_529, %swap3A_530] {strides = array<i32>} : memref<16x1024xf32, #tpu.memory_space<vmem>>, vector<1x16xf32>,
        %swap3A_532 = vector.shape_cast %swap3A_531 : vector<1x16xf32> to vector<16xf32>
        %swap3A_533 = vector.shape_cast %scan3A_317#26 : vector<16xf32> to vector<1x16xf32>
        tpu.vector_store %arg5[%swap3A_529, %swap3A_530], %swap3A_533 {strides = array<i32>} : memref<16x1024xf32, #tpu.memory_space<vmem>>, vector<1x16xf32>,
        %add3A_534 = arith.constant 16 : i32
        %add3A_535 = arith.addi %mul3A_83, %add3A_534 : i32
        %swap3A_536 = arith.constant 13 : i32
        %swap3A_537 = arith.index_cast %swap3A_536 : i32 to index
        %swap3A_538 = arith.index_cast %add3A_535 : i32 to index
        %swap3A_539 = tpu.vector_load %arg5[%swap3A_537, %swap3A_538] {strides = array<i32>} : memref<16x1024xf32, #tpu.memory_space<vmem>>, vector<1x16xf32>,
        %swap3A_540 = vector.shape_cast %swap3A_539 : vector<1x16xf32> to vector<16xf32>
        %swap3A_541 = vector.shape_cast %scan3A_317#27 : vector<16xf32> to vector<1x16xf32>
        tpu.vector_store %arg5[%swap3A_537, %swap3A_538], %swap3A_541 {strides = array<i32>} : memref<16x1024xf32, #tpu.memory_space<vmem>>, vector<1x16xf32>,
        %add3A_542 = arith.constant 0 : i32
        %add3A_543 = arith.addi %mul3A_83, %add3A_542 : i32
        %swap3A_544 = arith.constant 14 : i32
        %swap3A_545 = arith.index_cast %swap3A_544 : i32 to index
        %swap3A_546 = arith.index_cast %add3A_543 : i32 to index
        %swap3A_547 = tpu.vector_load %arg5[%swap3A_545, %swap3A_546] {strides = array<i32>} : memref<16x1024xf32, #tpu.memory_space<vmem>>, vector<1x16xf32>,
        %swap3A_548 = vector.shape_cast %swap3A_547 : vector<1x16xf32> to vector<16xf32>
        %swap3A_549 = vector.shape_cast %scan3A_317#28 : vector<16xf32> to vector<1x16xf32>
        tpu.vector_store %arg5[%swap3A_545, %swap3A_546], %swap3A_549 {strides = array<i32>} : memref<16x1024xf32, #tpu.memory_space<vmem>>, vector<1x16xf32>,
        %add3A_550 = arith.constant 16 : i32
        %add3A_551 = arith.addi %mul3A_83, %add3A_550 : i32
        %swap3A_552 = arith.constant 14 : i32
        %swap3A_553 = arith.index_cast %swap3A_552 : i32 to index
        %swap3A_554 = arith.index_cast %add3A_551 : i32 to index
        %swap3A_555 = tpu.vector_load %arg5[%swap3A_553, %swap3A_554] {strides = array<i32>} : memref<16x1024xf32, #tpu.memory_space<vmem>>, vector<1x16xf32>,
        %swap3A_556 = vector.shape_cast %swap3A_555 : vector<1x16xf32> to vector<16xf32>
        %swap3A_557 = vector.shape_cast %scan3A_317#29 : vector<16xf32> to vector<1x16xf32>
        tpu.vector_store %arg5[%swap3A_553, %swap3A_554], %swap3A_557 {strides = array<i32>} : memref<16x1024xf32, #tpu.memory_space<vmem>>, vector<1x16xf32>,
        %add3A_558 = arith.constant 0 : i32
        %add3A_559 = arith.addi %mul3A_83, %add3A_558 : i32
        %swap3A_560 = arith.constant 15 : i32
        %swap3A_561 = arith.index_cast %swap3A_560 : i32 to index
        %swap3A_562 = arith.index_cast %add3A_559 : i32 to index
        %swap3A_563 = tpu.vector_load %arg5[%swap3A_561, %swap3A_562] {strides = array<i32>} : memref<16x1024xf32, #tpu.memory_space<vmem>>, vector<1x16xf32>,
        %swap3A_564 = vector.shape_cast %swap3A_563 : vector<1x16xf32> to vector<16xf32>
        %swap3A_565 = vector.shape_cast %scan3A_317#30 : vector<16xf32> to vector<1x16xf32>
        tpu.vector_store %arg5[%swap3A_561, %swap3A_562], %swap3A_565 {strides = array<i32>} : memref<16x1024xf32, #tpu.memory_space<vmem>>, vector<1x16xf32>,
        %add3A_566 = arith.constant 16 : i32
        %add3A_567 = arith.addi %mul3A_83, %add3A_566 : i32
        %swap3A_568 = arith.constant 15 : i32
        %swap3A_569 = arith.index_cast %swap3A_568 : i32 to index
        %swap3A_570 = arith.index_cast %add3A_567 : i32 to index
        %swap3A_571 = tpu.vector_load %arg5[%swap3A_569, %swap3A_570] {strides = array<i32>} : memref<16x1024xf32, #tpu.memory_space<vmem>>, vector<1x16xf32>,
        %swap3A_572 = vector.shape_cast %swap3A_571 : vector<1x16xf32> to vector<16xf32>
        %swap3A_573 = vector.shape_cast %scan3A_317#31 : vector<16xf32> to vector<1x16xf32>
        tpu.vector_store %arg5[%swap3A_569, %swap3A_570], %swap3A_573 {strides = array<i32>} : memref<16x1024xf32, #tpu.memory_space<vmem>>, vector<1x16xf32>,
      }
      %scan3A_80 = arith.constant 32 : i32
    }
    "tpu.region"() ({
      %run_scoped3A = tpu.sem_alloc : memref<!tpu.dma_semaphore, #tpu.memory_space<semaphore_mem>>
      %dma_start3A_60 = arith.constant 0 : i32
      %dma_start3A_61 = arith.constant 0 : i32
      %dma_start3A_62 = tpu.memref_slice %arg4[%add3A, %dma_start3A_60, %dma_start3A_61] : memref<32x16x1024xf32, #tpu.memory_space<hbm>> -> memref<1x16x1024xf32, #tpu.memory_space<hbm>>
      %dma_start3A_63 = tpu.memref_squeeze %dma_start3A_62 : memref<1x16x1024xf32, #tpu.memory_space<hbm>> -> memref<16x1024xf32, #tpu.memory_space<hbm>>
      %dma_start3A_64 = arith.constant 0 : i32
      %dma_start3A_65 = arith.constant 0 : i32
      %dma_start3A_66 = tpu.memref_slice %arg4[%add3A, %dma_start3A_64, %dma_start3A_65] : memref<32x16x1024xf32, #tpu.memory_space<hbm>> -> memref<1x16x1024xf32, #tpu.memory_space<hbm>>
      %dma_start3A_67 = tpu.memref_squeeze %dma_start3A_66 : memref<1x16x1024xf32, #tpu.memory_space<hbm>> -> memref<16x1024xf32, #tpu.memory_space<hbm>>
      tpu.enqueue_dma source(%arg5 : memref<16x1024xf32, #tpu.memory_space<vmem>>) target(%dma_start3A_67 : memref<16x1024xf32, #tpu.memory_space<hbm>>) target_semaphore(%run_scoped3A : memref<!tpu.dma_semaphore, #tpu.memory_space<semaphore_mem>>)
      %dma_wait3A = arith.constant 0 : i32
      %dma_wait3A_68 = arith.constant 0 : i32
      %dma_wait3A_69 = tpu.memref_slice %arg4[%add3A, %dma_wait3A, %dma_wait3A_68] : memref<32x16x1024xf32, #tpu.memory_space<hbm>> -> memref<1x16x1024xf32, #tpu.memory_space<hbm>>
      %dma_wait3A_70 = tpu.memref_squeeze %dma_wait3A_69 : memref<1x16x1024xf32, #tpu.memory_space<hbm>> -> memref<16x1024xf32, #tpu.memory_space<hbm>>
      %dma_wait3A_71 = arith.constant 0 : i32
      %dma_wait3A_72 = arith.constant 0 : i32
      %dma_wait3A_73 = tpu.memref_slice %arg4[%add3A, %dma_wait3A_71, %dma_wait3A_72] : memref<32x16x1024xf32, #tpu.memory_space<hbm>> -> memref<1x16x1024xf32, #tpu.memory_space<hbm>>
      %dma_wait3A_74 = tpu.memref_squeeze %dma_wait3A_73 : memref<1x16x1024xf32, #tpu.memory_space<hbm>> -> memref<16x1024xf32, #tpu.memory_space<hbm>>
      tpu.wait_dma2 semaphore(%run_scoped3A : memref<!tpu.dma_semaphore, #tpu.memory_space<semaphore_mem>>) src(%arg5 : memref<16x1024xf32, #tpu.memory_space<vmem>>) dst(%dma_wait3A_74 : memref<16x1024xf32, #tpu.memory_space<hbm>>)
      tpu.yield
    }) : () -> ()
    return
  }
}

module attributes {stable_mosaic.version = 14 : i64} {
  func.func @_tc_body(%arg0: i32, %arg1: memref<16x2048xf32, #tpu.memory_space<vmem>>, %arg2: memref<2048x1024xf32, #tpu.memory_space<vmem>>, %arg3: memref<16x1024xf32, #tpu.memory_space<vmem>>) attributes {dimension_semantics = [#tpu.dimension_semantics<arbitrary>], iteration_bounds = array<i64: 47>, scalar_prefetch = 0 : i64, scratch_operands = 0 : i64, tpu.core_type = #tpu.core_type<tc>, window_params = [{transform_indices = @transform_0, window_bounds = array<i64: 16, 2048>}, {transform_indices = @transform_1, window_bounds = array<i64: 2048, 1024>}, {pipeline_mode = #tpu.pipeline_mode<synchronous>, transform_indices = @transform_2, window_bounds = array<i64: 16, 1024>}]} {
    %eq3A = arith.constant 0 : i32
    %eq3A_0 = arith.cmpi eq, %arg0, %eq3A : i32
    %convert_element_type3A = arith.extui %eq3A_0 : i1 to i32
    %cond3A = arith.constant 0 : i32
    %cond3A_1 = arith.cmpi ne, %convert_element_type3A, %cond3A : i32
    scf.if %cond3A_1 {
      %broadcast_in_dim3A_18 = arith.constant 0.000000e+00 : f32
      %broadcast_in_dim3A_19 = vector.broadcast %broadcast_in_dim3A_18 : f32 to vector<16x1024xf32>
      %swap3A_20 = arith.constant 0 : index
      %swap3A_21 = arith.constant 0 : index
      %swap3A_22 = vector.load %arg3[%swap3A_20, %swap3A_21] : memref<16x1024xf32, #tpu.memory_space<vmem>>, vector<16x1024xf32>
      tpu.vector_store %arg3[%swap3A_20, %swap3A_21], %broadcast_in_dim3A_19 {strides = array<i32>} : memref<16x1024xf32, #tpu.memory_space<vmem>>, vector<16x1024xf32>,
    } else {
    }
    %iota3A = tpu.iota {dimensions = array<i32: 1>} : vector<16x2048xi32>
    %mul3A = arith.constant 2048 : i32
    %mul3A_2 = arith.muli %arg0, %mul3A : i32
    %add3A = vector.broadcast %mul3A_2 : i32 to vector<16x2048xi32>
    %add3A_3 = arith.addi %add3A, %iota3A : vector<16x2048xi32>
    %lt3A = arith.constant 95904 : i32
    %lt3A_4 = vector.broadcast %lt3A : i32 to vector<16x2048xi32>
    %lt3A_5 = arith.cmpi slt, %add3A_3, %lt3A_4 : vector<16x2048xi32>
    %get3A = arith.constant 0 : index
    %get3A_6 = arith.constant 0 : index
    %get3A_7 = vector.load %arg1[%get3A, %get3A_6] : memref<16x2048xf32, #tpu.memory_space<vmem>>, vector<16x2048xf32>
    %jit3A = arith.constant 0.000000e+00 : f32
    %broadcast_in_dim3A = vector.broadcast %jit3A : f32 to vector<16x2048xf32>
    %select_n3A = arith.select %lt3A_5, %get3A_7, %broadcast_in_dim3A : vector<16x2048xi1>, vector<16x2048xf32>
    %get3A_8 = arith.constant 0 : index
    %get3A_9 = arith.constant 0 : index
    %get3A_10 = vector.load %arg3[%get3A_8, %get3A_9] : memref<16x1024xf32, #tpu.memory_space<vmem>>, vector<16x1024xf32>
    %get3A_11 = arith.constant 0 : index
    %get3A_12 = arith.constant 0 : index
    %get3A_13 = vector.load %arg2[%get3A_11, %get3A_12] : memref<2048x1024xf32, #tpu.memory_space<vmem>>, vector<2048x1024xf32>
    %dot_general3A = arith.constant dense<0.000000e+00> : vector<16x1024xf32>
    %dot_general3A_14 = tpu.matmul %select_n3A, %get3A_13, %dot_general3A {dimension_numbers = #tpu.dot_dimension_numbers<[1], [0], [0], [1], [0, 0, 1, 1], [], []>, transpose_lhs_hint = false} : vector<16x2048xf32>, vector<2048x1024xf32>, vector<16x1024xf32> -> vector<16x1024xf32>
    %add3A_15 = arith.addf %get3A_10, %dot_general3A_14 : vector<16x1024xf32>
    %swap3A = arith.constant 0 : index
    %swap3A_16 = arith.constant 0 : index
    %swap3A_17 = vector.load %arg3[%swap3A, %swap3A_16] : memref<16x1024xf32, #tpu.memory_space<vmem>>, vector<16x1024xf32>
    tpu.vector_store %arg3[%swap3A, %swap3A_16], %add3A_15 {strides = array<i32>} : memref<16x1024xf32, #tpu.memory_space<vmem>>, vector<16x1024xf32>,
    return
  }
  func.func @transform_0(%arg0: i32) -> (i32, i32) {
    %c0_i32 = arith.constant 0 : i32
    %c0_i32_0 = arith.constant 0 : i32
    return %c0_i32, %arg0 : i32, i32
  }
  func.func @transform_1(%arg0: i32) -> (i32, i32) {
    %c0_i32 = arith.constant 0 : i32
    %c0_i32_0 = arith.constant 0 : i32
    return %arg0, %c0_i32 : i32, i32
  }
  func.func @transform_2(%arg0: i32) -> (i32, i32) {
    %c0_i32 = arith.constant 0 : i32
    %c0_i32_0 = arith.constant 0 : i32
    %c0_i32_1 = arith.constant 0 : i32
    return %c0_i32, %c0_i32_0 : i32, i32
  }
}

</mosaic_0001>

<sc_bundles>
// kernel: kernel.4.cloned.1.call-start
scs
__scs_entry_jumppad:
0x0: {  	(pc) =	sbr.rel $0x88, $3  }
0x1: {  	(tag) =	ssettag $0x0;
	lr =	simm.s32 $0x1  }
0x2: {  	[smem:$0x3F9F] =	sst lr;
	_ =	strace $0xD0000000  }
0x3: {  	_ = 	snop  }
0x4: {  	_ = 	snop  }
0x5: {  	_ = 	snop  }
0x6: {  	_ = 	snop  }
0x7: {  	_ = 	snop  }
__scs_overlays_trampoline_lowered:
0x8: {  	[smem:$0x3FAE] =	sst s0  }
0x9: {  	[smem:$0x3FAF] =	sst s1  }
0xa: {  	[smem:$0x3FB0] =	sst s2  }
0xb: {  	[smem:$0x3FB1] =	sst s3  }
0xc: {  	[smem:$0x3FB2] =	sst s4  }
0xd: {  	[smem:$0x3FB3] =	sst s5  }
0xe: {  	[smem:$0x3FB4] =	sst s6  }
0xf: {  	[smem:$0x3FB5] =	sst s7  }
0x10: {  	[smem:$0x3FB6] =	sst s8  }
0x11: {  	[smem:$0x3FB7] =	sst s9;
	s0 =	simm.s32 @!p0 $0x0  }
0x12: {  	s1 =	sld [smem:$0x3F9D];
	s0 =	simm.s32 @p0 $0x1  }
0x13: {  	[smem:$0x3FB8] =	sst s0;
	s0 =	simm.s32 @!p1 $0x0  }
0x14: {  	s2 =	sld [smem:$0x3F9C];
	s0 =	simm.s32 @p1 $0x1  }
0x15: {  	[smem:$0x3FB9] =	sst s0;
	s0 =	simm.s32 @!p2 $0x0  }
0x16: {  	s3 =	sld [smem:$0x3FDB];
	s0 =	simm.s32 @p2 $0x1  }
0x17: {  	s4 =	simm.s32 $0x1BF5;
	[smem:$0x3FBB] =	sst s0  }
0x18: {  	s0 =	sld [smem:$0x3F9E];
	_ =	swait.ge [sflag:s4], $0x0  }
0x19: {  	s7 =	sld [smem:$0x3F9F]  }
0x1a: {  	s8 =	sadd.s32 $0xFFFFE003, lr  }
0x1b: {  	s9 =	sadd.s32 $0xFFFFFEF7, lr;
	s5 =	simm.s32 $0xFFFFFFFF;
	p2 =	slt.u32 s8, $0xFFFFF086  }
0x1c: {  	p1 =	slt.u32 s9, $0xF7A;
	s5 =	simm.s32 @!p2 $0x0  }
0x1d: {  	s5 =	simm.s32 @p1 $0x1;
	p0 =	seq.s32 s7, s2  }
0x1e: {  	s7 =	smul.u32 @!p0 $0xF7A, s2;
	p2 =	seq.s32 @!p0 s5, $0x0  }
0x1f: {  	s9 =	smul.u32 $0xF7A, s1;
	s8 =	simm.s32 @!p0 $0x1BF5;
	p2 =	por !p2, p0  }
0x20: {  	[sflag:s8] =	ssyncset.s32 @!p0 $0xFFFFF086;
	s6 =	sadd.s32 @!p0 s3, s7;
	s7 =	simm.s32 @!p0 $0x108  }
0x21: {  	s3 =	sadd.s32 s3, s9;
	s6 =	sadd.s32 @!p0 $0x88, s6;
	s7 =	simm.s32 @p2 $0x1082  }
0x22: {  	[simem:s7], [sflag:s8] =	dma.local @!p0 [hbm:s6], $0xF7A  }
0x23: {  	s9 =	sor.u32 $0xD0000000, s2;
	s6 =	simm.s32 $0x108;
	_ =	swait.ge @!p0 [sflag:s8], $0x0  }
0x24: {  	s3 =	sadd.s32 $0x88, s3;
	s6 =	simm.s32 @!p1 $0x1082;
	[sflag:s4] =	ssyncset.s32 $0xFFFFF086  }
0x25: {  	[simem:s6], [sflag:s4] =	dma.local [hbm:s3], $0xF7A  }
0x26: {  	[smem:$0x3F9F] =	sst s1;
	(tag) =	ssettag s2;
	_ =	strace s9  }
0x27: {  	s1 =	sld [smem:$0x3FAF]  }
0x28: {  	s2 =	sld [smem:$0x3FB0]  }
0x29: {  	s4 =	sld [smem:$0x3FB2]  }
0x2a: {  	p0 =	seq.s32 s5, $0x0;
	s5 =	sld [smem:$0x3FB3]  }
0x2b: {  	s6 =	sld [smem:$0x3FB4]  }
0x2c: {  	s7 =	sld [smem:$0x3FB5]  }
0x2d: {  	s3 =	simm.s32 $0x108;
	s8 =	sld [smem:$0x3FB6]  }
0x2e: {  	s3 =	simm.s32 @!p0 $0x1082;
	s9 =	sld [smem:$0x3FB7]  }
0x2f: {  	lr =	sadd.s32 s0, s3;
	s0 =	sld [smem:$0x3FAE]  }
0x30: {  	s3 =	sld [smem:$0x3FB1]  }
0x31: {  	[smem:$0x3FBA] =	sst s10  }
0x32: {  	s10 =	sld [smem:$0x3FB8];
	_ =	sdelay $0x3  }
0x33: {  	p0 =	seq.s32 s10, $0x1;
	s10 =	sld [smem:$0x3FBA];
	_ =	sdelay $0x3  }
0x34: {  	[smem:$0x3FBA] =	sst s10  }
0x35: {  	s10 =	sld [smem:$0x3FB9];
	_ =	sdelay $0x3  }
0x36: {  	p1 =	seq.s32 s10, $0x1;
	s10 =	sld [smem:$0x3FBA];
	_ =	sdelay $0x3  }
0x37: {  	[smem:$0x3FBA] =	sst s10  }
0x38: {  	s10 =	sld [smem:$0x3FBB]  }
0x39: {  	_ = 	snop;
	(pc) =	sbr.ind lr, $3  }
0x3a: {  	_ = 	snop  }
0x3b: {  	_ = 	snop  }
0x3c: {  	p2 =	seq.s32 s10, $0x1;
	s10 =	sld [smem:$0x3FBA]  }
0x3d: {  	_ =	shalt  }
0x3e: {  	_ =	shalt  }
0x3f: {  	_ =	shalt  }
0x40: {  	_ =	shalt  }
0x41: {  	_ =	shalt  }
0x42: {  	_ =	shalt  }
0x43: {  	_ =	shalt  }
0x44: {  	_ =	shalt  }
0x45: {  	_ =	shalt  }
0x46: {  	_ =	shalt  }
0x47: {  	_ =	shalt  }
0x48: {  	_ =	shalt  }
0x49: {  	_ =	shalt  }
0x4a: {  	_ =	shalt  }
0x4b: {  	_ =	shalt  }
0x4c: {  	_ =	shalt  }
0x4d: {  	_ =	shalt  }
0x4e: {  	_ =	shalt  }
0x4f: {  	_ =	shalt  }
0x50: {  	_ =	shalt  }
0x51: {  	_ =	shalt  }
0x52: {  	_ =	shalt  }
0x53: {  	_ =	shalt  }
0x54: {  	_ =	shalt  }
0x55: {  	_ =	shalt  }
0x56: {  	_ =	shalt  }
0x57: {  	_ =	shalt  }
0x58: {  	_ =	shalt  }
0x59: {  	_ =	shalt  }
0x5a: {  	_ =	shalt  }
0x5b: {  	_ =	shalt  }
0x5c: {  	_ =	shalt  }
0x5d: {  	_ =	shalt  }
0x5e: {  	_ =	shalt  }
0x5f: {  	_ =	shalt  }
0x60: {  	_ =	shalt  }
0x61: {  	_ =	shalt  }
0x62: {  	_ =	shalt  }
0x63: {  	_ =	shalt  }
0x64: {  	_ =	shalt  }
0x65: {  	_ =	shalt  }
0x66: {  	_ =	shalt  }
0x67: {  	_ =	shalt  }
0x68: {  	_ =	shalt  }
0x69: {  	_ =	shalt  }
0x6a: {  	_ =	shalt  }
0x6b: {  	_ =	shalt  }
0x6c: {  	_ =	shalt  }
0x6d: {  	_ =	shalt  }
0x6e: {  	_ =	shalt  }
0x6f: {  	_ =	shalt  }
0x70: {  	_ =	shalt  }
0x71: {  	_ =	shalt  }
0x72: {  	_ =	shalt  }
0x73: {  	_ =	shalt  }
0x74: {  	_ =	shalt  }
0x75: {  	_ =	shalt  }
0x76: {  	_ =	shalt  }
0x77: {  	_ =	shalt  }
0x78: {  	_ =	shalt  }
0x79: {  	_ =	shalt  }
0x7a: {  	_ =	shalt  }
0x7b: {  	_ =	shalt  }
0x7c: {  	_ =	shalt  }
0x7d: {  	_ =	shalt  }
0x7e: {  	_ =	shalt  }
0x7f: {  	_ =	shalt  }
0x80: {  	_ =	shalt  }
0x81: {  	_ =	shalt  }
0x82: {  	_ =	shalt  }
0x83: {  	_ =	shalt  }
0x84: {  	_ =	shalt  }
0x85: {  	_ =	shalt  }
0x86: {  	_ =	shalt  }
0x87: {  	_ =	shalt  }
.Lfunc_end0:
.L_simem_size_0:
called_computation_lowered:
.L_overlay_start_0:
0x88: {  	s2 =	sld [smem:$0x3FD9]  }
0x89: {  	s3 =	sld [smem:$0x3FFE];
	_ =	sdelay $0x1  }
0x8a: {  	s1 =	srdreg.scid  }
0x8b: {  	s0 =	sand.u32 $0x1, s1  }
0x8c: {  	s17 =	sshll.u32 s0, $0xA;
	s2 =	sadd.s32 s3, s2  }
0x8d: {  	s2 =	sadd.s32 s2, s17  }
0x8e: {  	[smem:$0x3FC6] =	sst s2  }
0x8f: {  	_ = 	snop  }
0x90: {  	s2 =	sld [smem:$0x3FC9];
	(tm) =	ssettm $0x1  }
0x91: {  	s18 =	sld [smem:$0x3FFB];
	_ =	sdelay $0x3  }
0x92: {  	_ =	strace s18  }
0x93: {  	s3 =	sld [smem:$0x3FFC];
	_ =	sdelay $0x3  }
0x94: {  	_ =	strace s3  }
0x95: {  	s3 =	sld [smem:$0x3FFD];
	_ =	sdelay $0x3  }
0x96: {  	_ =	strace s3  }
0x97: {  	_ =	strace $0x8FFFFFFF  }
0x98: {  	s19 =	sld [smem:$0x3FDB];
	_ =	sdelay $0x1  }
0x99: {  	s4 =	simm.s32 $_scs_section_size  }
0x9a: {  	s5 =	simm.s32 $_size__tile_overlayer_lowered;
	s6 =	simm.s32 $_tile_overlayer_lowered  }
0x9b: {  	s22 =	simm.s32 $0x1BFF;
	s21 =	sshll.u32 s6, $0x1;
	s3 =	sadd.s32 s4, s19  }
0x9c: {  	s7 =	simm.s32 $0x0;
	s20 =	sshll.u32 s5, $0x1;
	s5 =	sadd.s32 s21, s3  }
0x9d: {  	[timem:s7], [sflag:s22] =	dma.local [hbm:s5], s20  }
0x9e: {  	_ =	swait.ge [sflag:s22], s20  }
0x9f: {  	s4 =	ssub.s32 $0x0, s20;
	[sflag:s22] =	ssyncset.done $0x0  }
0xa0: {  	[sflag:s22] =	ssyncadd.s32 s4;
	_ =	sdelay $0x1  }
0xa1: {  	s23 =	simm.s32 $0x1B8B  }
0xa2: {  	_ =	swait.ge [sflag:s23], $0x1  }
0xa3: {  	[sflag:s23] =	ssyncset.done $0x0  }
0xa4: {  	s25 =	simm.s32 $0x1B8E;
	s24 =	sld [smem:$0x3FFE];
	[sflag:s23] =	ssyncadd.s32 $0xFFFFFFFF  }
0xa5: {  	s26 =	simm.s32 $execute0_lowered;
	[smem:$0x3FD2] =	sst s25  }
0xa6: {  	s5 =	sshll.u32 s26, $0x1;
	_ =	strace $0x80000046;
	[dreg:$0x1] =	wrdreg $0xFFFFFFFF  }
0xa7: {  	s28 =	simm.s32 $_size_execute0_lowered;
	s3 =	sadd.s32 s3, s5;
	[dreg:$0x0] =	wrdreg $0x0  }
0xa8: {  	s5 =	sshll.u32 s28, $0x1;
	[dreg:$0x2] =	wrdreg s3  }
0xa9: {  	[dreg:$0x3] =	wrdreg s5  }
0xaa: {  	[dreg:$0x4] =	wrdreg $0xC0  }
0xab: {  	_ =	task [dreg:s7], $0x5FFFF  }
0xac: {  	[dreg:$0x1] =	wrdreg $0xFFFFFFFF  }
0xad: {  	[dreg:$0x0] =	wrdreg $0x60  }
0xae: {  	[dreg:$0x2] =	wrdreg s24  }
0xaf: {  	[dreg:$0x3] =	wrdreg s2  }
0xb0: {  	[dreg:$0x4] =	wrdreg $0x9  }
0xb1: {  	_ =	task.clear_ibuf [dreg:s7], $0x5FFFF;
	_ =	strace $0x90000046  }
0xb2: {  	s29 =	simm.s32 $0x9;
	_ =	strace $0x80000048  }
0xb3: {  	_ =	swait.ge [sflag:s29], $0x1  }
0xb4: {  	[sflag:s29] =	ssyncadd.s32 $0xFFFFFFFF  }
0xb5: {  	_ =	strace $0x90000048  }
0xb6: {  	_ =	sfence  }
0xb7: {  	s30 =	sld [smem:$0x0];
	_ =	sdelay $0x2  }
0xb8: {  	s31 =	sshll.u32 s1, $0xD;
	s1 =	sshrl.u32 s1, $0x2  }
0xb9: {  	s3 =	sand.u32 $0x4000, s31;
	s1 =	sadd.s32 s1, s30  }
0xba: {  	s0 =	sor.u32 s3, s0;
	s1 =	sshll.u32 s1, $0x11  }
0xbb: {  	s0 =	sor.u32 s1, s0  }
0xbc: {  	s0 =	sadd.s32 $0x8F2B, s0  }
0xbd: {  	[sflag:s0] =	ssyncadd.remote.s32 $0x1  }
0xbe: {  	_ =	sfence.sel $0xFFFF  }
0xbf: {  	[dreg:$0x0] =	wrdreg $0xFFFFFFFF;
	(pc) =	sbr.abs _section_cstart, $3  }
0xc0: {  	[dreg:$0x1] =	wrdreg $0xFFFFFFFF  }
0xc1: {  	_ =	task.clear_ibuf [dreg:s7], $0x2FFFF;
	_ =	strace $0x9FFFFFFF  }
0xc2: {  	(tm) =	ssettm $0x7FFFFFFF  }
0xc3: {  	_ =	shalt  }
tec
execute0_lowered:
.L_overlay_start_1:
0x0: {  	(tag) =	ssettag $0x1  }
0x1: {  	s0 =	rddreg [dreg:$0x0]  }
0x2: {  	s5 =	rddreg [dreg:$0x1];
	s6 =	simm.s32 $0x0;
	s1 =	srdreg.scid  }
0x3: {  	s2 =	stileid.u32;
	[smem:$0x7FF] =	sst s6  }
0x4: {  	s1 =	sand.u32 $0x1, s1;
	s2 =	sshll.u32 s2, $0x1;
	s7 =	sadd.s32 $0x200, s0  }
0x5: {  	_ =	strace $0x80000047;
	s2 =	sor.u32 s1, s2;
	s1 =	ssub.s32 $0x2, s1  }
0x6: {  	[dreg:$0x3] =	wrdreg s7;
	s3 =	sshll.u32 s2, $0xB;
	s4 =	sshll.u32 s2, $0x2  }
0x7: {  	s29 =	sshrl.u32 s1, $0x1;
	s2 =	sshll.u32 s2, $0x8;
	s4 =	sadd.s32 $0xBB5, s4  }
0x8: {  	s0 =	sadd.s32 s3, s0;
	s2 =	sadd.s32 s7, s2;
	[dreg:$0x4] =	wrdreg s4  }
0x9: {  	s1 =	ssub.s32 s1, s29;
	[dreg:$0x6] =	wrdreg s2;
	s0 =	sadd.s32 $0x2200, s0  }
0xa: {  	s4 =	sshll.u32 s4, $0xC;
	s31 =	smax.u32 s1, $0x1;
	[dreg:$0x7] =	wrdreg s0  }
0xb: {  	s30 =	sadd.s32 s5, s4;
	[dreg:$0x8] =	wrdreg s31  }
0xc: {  	v0 =	vimm.f32 $0.0e+00;
	s2 =	simm.s32 $0x0;
	[dreg:$0x5] =	wrdreg s30  }
.LBB2_1:
0xd: {  	s0 =	rddreg [dreg:$0x5]  }
0xe: {  	s1 =	simm.s32 $0x4000;
	s30 =	sand.u32 $0x70, s6;
	s31 =	sand.u32 $0x1C00, s6  }
0xf: {  	[tilespmem:s1], [sflag:$0x1] =	stream.linear.gather [hbm4b:s0+s6], $0x8000, $0x38;
	[tilespmem:$0x14400] =	vst v63  }
0x10: {  	s28 =	rddreg [dreg:$0x6];
	s29 =	simm.s32 $0x14000;
	s0 =	sor.u32 s30, s31  }
0x11: {  	[tilespmem:s29], [sflag:$0x3] =	stream.linear.gather [hbm4b:s28+s6], $0x200, $0x38;
	[tilespmem:$0x14400] =	vst v63  }
0x12: {  	[tilespmem:s0+$0x80] =	vst v0  }
0x13: {  	[tilespmem:s0+$0x100] =	vst v0  }
0x14: {  	[tilespmem:s0+$0x180] =	vst v0  }
0x15: {  	[tilespmem:s0+$0x200] =	vst v0  }
0x16: {  	[dreg:$0x9] =	wrdreg s2;
	[tilespmem:s0+$0x280] =	vst v0  }
0x17: {  	s3 =	sor.u32 s6, s6;
	s2 =	simm.s32 $0x0;
	s1 =	simm.s32 $0x10;
	[tilespmem:s0+$0x300] =	vst v0  }
.LBB2_2:
0x18: {  	p0 =	seq.s32 s1, $0x3F0;
	[tilespmem:s0+$0x0] =	vst v0;
	s3 =	sor.u32 $0x380, s3  }
0x19: {  	[tilespmem:s3+$0x0] =	vst v0  }
0x1a: {  	[tilespmem:s0+$0x2000] =	vst v0  }
0x1b: {  	[tilespmem:s0+$0x2080] =	vst v0  }
0x1c: {  	[tilespmem:s0+$0x2100] =	vst v0  }
0x1d: {  	[tilespmem:s0+$0x2180] =	vst v0  }
0x1e: {  	[tilespmem:s0+$0x2200] =	vst v0  }
0x1f: {  	s2 =	sadd.s32 $0x80, s2;
	[tilespmem:s0+$0x2280] =	vst v0  }
0x20: {  	s3 =	sand.u32 $0x70, s1;
	s4 =	sand.u32 $0x1C00, s2;
	[tilespmem:s0+$0x2300] =	vst v0  }
0x21: {  	[tilespmem:s0+$0x2380] =	vst v0;
	s0 =	sor.u32 s3, s4  }
0x22: {  	[tilespmem:s0+$0x80] =	vst v0  }
.Ltmp0:
0x23: {  	[tilespmem:s0+$0x100] =	vst v0;
	(pc) =	sbr.rel @!p0 .LBB2_2-.Ltmp0, $4  }
0x24: {  	[tilespmem:s0+$0x180] =	vst v0  }
0x25: {  	[tilespmem:s0+$0x200] =	vst v0  }
0x26: {  	[tilespmem:s0+$0x280] =	vst v0  }
0x27: {  	s3 =	sor.u32 s2, s1;
	s1 =	sadd.s32 $0x10, s1;
	[tilespmem:s0+$0x300] =	vst v0  }
0x28: {  	[tilespmem:s0+$0x0] =	vst v0;
	s1 =	sor.u32 $0x380, s3  }
0x29: {  	[tilespmem:s1+$0x0] =	vst v0  }
0x2a: {  	[tilespmem:s0+$0x2000] =	vst v0  }
0x2b: {  	[tilespmem:s0+$0x2080] =	vst v0  }
0x2c: {  	[tilespmem:s0+$0x2100] =	vst v0  }
0x2d: {  	[tilespmem:s0+$0x2180] =	vst v0  }
0x2e: {  	[tilespmem:s0+$0x2200] =	vst v0  }
0x2f: {  	[tilespmem:s0+$0x2280] =	vst v0  }
0x30: {  	[tilespmem:s0+$0x2300] =	vst v0  }
0x31: {  	s1 =	simm.s32 $0x0;
	[tilespmem:s0+$0x2380] =	vst v0  }
.LBB2_5:
0x32: {  	s0 =	smov.u32 s1  }
0x33: {  	s2 =	sadd.s32 $0x1, s1;
	p0 =	seq.s32 s1, $0x3;
	s1 =	rddreg [dreg:$0x4]  }
0x34: {  	[dreg:$0xa] =	wrdreg s2;
	s1 =	sadd.s32 @!p0 s1, s2;
	s2 =	sand.u32 @!p0 $0x1, s0  }
0x35: {  	p2 =	seq.s32 @!p0 s2, $0x0  }
0x36: {  	s3 =	sshll.u32 @!p0 s1, $0x9;
	s1 =	sshll.u32 @!p0 s1, $0xC;
	p1 =	por !p2, p0  }
0x37: {  	s6 =	rddreg [dreg:$0x1];
	s2 =	sadd.s32 @!p0 $0xFFE89600, s3;
	s3 =	sand.u32 @!p1 $0x1FFFE000, s1  }
0x38: {  	s4 =	simm.s32 @!p1 $0x0;
	s5 =	simm.s32 @!p1 $0xC000;
	s3 =	sadd.s32 @!p1 s6, s3  }
0x39: {  	[tilespmem:s5], [sflag:$0x2] =	stream.linear.gather @!p1 [hbm4b:s3+s4], $0x8000, $0x38;
	[tilespmem:$0x14400] =	vst v63  }
0x3a: {  	p2 =	por p2, p0;
	s2 =	sshrl.u32 @!p0 s2, $0x3;
	s3 =	rddreg [dreg:$0x3]  }
0x3b: {  	s1 =	sand.u32 @!p2 $0x1FFFF000, s1;
	s2 =	sadd.s32 @!p0 s3, s2;
	s3 =	simm.s32 @!p1 $0x14200  }
0x3c: {  	[tilespmem:s3], [sflag:$0x4] =	stream.linear.gather @!p1 [hbm4b:s2+s4], $0x200, $0x38;
	[tilespmem:$0x14400] =	vst v63  }
0x3d: {  	s1 =	sadd.s32 @!p2 s6, s1;
	s3 =	simm.s32 @!p2 $0x0;
	s4 =	simm.s32 @!p2 $0x4000  }
0x3e: {  	[tilespmem:s4], [sflag:$0x1] =	stream.linear.gather @!p2 [hbm4b:s1+s3], $0x8000, $0x38;
	[tilespmem:$0x14400] =	vst v63  }
0x3f: {  	s1 =	simm.s32 @!p1 $0x1  }
0x40: {  	s4 =	simm.s32 @!p2 $0x14000;
	s1 =	simm.s32 @p1 $0x2  }
0x41: {  	[tilespmem:s4], [sflag:$0x3] =	stream.linear.gather @!p2 [hbm4b:s2+s3], $0x200, $0x38;
	[tilespmem:$0x14400] =	vst v63  }
0x42: {  	s1 =	simm.s32 @p0 $0x2  }
0x43: {  	s2 =	simm.s32 @!p1 $0x3;
	_ =	swait.ge [sflag:s1], $0x8000  }
0x44: {  	s0 =	sand.u32 $0x1, s0;
	s2 =	simm.s32 @p1 $0x4;
	[sflag:s1] =	ssyncset.done $0x0  }
0x45: {  	s29 =	sshll.u32 s0, $0xF;
	s2 =	simm.s32 @p0 $0x4;
	[sflag:s1] =	ssyncadd.s32 $0xFFFF8000  }
0x46: {  	s15 =	sshll.u32 s0, $0x9;
	s30 =	sor.u32 $0x4000, s29;
	_ =	swait.ge [sflag:s2], $0x200  }
0x47: {  	s31 =	sor.u32 $0x14000, s15;
	[dreg:$0xb] =	wrdreg s30;
	[sflag:s2] =	ssyncset.done $0x0  }
0x48: {  	s18 =	simm.s32 $0x0;
	[dreg:$0xc] =	wrdreg s31;
	[sflag:s2] =	ssyncadd.s32 $0xFFFFFE00  }
.LBB2_6:
0x49: {  	v0 =	vld [tilespmem:s15+$0x14040];
	_ =	sdelay $0x4  }
0x4a: {  	[tilespmem:$0x1FF40] =	vst v0;
	v0 =	vld [tilespmem:s15+$0x14080];
	_ =	sdelay $0x4  }
0x4b: {  	[tilespmem:$0x1FF50] =	vst v0;
	v0 =	vld [tilespmem:s15+$0x140A0];
	_ =	sdelay $0x4  }
0x4c: {  	[tilespmem:$0x1FF60] =	vst v0;
	v0 =	vld [tilespmem:s15+$0x140C0];
	_ =	sdelay $0x4  }
0x4d: {  	[tilespmem:$0x1FF70] =	vst v0;
	v0 =	vld [tilespmem:s15+$0x140E0];
	_ =	sdelay $0x4  }
0x4e: {  	[tilespmem:$0x1FF80] =	vst v0;
	v0 =	vld [tilespmem:s15+$0x14100];
	_ =	sdelay $0x4  }
0x4f: {  	[tilespmem:$0x1FF90] =	vst v0;
	v0 =	vld [tilespmem:s15+$0x14120];
	_ =	sdelay $0x4  }
0x50: {  	[tilespmem:$0x1FFA0] =	vst v0;
	v0 =	vld [tilespmem:s15+$0x14140];
	_ =	sdelay $0x4  }
0x51: {  	[tilespmem:$0x1FFB0] =	vst v0;
	v0 =	vld [tilespmem:s15+$0x14160];
	_ =	sdelay $0x4  }
0x52: {  	[tilespmem:$0x1FFC0] =	vst v0;
	v0 =	vld [tilespmem:s15+$0x14180];
	_ =	sdelay $0x4  }
0x53: {  	[tilespmem:$0x1FFD0] =	vst v0;
	v0 =	vld [tilespmem:s15+$0x141A0];
	_ =	sdelay $0x4  }
0x54: {  	s0 =	sshll.u32 s18, $0x5;
	s6 =	sshll.u32 s18, $0x8;
	[tilespmem:$0x1FFE0] =	vst v0;
	v0 =	vld [tilespmem:s15+$0x141C0]  }
0x55: {  	s2 =	sand.u32 $0x60, s0;
	s4 =	sand.u32 $0x1C00, s6;
	s0 =	sor.u32 s6, s0  }
0x56: {  	s5 =	sor.u32 $0x10, s2;
	s8 =	sor.u32 $0x380, s0;
	s20 =	sor.u32 $0x2080, s4  }
0x57: {  	s21 =	sor.u32 $0x2180, s4;
	s14 =	sor.u32 $0x2300, s4;
	s10 =	sor.u32 s2, s20  }
0x58: {  	s0 =	sor.u32 s5, s20;
	s29 =	sor.u32 s2, s21;
	s28 =	sor.u32 s5, s21  }
0x59: {  	s20 =	sor.u32 s2, s14;
	s21 =	sor.u32 s5, s14;
	s14 =	simm.s32 $0x0;
	[tilespmem:$0x1FFF0] =	vst v0;
	v0 =	vld [tilespmem:$0x1FF40]  }
0x5a: {  	v1 =	vmov s14  }
0x5b: {  	v1 =	vand.u32 $0xF, v1  }
0x5c: {  	v1 =	vbroadcast v1, $0x0;
	_ =	sdelay $0x1  }
0x5d: {  	v23 =	vperm.xlane v0, v1;
	v0 =	vld [tilespmem:$0x1FF50]  }
0x5e: {  	v35 =	vld [tilespmem:s15+$0x14020]  }
0x5f: {  	v34 =	vld [tilespmem:s15+$0x14060]  }
0x60: {  	v37 =	vld [tilespmem:s15+$0x141E0];
	s3 =	sor.u32 s2, s4  }
0x61: {  	v38 =	vld [tilespmem:s3+$0x0]  }
0x62: {  	v56 =	vperm.xlane v0, v1;
	v0 =	vld [tilespmem:$0x1FF60]  }
0x63: {  	v40 =	vld [tilespmem:s3+$0x80]  }
0x64: {  	v42 =	vld [tilespmem:s3+$0x100]  }
0x65: {  	v44 =	vld [tilespmem:s3+$0x180]  }
0x66: {  	v46 =	vld [tilespmem:s3+$0x200]  }
0x67: {  	v57 =	vperm.xlane v0, v1;
	v0 =	vld [tilespmem:$0x1FF70]  }
0x68: {  	v28 =	vld [tilespmem:s3+$0x280]  }
0x69: {  	s1 =	sor.u32 s5, s4;
	v16 =	vld [tilespmem:s8+$0x0]  }
0x6a: {  	v39 =	vld [tilespmem:s1+$0x0]  }
0x6b: {  	v41 =	vld [tilespmem:s1+$0x80]  }
0x6c: {  	v58 =	vperm.xlane v0, v1;
	v0 =	vld [tilespmem:$0x1FF80]  }
0x6d: {  	v43 =	vld [tilespmem:s1+$0x100]  }
0x6e: {  	v45 =	vld [tilespmem:s1+$0x180]  }
0x6f: {  	s7 =	sor.u32 s2, s6;
	s19 =	sor.u32 $0x2000, s4;
	s13 =	sor.u32 $0x2100, s4;
	v47 =	vld [tilespmem:s1+$0x200]  }
0x70: {  	s22 =	sor.u32 $0x2200, s4;
	s23 =	sor.u32 $0x2280, s4;
	s16 =	sor.u32 $0x2380, s4;
	v27 =	vld [tilespmem:s1+$0x280]  }
0x71: {  	s12 =	sor.u32 $0x300, s7;
	s17 =	sor.u32 s6, s5;
	s6 =	sor.u32 s2, s19;
	v59 =	vperm.xlane v0, v1;
	v0 =	vld [tilespmem:$0x1FF90]  }
0x72: {  	s11 =	sor.u32 s5, s19;
	s31 =	sor.u32 s2, s13;
	s30 =	sor.u32 s5, s13;
	v26 =	vld [tilespmem:$0x1FFD0]  }
0x73: {  	s26 =	sor.u32 s2, s22;
	s25 =	sor.u32 s5, s22;
	s24 =	sor.u32 s2, s23;
	v9 =	vld [tilespmem:s12+$0x0]  }
0x74: {  	v29 =	vmov s2;
	s9 =	sor.u32 $0x300, s17;
	s7 =	sor.u32 $0x380, s17;
	v20 =	vld [tilespmem:s6+$0x0];
	s17 =	rddreg [dreg:$0xc]  }
0x75: {  	s19 =	sor.u32 s5, s23;
	s22 =	sor.u32 s2, s16;
	s13 =	rddreg [dreg:$0xb];
	v33 =	vmov s5;
	v36 =	vld [tilespmem:s17+$0x0]  }
0x76: {  	s23 =	sor.u32 s5, s16;
	s13 =	sadd.s32 s4, s13;
	s16 =	sand.u32 $0x2000, s14;
	v60 =	vperm.xlane v0, v1;
	v0 =	vld [tilespmem:$0x1FFA0]  }
0x77: {  	s17 =	sand.u32 $0x380, s14;
	s4 =	sadd.s32 s16, s13;
	v30 =	vperm.xlane v26, v1;
	v26 =	vld [tilespmem:$0x1FFE0]  }
0x78: {  	v49 =	vld [tilespmem:s23+$0x0];
	s4 =	sadd.s32 s17, s4  }
0x79: {  	v52 =	vld.idx.msk [tilespmem:v29+s4+$0x0 ss:$0x1], $0xffff  }
0x7a: {  	v51 =	vld.idx.msk [tilespmem:v33+s4+$0x0 ss:$0x1], $0xffff  }
0x7b: {  	v61 =	vperm.xlane v0, v1;
	v0 =	vld [tilespmem:$0x1FFB0]  }
0x7c: {  	v2 =	vperm.xlane v36, v1;
	v55 =	vperm.xlane v26, v1;
	v26 =	vld [tilespmem:$0x1FFF0]  }
0x7d: {  	v10 =	vld [tilespmem:s11+$0x0];
	v53 =	vperm.xlane v37, v1;
	v22 =	vperm.xlane v35, v1  }
0x7e: {  	v8 =	vld [tilespmem:s10+$0x0];
	v24 =	vperm.xlane v34, v1;
	v62 =	vmul.f32 v2, v52  }
0x7f: {  	v11 =	vld [tilespmem:s0+$0x0];
	v25 =	vmul.f32 v53, v51;
	v48 =	vmul.f32 v56, v52  }
0x80: {  	v56 =	vmul.f32 v56, v51;
	v50 =	vperm.xlane v0, v1;
	v0 =	vld [tilespmem:$0x1FFC0]  }
0x81: {  	v12 =	vld [tilespmem:s31+$0x0];
	v32 =	vmul.f32 v24, v51;
	v49 =	vadd.f32 v25, v49;
	v54 =	vperm.xlane v26, v1  }
0x82: {  	v17 =	vld [tilespmem:s30+$0x0];
	v25 =	vmul.f32 v23, v52;
	v47 =	vadd.f32 v56, v47;
	v56 =	vmul.f32 v55, v52  }
0x83: {  	v18 =	vld [tilespmem:s29+$0x0];
	v38 =	vadd.f32 v62, v38;
	v26 =	vmul.f32 v57, v52;
	v57 =	vmul.f32 v57, v51  }
0x84: {  	v19 =	vld [tilespmem:s28+$0x0];
	v42 =	vadd.f32 v25, v42;
	v25 =	vmul.f32 v58, v52;
	v63 =	vmul.f32 v60, v51  }
0x85: {  	v14 =	vld [tilespmem:s26+$0x0];
	v45 =	vadd.f32 v32, v45;
	v0 =	vperm.xlane v0, v1;
	v1 =	vmul.f32 v2, v51  }
0x86: {  	v15 =	vld [tilespmem:s25+$0x0];
	v46 =	vadd.f32 v48, v46;
	v62 =	vmul.f32 v61, v51;
	v2 =	vmul.f32 v22, v52  }
0x87: {  	v6 =	vld [tilespmem:s24+$0x0];
	v22 =	vmul.f32 v22, v51;
	v39 =	vadd.f32 v1, v39;
	v1 =	vmul.f32 v23, v51  }
0x88: {  	v7 =	vld [tilespmem:s19+$0x0];
	v23 =	vmul.f32 v24, v52;
	v40 =	vadd.f32 v2, v40;
	v24 =	vmul.f32 v58, v51  }
0x89: {  	v4 =	vld [tilespmem:s20+$0x0];
	v41 =	vadd.f32 v22, v41;
	v22 =	vmul.f32 v59, v52;
	v2 =	vmul.f32 v60, v52  }
0x8a: {  	v5 =	vld [tilespmem:s21+$0x0];
	v48 =	vadd.f32 v26, v28;
	v58 =	vmul.f32 v61, v52;
	v61 =	vmul.f32 v50, v52  }
0x8b: {  	v3 =	vld [tilespmem:s22+$0x0];
	v60 =	vmul.f32 v0, v52;
	v44 =	vadd.f32 v23, v44;
	v23 =	vmul.f32 v59, v51  }
0x8c: {  	s2 =	simm.s32 $0x1;
	v13 =	vld [tilespmem:s9+$0x0];
	s4 =	simm.s32 $0x400;
	v43 =	vadd.f32 v1, v43;
	v1 =	vmul.f32 v50, v51;
	v59 =	vmul.f32 v0, v51  }
0x8d: {  	s5 =	simm.s32 $0x80;
	v21 =	vld [tilespmem:s7+$0x0];
	s14 =	simm.s32 $0x2;
	s16 =	sand.u32 $0x2000, s4;
	v0 =	vmul.f32 v30, v52;
	v50 =	vadd.f32 v57, v27;
	v57 =	vmul.f32 v30, v51  }
.LBB2_7:
0x8e: {  	v28 =	vld [tilespmem:$0x1FF60]  }
0x8f: {  	v32 =	vmov s2  }
0x90: {  	v16 =	vadd.f32 v22, v16;
	v22 =	vand.u32 $0xF, v32  }
0x91: {  	v20 =	vadd.f32 v2, v20;
	v2 =	vbroadcast v22, $0x0;
	_ =	sdelay $0x1  }
0x92: {  	v19 =	vadd.f32 v59, v19;
	v59 =	vperm.xlane v28, v2;
	v28 =	vld [tilespmem:$0x1FF70];
	_ =	sdelay $0x4  }
0x93: {  	v15 =	vadd.f32 v57, v15;
	v57 =	vperm.xlane v28, v2;
	v28 =	vld [tilespmem:$0x1FF80];
	_ =	sdelay $0x1  }
0x94: {  	s17 =	sand.u32 $0x380, s5;
	s16 =	sadd.s32 s16, s13  }
0x95: {  	v9 =	vadd.f32 v25, v9;
	s16 =	sadd.s32 s17, s16  }
0x96: {  	v25 =	vmul.f32 v55, v51;
	v13 =	vadd.f32 v24, v13;
	v24 =	vmul.f32 v54, v51;
	v51 =	vld.idx.msk [tilespmem:v33+s16+$0x0 ss:$0x1], $0xffff  }
0x97: {  	v18 =	vadd.f32 v60, v18;
	v60 =	vperm.xlane v28, v2;
	v28 =	vld [tilespmem:$0x1FF90]  }
0x98: {  	v26 =	vmul.f32 v54, v52;
	v21 =	vadd.f32 v23, v21;
	v23 =	vld [tilespmem:$0x1FF40]  }
0x99: {  	v14 =	vadd.f32 v0, v14;
	v0 =	vld [tilespmem:$0x1FF50]  }
0x9a: {  	v27 =	vmul.f32 v53, v52;
	v4 =	vadd.f32 v26, v4;
	v26 =	vld [tilespmem:$0x1FFF0];
	v53 =	vperm.xlane v37, v2  }
0x9b: {  	v7 =	vadd.f32 v25, v7;
	v25 =	vld [tilespmem:$0x1FFD0]  }
0x9c: {  	v12 =	vadd.f32 v61, v12;
	v32 =	vmul.f32 v53, v51;
	v61 =	vperm.xlane v28, v2;
	v28 =	vld [tilespmem:$0x1FFA0]  }
0x9d: {  	v10 =	vadd.f32 v63, v10;
	v52 =	vld.idx.msk [tilespmem:v29+s16+$0x0 ss:$0x1], $0xffff  }
0x9e: {  	v17 =	vadd.f32 v1, v17;
	v1 =	vperm.xlane v36, v2;
	v22 =	vperm.xlane v35, v2  }
0x9f: {  	v8 =	vadd.f32 v58, v8;
	v58 =	vperm.xlane v34, v2;
	v23 =	vperm.xlane v23, v2  }
0xa0: {  	v0 =	vperm.xlane v0, v2;
	v49 =	vadd.f32 v32, v49;
	v32 =	vmovc v29;
	v29 =	vperm.xlane v25, v2;
	v25 =	vld [tilespmem:$0x1FFE0]  }
0xa1: {  	v11 =	vadd.f32 v62, v11;
	v54 =	vperm.xlane v26, v2;
	v62 =	vperm.xlane v28, v2;
	v28 =	vld [tilespmem:$0x1FFB0]  }
0xa2: {  	v6 =	vadd.f32 v56, v6;
	v26 =	vmul.f32 v58, v51;
	v30 =	vmul.f32 v59, v52  }
0xa3: {  	v5 =	vadd.f32 v24, v5;
	v31 =	vmul.f32 v59, v51;
	v24 =	vmul.f32 v23, v52  }
0xa4: {  	v3 =	vadd.f32 v27, v3;
	v27 =	vmul.f32 v0, v52;
	v0 =	vmul.f32 v0, v51  }
0xa5: {  	v45 =	vadd.f32 v26, v45;
	v55 =	vperm.xlane v25, v2;
	v25 =	vmul.f32 v1, v52  }
0xa6: {  	v42 =	vadd.f32 v24, v42;
	v1 =	vmul.f32 v1, v51;
	v56 =	vperm.xlane v28, v2;
	v28 =	vld [tilespmem:$0x1FFC0]  }
0xa7: {  	v47 =	vadd.f32 v0, v47;
	v24 =	vmul.f32 v57, v51;
	v0 =	vmul.f32 v29, v52  }
0xa8: {  	v39 =	vadd.f32 v1, v39;
	v1 =	vmul.f32 v23, v51;
	v23 =	vmul.f32 v58, v52  }
0xa9: {  	v38 =	vadd.f32 v25, v38;
	v25 =	vmul.f32 v57, v52;
	v57 =	vmul.f32 v29, v51  }
0xaa: {  	v44 =	vadd.f32 v23, v44;
	v23 =	vmul.f32 v60, v51;
	v63 =	vmul.f32 v61, v51  }
0xab: {  	p0 =	seq.s32 s14, $0xF;
	v48 =	vadd.f32 v30, v48;
	v28 =	vperm.xlane v28, v2;
	v2 =	vmul.f32 v22, v52  }
.Ltmp1:
0xac: {  	v43 =	vadd.f32 v1, v43;
	v58 =	vmul.f32 v62, v52;
	v22 =	vmul.f32 v22, v51;
	(pc) =	sbr.rel @!p0 .LBB2_7-.Ltmp1, $4  }
0xad: {  	v62 =	vmul.f32 v62, v51;
	v1 =	vmul.f32 v56, v51;
	v40 =	vadd.f32 v2, v40  }
0xae: {  	v41 =	vadd.f32 v22, v41;
	v22 =	vmul.f32 v60, v52;
	v2 =	vmul.f32 v61, v52  }
0xaf: {  	s2 =	smov.u32 s14;
	s4 =	sadd.s32 $0x400, s4;
	v50 =	vadd.f32 v31, v50;
	v61 =	vmul.f32 v56, v52;
	v60 =	vmul.f32 v28, v52  }
0xb0: {  	s14 =	sadd.s32 $0x1, s14;
	s5 =	sadd.s32 $0x80, s5;
	s16 =	sand.u32 $0x2000, s4;
	v46 =	vadd.f32 v27, v46;
	v29 =	vmovc v32;
	v59 =	vmul.f32 v28, v51;
	v56 =	vmul.f32 v55, v52  }
0xb1: {  	_ =	sdelay $0x1  }
0xb2: {  	s4 =	sand.u32 $0x380, s5;
	s17 =	sadd.s32 s16, s13  }
0xb3: {  	v2 =	vadd.f32 v2, v20;
	v20 =	vmov s2;
	v30 =	vadd.f32 v62, v11;
	v11 =	vld [tilespmem:$0x1FF40];
	s5 =	sadd.s32 s4, s17  }
0xb4: {  	v20 =	vand.u32 $0xF, v20;
	v28 =	vld.idx.msk [tilespmem:v33+s5+$0x0 ss:$0x1], $0xffff  }
0xb5: {  	v20 =	vbroadcast v20, $0x0  }
0xb6: {  	v9 =	vadd.f32 v25, v9;
	v23 =	vadd.f32 v23, v21;
	v21 =	vmul.f32 v55, v51  }
0xb7: {  	v16 =	vadd.f32 v22, v16;
	v22 =	vmul.f32 v54, v51;
	v51 =	vperm.xlane v37, v20  }
0xb8: {  	v13 =	vadd.f32 v24, v13;
	v24 =	vmul.f32 v54, v52;
	v25 =	vmul.f32 v53, v52  }
0xb9: {  	v52 =	vadd.f32 v59, v19;
	v19 =	vperm.xlane v11, v20;
	v11 =	vmul.f32 v51, v28  }
0xba: {  	v53 =	vld.idx.msk [tilespmem:v29+s5+$0x0 ss:$0x1], $0xffff  }
0xbb: {  	v29 =	vadd.f32 v11, v49;
	v11 =	vld [tilespmem:$0x1FF80];
	_ =	sdelay $0x4  }
0xbc: {  	v49 =	vperm.xlane v11, v20;
	v11 =	vld [tilespmem:$0x1FF90];
	_ =	sdelay $0x4  }
0xbd: {  	v54 =	vperm.xlane v11, v20;
	v11 =	vld [tilespmem:$0x1FFA0];
	_ =	sdelay $0x4  }
0xbe: {  	v55 =	vperm.xlane v11, v20;
	v11 =	vld [tilespmem:$0x1FFB0];
	_ =	sdelay $0x4  }
0xbf: {  	v6 =	vadd.f32 v56, v6;
	v56 =	vperm.xlane v11, v20;
	v11 =	vld [tilespmem:$0x1FFD0];
	_ =	sdelay $0x4  }
0xc0: {  	v8 =	vadd.f32 v58, v8;
	v58 =	vperm.xlane v11, v20;
	v11 =	vld [tilespmem:$0x1FFE0]  }
0xc1: {  	v0 =	vadd.f32 v0, v14;
	v14 =	vld [tilespmem:$0x1FF50]  }
0xc2: {  	v10 =	vadd.f32 v63, v10;
	v63 =	vadd.f32 v57, v15;
	v15 =	vld [tilespmem:$0x1FF60]  }
0xc3: {  	v12 =	vadd.f32 v61, v12;
	v27 =	vld [tilespmem:$0x1FF70]  }
0xc4: {  	v1 =	vadd.f32 v1, v17;
	v57 =	vadd.f32 v21, v7;
	v7 =	vld [tilespmem:$0x1FFC0];
	v17 =	vperm.xlane v36, v20  }
0xc5: {  	v36 =	vadd.f32 v60, v18;
	v18 =	vperm.xlane v35, v20;
	v59 =	vperm.xlane v11, v20;
	v11 =	vld [tilespmem:$0x1FFF0]  }
0xc6: {  	v61 =	vadd.f32 v22, v5;
	v26 =	vperm.xlane v34, v20;
	v5 =	vmul.f32 v17, v53  }
0xc7: {  	v14 =	vperm.xlane v14, v20;
	v15 =	vperm.xlane v15, v20  }
0xc8: {  	v31 =	vperm.xlane v27, v20;
	v34 =	vadd.f32 v5, v38;
	v5 =	vmul.f32 v19, v53  }
0xc9: {  	v7 =	vperm.xlane v7, v20;
	v17 =	vmul.f32 v17, v28  }
0xca: {  	[tilespmem:$0x1FEF0] =	vst v33;
	v33 =	vadd.f32 v5, v42;
	v5 =	vmul.f32 v26, v53;
	v60 =	vperm.xlane v11, v20  }
0xcb: {  	v3 =	vadd.f32 v25, v3;
	v20 =	vmul.f32 v18, v53;
	v18 =	vmul.f32 v18, v28  }
0xcc: {  	v25 =	vadd.f32 v17, v39;
	v17 =	vmul.f32 v19, v28;
	v35 =	vadd.f32 v5, v44  }
0xcd: {  	v5 =	vmul.f32 v15, v53;
	v62 =	vadd.f32 v18, v41;
	v18 =	vmul.f32 v26, v28  }
0xce: {  	v26 =	vadd.f32 v17, v43;
	v17 =	vmul.f32 v14, v53;
	v14 =	vmul.f32 v14, v28;
	_ =	sdelay $0x1  }
0xcf: {  	v5 =	vadd.f32 v5, v48;
	v38 =	vadd.f32 v14, v47;
	v14 =	vmul.f32 v15, v28  }
0xd0: {  	s14 =	simm.s32 $0x4000;
	v4 =	vadd.f32 v24, v4;
	v24 =	vadd.f32 v20, v40  }
0xd1: {  	s16 =	simm.s32 $0x800;
	s5 =	sand.u32 $0x6000, s14;
	[tilespmem:$0x1FF00] =	vst v5;
	v5 =	vmul.f32 v31, v53;
	v27 =	vadd.f32 v18, v45;
	v11 =	vadd.f32 v14, v50  }
0xd2: {  	[tilespmem:$0x1FEC0] =	vst v32;
	s4 =	sand.u32 $0x380, s16;
	s5 =	sadd.s32 s5, s13;
	v37 =	vadd.f32 v17, v46;
	v15 =	vmul.f32 v31, v28;
	v17 =	vmul.f32 v49, v28  }
0xd3: {  	s4 =	sadd.s32 s4, s5;
	v14 =	vmul.f32 v49, v53;
	[tilespmem:$0x1FF10] =	vst v11;
	v11 =	vadd.f32 v5, v9;
	v5 =	vmul.f32 v54, v53  }
0xd4: {  	v32 =	vld.idx.msk [tilespmem:v32+s4+$0x0 ss:$0x1], $0xffff;
	v22 =	vadd.f32 v15, v13;
	v20 =	vadd.f32 v17, v23;
	v9 =	vmul.f32 v54, v28  }
0xd5: {  	v44 =	vld [tilespmem:s15+$0x14130];
	v23 =	vmul.f32 v59, v28;
	v19 =	vadd.f32 v5, v2;
	v2 =	vmul.f32 v55, v53  }
0xd6: {  	v40 =	vld [tilespmem:s15+$0x140B0];
	v5 =	vmul.f32 v55, v28;
	v18 =	vadd.f32 v9, v10;
	v9 =	vmul.f32 v56, v53  }
0xd7: {  	v21 =	vadd.f32 v14, v16;
	v54 =	vld [tilespmem:s15+$0x140D0];
	v10 =	vmul.f32 v56, v28;
	v17 =	vadd.f32 v2, v8  }
0xd8: {  	v55 =	vld [tilespmem:s15+$0x140F0];
	v16 =	vadd.f32 v5, v30;
	v2 =	vmul.f32 v7, v53;
	v15 =	vadd.f32 v9, v12  }
0xd9: {  	v56 =	vld [tilespmem:s15+$0x14110];
	v14 =	vadd.f32 v10, v1;
	v1 =	vmul.f32 v7, v28;
	v5 =	vmul.f32 v58, v28  }
0xda: {  	v8 =	vadd.f32 v23, v57;
	v57 =	vld [tilespmem:s15+$0x14170];
	v13 =	vadd.f32 v2, v36;
	v2 =	vmul.f32 v58, v53  }
0xdb: {  	v12 =	vadd.f32 v1, v52;
	v1 =	vmul.f32 v59, v53;
	v10 =	vadd.f32 v5, v63;
	v63 =	vld [tilespmem:s15+$0x14150]  }
0xdc: {  	v58 =	vld [tilespmem:s15+$0x14190];
	v30 =	vadd.f32 v2, v0;
	v0 =	vmul.f32 v60, v28  }
0xdd: {  	s2 =	simm.s32 $0x0;
	v2 =	vmul.f32 v60, v53;
	v9 =	vadd.f32 v1, v6;
	v1 =	vld [tilespmem:s15+$0x14050]  }
0xde: {  	v6 =	vadd.f32 v0, v61;
	v0 =	vld [tilespmem:s15+$0x14010];
	v61 =	vmov s2  }
0xdf: {  	v7 =	vadd.f32 v2, v4;
	v4 =	vld [tilespmem:$0x1FEF0];
	v36 =	vand.u32 $0xF, v61  }
0xe0: {  	v2 =	vld [tilespmem:s15+$0x14070];
	v45 =	vbroadcast v36, $0x0  }
0xe1: {  	v28 =	vmul.f32 v51, v53;
	v23 =	vmov v30;
	v30 =	vld [tilespmem:s15+$0x14090]  }
0xe2: {  	v59 =	vld [tilespmem:s15+$0x141B0];
	v1 =	vperm.xlane v1, v45;
	v40 =	vperm.xlane v40, v45  }
0xe3: {  	v5 =	vadd.f32 v28, v3;
	v3 =	vld [tilespmem:s15+$0x141F0];
	v41 =	vperm.xlane v54, v45;
	v42 =	vperm.xlane v55, v45  }
0xe4: {  	v55 =	vperm.xlane v56, v45;
	v44 =	vperm.xlane v44, v45  }
0xe5: {  	v46 =	vperm.xlane v63, v45;
	v47 =	vperm.xlane v57, v45;
	[tilespmem:$0x1FF30] =	vst v0;
	v0 =	vld [tilespmem:s15+$0x14030]  }
0xe6: {  	v2 =	vperm.xlane v2, v45;
	v60 =	vperm.xlane v30, v45;
	v30 =	vld [tilespmem:s15+$0x141D0]  }
0xe7: {  	v39 =	vperm.xlane v58, v45;
	v48 =	vperm.xlane v59, v45;
	v28 =	vld.idx.msk [tilespmem:v4+s4+$0x0 ss:$0x1], $0xffff  }
0xe8: {  	v36 =	vperm.xlane v3, v45;
	v3 =	vld [tilespmem:$0x1FF30];
	v59 =	vmul.f32 v2, v32  }
0xe9: {  	v56 =	vmul.f32 v1, v32;
	v51 =	vmul.f32 v60, v32  }
0xea: {  	v31 =	vmul.f32 v40, v32;
	v35 =	vadd.f32 v59, v35;
	v59 =	vmul.f32 v55, v32  }
0xeb: {  	v37 =	vadd.f32 v51, v37;
	v51 =	vmul.f32 v46, v32;
	v0 =	vperm.xlane v0, v45  }
0xec: {  	v43 =	vperm.xlane v30, v45;
	v1 =	vmul.f32 v1, v28  }
0xed: {  	v30 =	vperm.xlane v3, v45;
	v63 =	vmul.f32 v0, v32  }
0xee: {  	v61 =	vmul.f32 v36, v28;
	v0 =	vmul.f32 v0, v28;
	v26 =	vadd.f32 v1, v26;
	v1 =	vld [tilespmem:$0x1FF00]  }
0xef: {  	v52 =	vld [tilespmem:s15+$0x14030];
	v57 =	vmul.f32 v30, v32;
	v58 =	vmul.f32 v30, v28  }
0xf0: {  	v53 =	vld [tilespmem:s15+$0x14050];
	v2 =	vmul.f32 v2, v28;
	v50 =	vmul.f32 v60, v28  }
0xf1: {  	v54 =	vld [tilespmem:s15+$0x14070];
	v33 =	vadd.f32 v56, v33;
	v40 =	vmul.f32 v40, v28;
	v60 =	vmul.f32 v55, v28  }
0xf2: {  	v56 =	vld [tilespmem:s15+$0x14090];
	v55 =	vmul.f32 v44, v32;
	v30 =	vadd.f32 v63, v24;
	v3 =	vadd.f32 v61, v29  }
0xf3: {  	[tilespmem:$0x1FF20] =	vst v11;
	v63 =	vmul.f32 v41, v28;
	v29 =	vadd.f32 v50, v38;
	v38 =	vadd.f32 v31, v1;
	v1 =	vld [tilespmem:$0x1FF10]  }
0xf4: {  	v11 =	vmovc v5;
	v45 =	vld [tilespmem:s15+$0x140D0];
	v5 =	vadd.f32 v0, v62;
	v0 =	vmul.f32 v41, v32;
	v61 =	vmul.f32 v42, v32  }
0xf5: {  	v24 =	vld [tilespmem:$0x1FF20];
	v25 =	vadd.f32 v58, v25;
	v62 =	vmul.f32 v42, v28;
	v58 =	vmul.f32 v44, v28  }
0xf6: {  	[tilespmem:$0x1FEE0] =	vst v11;
	v34 =	vadd.f32 v57, v34;
	v57 =	vld [tilespmem:s15+$0x140B0];
	v50 =	vmul.f32 v46, v28;
	v44 =	vmul.f32 v47, v32  }
0xf7: {  	s17 =	simm.s32 $0x4400;
	v11 =	vmovc v23;
	v27 =	vadd.f32 v2, v27;
	v46 =	vld [tilespmem:s15+$0x140F0];
	v42 =	vmul.f32 v47, v28;
	v41 =	vmul.f32 v39, v32  }
0xf8: {  	s14 =	sand.u32 $0x6000, s17;
	s5 =	simm.s32 $0x880;
	s4 =	simm.s32 $0x4800;
	v47 =	vld [tilespmem:s15+$0x14110];
	[tilespmem:$0x1FED0] =	vst v3;
	v31 =	vadd.f32 v40, v1;
	v40 =	vmul.f32 v39, v28;
	v39 =	vmul.f32 v48, v32  }
.LBB2_9:
0xf9: {  	v1 =	vld [tilespmem:s15+$0x14130];
	v2 =	vmul.f32 v43, v32;
	v49 =	vmul.f32 v43, v28  }
0xfa: {  	s2 =	sadd.s32 $0x1, s2;
	v3 =	vld [tilespmem:$0x1FEC0];
	v24 =	vadd.f32 v0, v24;
	v0 =	vmul.f32 v48, v28;
	v22 =	vadd.f32 v63, v22  }
0xfb: {  	v48 =	vld [tilespmem:s15+$0x141F0];
	v63 =	vmul.f32 v36, v32;
	v43 =	vmov s2;
	v20 =	vadd.f32 v62, v20  }
0xfc: {  	v19 =	vadd.f32 v59, v19;
	v17 =	vadd.f32 v55, v17;
	v55 =	vld [tilespmem:s15+$0x14170];
	v36 =	vand.u32 $0xF, v43  }
0xfd: {  	v18 =	vadd.f32 v60, v18;
	v15 =	vadd.f32 v51, v15;
	v51 =	vld [tilespmem:s15+$0x14190];
	v59 =	vbroadcast v36, $0x0  }
0xfe: {  	v16 =	vadd.f32 v58, v16;
	v14 =	vadd.f32 v50, v14;
	v58 =	vld [tilespmem:s15+$0x141B0]  }
0xff: {  	v13 =	vadd.f32 v44, v13;
	v60 =	vld [tilespmem:s15+$0x141D0];
	v50 =	vperm.xlane v52, v59;
	v44 =	vperm.xlane v53, v59  }
0x100: {  	s16 =	sand.u32 $0x380, s5;
	s14 =	sadd.s32 s14, s13;
	v12 =	vadd.f32 v42, v12;
	v43 =	vld [tilespmem:s15+$0x14150];
	v52 =	vperm.xlane v54, v59;
	v42 =	vperm.xlane v56, v59  }
0x101: {  	s14 =	sadd.s32 s16, s14;
	v8 =	vadd.f32 v0, v8;
	v0 =	vld [tilespmem:$0x1FF30];
	v62 =	vperm.xlane v57, v59;
	v45 =	vperm.xlane v45, v59  }
0x102: {  	v10 =	vadd.f32 v40, v10;
	v28 =	vld.idx.msk [tilespmem:v4+s14+$0x0 ss:$0x1], $0xffff;
	v40 =	vperm.xlane v46, v59;
	v46 =	vperm.xlane v47, v59  }
0x103: {  	v1 =	vperm.xlane v1, v59;
	v36 =	vperm.xlane v48, v59  }
0x104: {  	v9 =	vadd.f32 v39, v9;
	v39 =	vperm.xlane v55, v59;
	v23 =	vperm.xlane v51, v59;
	v32 =	vld.idx.msk [tilespmem:v3+s14+$0x0 ss:$0x1], $0xffff  }
0x105: {  	v48 =	vperm.xlane v58, v59;
	v47 =	vperm.xlane v43, v59;
	v3 =	vld [tilespmem:$0x1FED0]  }
0x106: {  	v21 =	vadd.f32 v61, v21;
	v43 =	vperm.xlane v60, v59;
	v0 =	vperm.xlane v0, v59  }
0x107: {  	v11 =	vadd.f32 v41, v11;
	v61 =	vmul.f32 v36, v28;
	v56 =	vmul.f32 v50, v28  }
0x108: {  	v6 =	vadd.f32 v49, v6;
	v49 =	vmul.f32 v52, v28;
	v4 =	vmul.f32 v62, v28  }
0x109: {  	v7 =	vadd.f32 v2, v7;
	v60 =	vmul.f32 v46, v28;
	v2 =	vmul.f32 v50, v32  }
0x10a: {  	v3 =	vadd.f32 v61, v3;
	v57 =	vmul.f32 v44, v32;
	v58 =	vmul.f32 v0, v32  }
0x10b: {  	v5 =	vadd.f32 v56, v5;
	v0 =	vmul.f32 v0, v28;
	v59 =	vmul.f32 v52, v32  }
0x10c: {  	v27 =	vadd.f32 v49, v27;
	v51 =	vmul.f32 v42, v32;
	v42 =	vmul.f32 v42, v28;
	[tilespmem:$0x1FED0] =	vst v3;
	v3 =	vld [tilespmem:$0x1FEE0]  }
0x10d: {  	v53 =	vld [tilespmem:s15+$0x14050];
	v31 =	vadd.f32 v4, v31;
	v61 =	vmul.f32 v40, v32;
	v55 =	vmul.f32 v1, v32  }
0x10e: {  	v54 =	vld [tilespmem:s15+$0x14070];
	v50 =	vmul.f32 v47, v28;
	v41 =	vmul.f32 v23, v32;
	v30 =	vadd.f32 v2, v30  }
0x10f: {  	v56 =	vld [tilespmem:s15+$0x14090];
	v2 =	vmul.f32 v44, v28;
	v34 =	vadd.f32 v58, v34;
	v25 =	vadd.f32 v0, v25  }
0x110: {  	p0 =	sne.s32 s4, $0x7C00;
	v4 =	vld [tilespmem:$0x1FEF0];
	v33 =	vadd.f32 v57, v33;
	v0 =	vmul.f32 v45, v32;
	v35 =	vadd.f32 v59, v35  }
.Ltmp2:
0x111: {  	v52 =	vld [tilespmem:s15+$0x14030];
	v59 =	vmul.f32 v46, v32;
	v58 =	vmul.f32 v1, v28;
	v3 =	vadd.f32 v63, v3;
	(pc) =	sbr.rel @p0 .LBB2_9-.Ltmp2, $4  }
0x112: {  	v57 =	vld [tilespmem:s15+$0x140B0];
	v37 =	vadd.f32 v51, v37;
	v51 =	vmul.f32 v47, v32;
	v44 =	vmul.f32 v39, v32  }
0x113: {  	v29 =	vadd.f32 v42, v29;
	v46 =	vld [tilespmem:s15+$0x140F0];
	v42 =	vmul.f32 v39, v28;
	[tilespmem:$0x1FEE0] =	vst v3;
	v3 =	vmul.f32 v62, v32  }
0x114: {  	v47 =	vld [tilespmem:s15+$0x14110];
	v39 =	vmul.f32 v48, v32;
	v26 =	vadd.f32 v2, v26;
	v63 =	vmul.f32 v45, v28  }
0x115: {  	s5 =	sadd.s32 $0x80, s5;
	s14 =	sand.u32 $0x6000, s4;
	s4 =	sadd.s32 $0x400, s4;
	v45 =	vld [tilespmem:s15+$0x140D0];
	v62 =	vmul.f32 v40, v28;
	v40 =	vmul.f32 v23, v28;
	v38 =	vadd.f32 v3, v38  }
0x116: {  	v2 =	vld [tilespmem:$0x1FEC0];
	_ =	sdelay $0x5  }
0x117: {  	s4 =	sadd.s32 s14, s13;
	s5 =	sand.u32 $0x380, s5;
	s2 =	sadd.s32 $0x1, s2;
	v3 =	vmul.f32 v48, v28  }
0x118: {  	v48 =	vmul.f32 v43, v28;
	v28 =	vmul.f32 v43, v32;
	v43 =	vld [tilespmem:$0x1FF30];
	s4 =	sadd.s32 s5, s4;
	v1 =	vmov s2  }
0x119: {  	v23 =	vand.u32 $0xF, v1;
	v49 =	vld.idx.msk [tilespmem:v2+s4+$0x0 ss:$0x1], $0xffff  }
0x11a: {  	v2 =	vbroadcast v23, $0x0;
	v23 =	vld [tilespmem:s15+$0x14130];
	_ =	sdelay $0x1  }
0x11b: {  	[tilespmem:$0x1FEA0] =	vst v48;
	v48 =	vld [tilespmem:s15+$0x141F0];
	_ =	sdelay $0x1  }
0x11c: {  	v43 =	vperm.xlane v43, v2  }
0x11d: {  	v1 =	vld.idx.msk [tilespmem:v4+s4+$0x0 ss:$0x1], $0xffff;
	v54 =	vperm.xlane v54, v2;
	[tilespmem:$0x1FE60] =	vst v23;
	v23 =	vmul.f32 v36, v32  }
0x11e: {  	[tilespmem:$0x1FE90] =	vst v28;
	v36 =	vperm.xlane v52, v2;
	v28 =	vmul.f32 v43, v49  }
0x11f: {  	[tilespmem:$0x1FE70] =	vst v48;
	v48 =	vadd.f32 v63, v22;
	v63 =	vld [tilespmem:s15+$0x14190];
	v32 =	vadd.f32 v0, v24;
	v24 =	vmul.f32 v54, v49  }
0x120: {  	v52 =	vld [tilespmem:s15+$0x14150];
	[tilespmem:$0x1FEB0] =	vst v23;
	v23 =	vperm.xlane v53, v2;
	v22 =	vmul.f32 v36, v49;
	v4 =	vadd.f32 v28, v34  }
0x121: {  	v53 =	vld [tilespmem:s15+$0x14170];
	v34 =	vperm.xlane v56, v2;
	v28 =	vadd.f32 v61, v21;
	v61 =	vadd.f32 v62, v20  }
0x122: {  	[tilespmem:$0x1FE80] =	vst v3;
	v56 =	vld [tilespmem:s15+$0x141B0];
	v3 =	vadd.f32 v24, v35;
	v62 =	vmul.f32 v36, v1;
	v0 =	vmul.f32 v23, v49  }
0x123: {  	v22 =	vadd.f32 v22, v30;
	v30 =	vperm.xlane v57, v2;
	v57 =	vld [tilespmem:s15+$0x141D0];
	[tilespmem:s3+$0x0] =	vst v4  }
0x124: {  	[tilespmem:s3+$0x180] =	vst v3;
	v3 =	vadd.f32 v62, v5;
	v0 =	vadd.f32 v0, v33;
	v33 =	vmul.f32 v34, v49  }
0x125: {  	v59 =	vadd.f32 v59, v19;
	v19 =	vperm.xlane v45, v2;
	[tilespmem:s3+$0x80] =	vst v22;
	v35 =	vmul.f32 v30, v49  }
0x126: {  	v47 =	vperm.xlane v47, v2;
	v43 =	vmul.f32 v43, v1;
	[tilespmem:s1+$0x80] =	vst v3;
	v4 =	vadd.f32 v33, v37  }
0x127: {  	v45 =	vmul.f32 v19, v49;
	v36 =	vmul.f32 v34, v1;
	[tilespmem:s3+$0x100] =	vst v0;
	v21 =	vadd.f32 v35, v38  }
0x128: {  	v35 =	vadd.f32 v55, v17;
	v0 =	vadd.f32 v43, v25;
	v17 =	vmul.f32 v23, v1;
	[tilespmem:s3+$0x200] =	vst v4  }
0x129: {  	v22 =	vadd.f32 v36, v29;
	v37 =	vadd.f32 v60, v18;
	v18 =	vmul.f32 v54, v1;
	[tilespmem:s3+$0x280] =	vst v21  }
0x12a: {  	v62 =	vadd.f32 v42, v12;
	v38 =	vmul.f32 v30, v1;
	v55 =	vld [tilespmem:$0x1FE60];
	v4 =	vadd.f32 v17, v26;
	[tilespmem:s1+$0x0] =	vst v0  }
0x12b: {  	v5 =	vmul.f32 v47, v1;
	v43 =	vperm.xlane v46, v2;
	v21 =	vadd.f32 v18, v27;
	[tilespmem:s1+$0x200] =	vst v22  }
0x12c: {  	v24 =	vperm.xlane v52, v2;
	v3 =	vadd.f32 v38, v31;
	v0 =	vmul.f32 v19, v1;
	[tilespmem:s1+$0x100] =	vst v4  }
0x12d: {  	v46 =	vadd.f32 v50, v14;
	v50 =	vmul.f32 v43, v49;
	[tilespmem:s1+$0x180] =	vst v21;
	v4 =	vadd.f32 v45, v32  }
0x12e: {  	v33 =	vadd.f32 v58, v16;
	v54 =	vmul.f32 v43, v1;
	[tilespmem:s1+$0x280] =	vst v3;
	v0 =	vadd.f32 v0, v48  }
0x12f: {  	v60 =	vmul.f32 v47, v49;
	v58 =	vadd.f32 v50, v28;
	[tilespmem:s12+$0x0] =	vst v4;
	v4 =	vperm.xlane v55, v2  }
0x130: {  	v34 =	vmul.f32 v24, v49;
	v36 =	vmul.f32 v24, v1;
	v23 =	vadd.f32 v54, v61;
	[tilespmem:s9+$0x0] =	vst v0  }
0x131: {  	v26 =	vadd.f32 v51, v15;
	v27 =	vadd.f32 v60, v59;
	[tilespmem:s8+$0x0] =	vst v58;
	v28 =	vmul.f32 v4, v49  }
0x132: {  	v30 =	vadd.f32 v5, v37;
	v42 =	vadd.f32 v36, v46;
	v46 =	vld [tilespmem:$0x1FE70];
	v4 =	vmul.f32 v4, v1;
	[tilespmem:s7+$0x0] =	vst v23  }
0x133: {  	v51 =	vadd.f32 v44, v13;
	v31 =	vperm.xlane v53, v2;
	[tilespmem:s6+$0x0] =	vst v27;
	v32 =	vadd.f32 v28, v35  }
0x134: {  	v52 =	vld [tilespmem:$0x1FE80];
	v37 =	vperm.xlane v63, v2;
	v44 =	vperm.xlane v56, v2;
	v4 =	vadd.f32 v4, v33;
	[tilespmem:s11+$0x0] =	vst v30  }
0x135: {  	v56 =	vld [tilespmem:$0x1FEA0];
	v38 =	vadd.f32 v34, v26;
	v35 =	vadd.f32 v40, v10;
	v40 =	vmul.f32 v31, v49;
	[tilespmem:s10+$0x0] =	vst v32  }
0x136: {  	v29 =	vadd.f32 v41, v11;
	v43 =	vmul.f32 v31, v1;
	v45 =	vmul.f32 v37, v49;
	v54 =	vld [tilespmem:$0x1FE90];
	[tilespmem:s0+$0x0] =	vst v4  }
0x137: {  	v47 =	vperm.xlane v46, v2;
	v2 =	vperm.xlane v57, v2;
	v57 =	vld [tilespmem:$0x1FEE0];
	v3 =	vadd.f32 v40, v51;
	[tilespmem:s31+$0x0] =	vst v38  }
0x138: {  	v48 =	vmul.f32 v37, v1;
	v0 =	vadd.f32 v43, v62;
	v58 =	vld [tilespmem:$0x1FEB0];
	[tilespmem:s30+$0x0] =	vst v42  }
0x139: {  	v41 =	vadd.f32 v39, v9;
	v50 =	vadd.f32 v45, v29;
	v51 =	vmul.f32 v44, v49;
	[tilespmem:s29+$0x0] =	vst v3  }
0x13a: {  	v53 =	vmul.f32 v44, v1;
	v10 =	vadd.f32 v48, v35;
	[tilespmem:s28+$0x0] =	vst v0;
	v0 =	vadd.f32 v52, v8  }
0x13b: {  	v63 =	vld [tilespmem:$0x1FED0];
	v55 =	vmul.f32 v2, v49;
	v4 =	vadd.f32 v51, v41;
	v3 =	vadd.f32 v54, v7;
	[tilespmem:s26+$0x0] =	vst v50  }
0x13c: {  	s18 =	sadd.s32 $0x1, s18;
	v6 =	vadd.f32 v56, v6;
	v2 =	vmul.f32 v2, v1;
	[tilespmem:s25+$0x0] =	vst v10;
	v0 =	vadd.f32 v53, v0  }
0x13d: {  	p0 =	seq.s32 s18, $0x20;
	v59 =	vmul.f32 v47, v49;
	v3 =	vadd.f32 v55, v3;
	[tilespmem:s24+$0x0] =	vst v4;
	v4 =	vadd.f32 v58, v57  }
.Ltmp3:
0x13e: {  	v60 =	vmul.f32 v47, v1;
	v61 =	vadd.f32 v2, v6;
	[tilespmem:s19+$0x0] =	vst v0;
	(pc) =	sbr.rel @!p0 .LBB2_6-.Ltmp3, $4  }
0x13f: {  	[tilespmem:s20+$0x0] =	vst v3;
	v62 =	vadd.f32 v59, v4  }
0x140: {  	v0 =	vadd.f32 v60, v63;
	[tilespmem:s21+$0x0] =	vst v61  }
0x141: {  	[tilespmem:s22+$0x0] =	vst v62  }
0x142: {  	[tilespmem:s23+$0x0] =	vst v0  }
0x143: {  	s1 =	rddreg [dreg:$0xa]  }
0x144: {  	p0 =	seq.s32 s1, $0x4  }
.Ltmp4:
0x145: {  	_ = 	snop;
	(pc) =	sbr.rel @!p0 .LBB2_5-.Ltmp4, $1  }
0x146: {  	_ =	sdelay $0x3  }
0x147: {  	s6 =	simm.s32 $0x0;
	s0 =	rddreg [dreg:$0x7];
	s1 =	simm.s32 $0x5  }
0x148: {  	[hbm4b:s0+s6] =	stream.linear.scatter [tilespmem:s6], [sflag:$0x5], $0x4000, $0x38;
	[tilespmem:$0x14400] =	vst v63  }
0x149: {  	_ =	swait.ge [sflag:s1], $0x4000  }
0x14a: {  	s2 =	rddreg [dreg:$0x9]  }
0x14b: {  	s31 =	rddreg [dreg:$0x8];
	s2 =	sadd.s32 $0x1, s2  }
0x14c: {  	p0 =	sne.s32 s2, s31  }
.Ltmp5:
0x14d: {  	_ = 	snop;
	(pc) =	sbr.rel @p0 .LBB2_1-.Ltmp5, $3  }
0x14e: {  	_ =	sdelay $0x1  }
0x14f: {  	[sflag:s1] =	ssyncset.done $0x0  }
0x150: {  	v0 =	vimm.f32 $0.0e+00;
	[sflag:s1] =	ssyncadd.s32 $0xFFFFC000  }
0x151: {  	_ =	sfence.sel $0x180000  }
0x152: {  	[bflag:$0x0] =	sbarrier.arrive $0xFFFF  }
0x153: {  	_ =	strace $0x90000047  }
0x154: {  	s0 =	stileid.u32;
	[bflag:$0x2] =	sbarrier.arrive $0xFFFF  }
0x155: {  	p0 =	sne.s32 s0, $0x0;
	s0 =	rddreg [dreg:$0x2]  }
0x156: {  	s0 =	sadd.s32 @!p0 $0x100000, s0  }
0x157: {  	[sflag:s0] =	ssyncadd.tile.s32 @!p0 $0x1;
	_ =	shalt  }
.Lfunc_end2:
_tile_overlayer_lowered:
.L_overlay_start_2:
0x158: {  	(tag) =	ssettag $0x2  }
0x159: {  	s0 =	rddreg [dreg:$0x0];
	s2 =	stileid.u32  }
0x15a: {  	s1 =	rddreg [dreg:$0x1];
	p0 =	sne.s32 s2, $0x0  }
0x15b: {  	s3 =	rddreg [dreg:$0x2];
	[bflag:$0x3] =	sbarrier.arrive $0xFFFF;
	s2 =	simm.s32 @!p0 $0x1C05  }
0x15c: {  	[timem:s3], [sflag:s2] =	dma.local @!p0 [hbm:s0], s1  }
0x15d: {  	s0 =	simm.s32 @!p0 $0x5  }
0x15e: {  	_ =	swait.ge @!p0 [sflag:s0], s1  }
0x15f: {  	s1 =	ssub.s32 @!p0 $0x0, s1;
	[sflag:s0] =	ssyncset.done @!p0 $0x0  }
0x160: {  	[sflag:s0] =	ssyncadd.s32 @!p0 s1  }
0x161: {  	[bflag:$0x3] =	sbarrier.arrive $0xFFFF  }
0x162: {  	_ =	shalt  }

</sc_bundles>
